<compile_context>
chip_gen: v7x
topology: tpu7x:2x2x1
jax: 0.10.2.dev20260603
libtpu: 0.0.44.dev20260713+nightly
codegen_flags: <defaults>
</compile_context>

<pallas_src>
import jax
import jax.numpy as jnp
from jax import lax
from jax.experimental import pallas as pl
from jax.experimental.pallas import tpu as pltpu
from jax.experimental.pallas import tpu_sc as plsc

N = 10000
E = 320000
D = 128
NP = 10240
DR = NP // 16

NC = 2
NS = 16
NW = NC * NS
EPW = E // NW
G = 80
NG = EPW // G
NA = 63
NCH = N // G
CPS = -(-NCH // NS)
DRS = DR // NS


def _sc_body(x_hbm, ei_hbm,
             agg_hbm, deg_hbm,
             src_v, dst_v, rows_v, deg_v, idx_v, acc_sh, degsh,
             sem, sem2, sem3, sem4):
    c = lax.axis_index("c")
    s = lax.axis_index("s")
    w = c * NS + s

    zeros16 = jnp.zeros((16,), jnp.float32)
    ones16 = jnp.ones((16,), jnp.float32)
    iota16 = lax.iota(jnp.int32, 16)

    rows_a = rows_v.at[0]
    rows_b = rows_v.at[1]
    zbuf = rows_a

    pltpu.async_copy(ei_hbm.at[0, pl.ds(w * EPW, NA * G)], src_v, sem3)
    pltpu.async_copy(ei_hbm.at[1, pl.ds(w * EPW, EPW)], dst_v, sem4)

    def zero_deg(r, _):
        deg_v[r] = zeros16
        return 0
    lax.fori_loop(0, DR, zero_deg, 0)
    pltpu.sync_copy(deg_v.at[pl.ds(s * DRS, DRS), :],
                    degsh.at[pl.ds(s * DRS, DRS), :])

    def zero_rows(i, _):
        for k in range(D // 16):
            zbuf[i, pl.ds(k * 16, 16)] = zeros16
        return 0
    lax.fori_loop(0, G, zero_rows, 0)

    def zero_acc(j, _):
        ch = s + j * NS

        @pl.when(ch < NCH)
        def _():
            pltpu.async_copy(zbuf, acc_sh.at[pl.ds(ch * G, G), :], sem)
        return 0
    lax.fori_loop(0, CPS, zero_acc, 0)

    def zero_acc_wait(j, _):
        ch = s + j * NS

        @pl.when(ch < NCH)
        def _():
            pltpu.make_async_copy(
                zbuf, acc_sh.at[pl.ds(ch * G, G), :], sem).wait()
        return 0
    lax.fori_loop(0, CPS, zero_acc_wait, 0)

    for r in range(5):
        for k in range(8):
            idx_v[r, pl.ds(k * 16, 16)] = r * 128 + k * 16 + iota16

    pltpu.make_async_copy(
        ei_hbm.at[0, pl.ds(w * EPW, NA * G)], src_v, sem3).wait()
    pltpu.make_async_copy(
        ei_hbm.at[1, pl.ds(w * EPW, EPW)], dst_v, sem4).wait()

    plsc.subcore_barrier()

    H = G // 2

    def start(g, srow, buf, s_):
        pltpu.async_copy(
            x_hbm.at[src_v.at[pl.ds(srow * G, H)]], buf.at[pl.ds(0, H)], s_)
        pltpu.async_copy(
            x_hbm.at[src_v.at[pl.ds(srow * G + H, H)]],
            buf.at[pl.ds(H, H)], s_)
        for k in range(G // 16):
            d16 = dst_v[pl.ds(g * G + k * 16, 16)]
            plsc.addupdate_scatter(
                deg_v, [lax.shift_right_logical(d16, 4),
                        lax.bitwise_and(d16, 15)], ones16)

    def finish(g, srow, buf, s_):
        pltpu.make_async_copy(
            x_hbm.at[src_v.at[pl.ds(srow * G, H)]],
            buf.at[pl.ds(0, H)], s_).wait()
        pltpu.make_async_copy(
            x_hbm.at[src_v.at[pl.ds(srow * G + H, H)]],
            buf.at[pl.ds(H, H)], s_).wait()
        pltpu.sync_copy(buf, acc_sh.at[dst_v.at[pl.ds(g * G, G)]], add=True)

    start(0, 0, rows_a, sem)

    def pair_a(i, _):
        g = 2 * i
        start(g + 1, g + 1, rows_b, sem2)
        finish(g, g, rows_a, sem)
        start(g + 2, g + 2, rows_a, sem)
        finish(g + 1, g + 1, rows_b, sem2)
        return 0
    lax.fori_loop(0, (NA - 1) // 2, pair_a, 0)
    finish(NA - 1, NA - 1, rows_a, sem)

    pltpu.sync_copy(ei_hbm.at[0, pl.ds(w * EPW + NA * G, (NG - NA) * G)],
                    src_v.at[pl.ds(0, (NG - NA) * G)])

    start(NA, 0, rows_a, sem)

    def pair_b(i, _):
        g = NA + 2 * i
        start(g + 1, g + 1 - NA, rows_b, sem2)
        finish(g, g - NA, rows_a, sem)
        start(g + 2, g + 2 - NA, rows_a, sem)
        finish(g + 1, g + 1 - NA, rows_b, sem2)
        return 0
    lax.fori_loop(0, (NG - NA) // 2 - 1, pair_b, 0)
    start(NG - 1, NG - 1 - NA, rows_b, sem2)
    finish(NG - 2, NG - 2 - NA, rows_a, sem)
    finish(NG - 1, NG - 1 - NA, rows_b, sem2)

    plsc.subcore_barrier()

    for r in range(5):
        pltpu.async_copy(deg_v.at[pl.ds(r * 128, 128), :],
                         degsh.at[idx_v.at[r]], sem, add=True)
    for r in range(5):
        pltpu.make_async_copy(deg_v.at[pl.ds(r * 128, 128), :],
                              degsh.at[idx_v.at[r]], sem).wait()

    plsc.subcore_barrier()

    def wb_fire(j, _):
        ch = s + j * NS

        @pl.when(ch < NCH)
        def _():
            pltpu.async_copy(acc_sh.at[pl.ds(ch * G, G), :],
                             agg_hbm.at[c, pl.ds(ch * G, G), :], sem)
        return 0
    lax.fori_loop(0, CPS, wb_fire, 0)

    def wb_drain(j, _):
        ch = s + j * NS

        @pl.when(ch < NCH)
        def _():
            pltpu.make_async_copy(
                acc_sh.at[pl.ds(ch * G, G), :],
                agg_hbm.at[c, pl.ds(ch * G, G), :], sem).wait()
        return 0
    lax.fori_loop(0, CPS, wb_drain, 0)

    pltpu.sync_copy(degsh.at[pl.ds(s * DRS, DRS), :],
                    deg_v.at[pl.ds(0, DRS), :])
    pltpu.sync_copy(deg_v.at[pl.ds(0, DRS), :],
                    deg_hbm.at[c, pl.ds(s * DRS, DRS), :])


@jax.jit
def _sc_aggregate(x, ei):
    mesh = plsc.VectorSubcoreMesh(core_axis_name="c", subcore_axis_name="s")
    f = pl.kernel(
        _sc_body,
        out_type=(
            jax.ShapeDtypeStruct((NC, N, D), jnp.float32),
            jax.ShapeDtypeStruct((NC, DR, 16), jnp.float32),
        ),
        mesh=mesh,
        compiler_params=pltpu.CompilerParams(
            use_tc_tiling_on_sc=False, needs_layout_passes=False),
        scratch_types=[
            pltpu.VMEM((NA * G,), jnp.int32),
            pltpu.VMEM((EPW,), jnp.int32),
            pltpu.VMEM((2, G, D), jnp.float32),
            pltpu.VMEM((DR, 16), jnp.float32),
            pltpu.VMEM((5, 128), jnp.int32),
            pltpu.VMEM_SHARED((N, D), jnp.float32),
            pltpu.VMEM_SHARED((DR, 16), jnp.float32),
            pltpu.SemaphoreType.DMA,
            pltpu.SemaphoreType.DMA,
            pltpu.SemaphoreType.DMA,
            pltpu.SemaphoreType.DMA,
        ],
    )
    return f(x, ei)


def _tc_body(agg_ref, deg_ref, x_ref, w_ref, b_ref, o_ref):
    agg = agg_ref[0] + agg_ref[1] + x_ref[...]
    deg = deg_ref[...]
    inv = 1.0 / (deg[0] + deg[1] + 1.0)
    h = agg * inv[:, None]
    o_ref[...] = (
        jnp.dot(h, w_ref[...], preferred_element_type=jnp.float32) + b_ref[...]
    )


def _tc_finish(agg_p, deg_p, x, W, b2):
    blk = 2048
    grid = NP // blk
    return pl.pallas_call(
        _tc_body,
        grid=(grid,),
        in_specs=[
            pl.BlockSpec((NC, blk, D), lambda i: (0, i, 0)),
            pl.BlockSpec((NC, blk), lambda i: (0, i)),
            pl.BlockSpec((blk, D), lambda i: (i, 0)),
            pl.BlockSpec((D, D), lambda i: (0, 0)),
            pl.BlockSpec((1, D), lambda i: (0, 0)),
        ],
        out_specs=pl.BlockSpec((blk, D), lambda i: (i, 0)),
        out_shape=jax.ShapeDtypeStruct((N, D), jnp.float32),
    )(agg_p, deg_p, x, W, b2)


def kernel(x, edge_index, W, b):
    agg_p, deg_p = _sc_aggregate(x, edge_index)
    return _tc_finish(agg_p, deg_p.reshape(NC, NP), x, W, b.reshape(1, D))

# --- scband reference (transcript-rebuilt; emitter-appended) ---
"""Pipeline reference for scband-graph-sagemodel-72619307041226 (READ-ONLY COPY).

The authoritative reference and input builder live on the scoring server;
editing this copy changes nothing except your own understanding.
"""

import jax, jax.numpy as jnp
import numpy as np

N = 10000
E = 320000
D_IN = 128
D_OUT = 128

def setup_inputs(seed: int = 0) -> dict:
    key = jax.random.key(seed)
    k1, k2, k3, k4 = jax.random.split(key, 4)
    x = jax.random.normal(k1, (N, D_IN), dtype=jnp.float32)
    edge_index = jax.random.randint(k2, (2, E), 0, N, dtype=jnp.int32)
    # DGL SAGEConv('gcn') has a single fc_neigh linear layer (no fc_self) plus bias
    W = jax.random.normal(k3, (D_IN, D_OUT), dtype=jnp.float32) * (1.0 / np.sqrt(D_IN))
    b = jnp.zeros((D_OUT,), dtype=jnp.float32)
    return {"x": x, "edge_index": edge_index, "W": W, "b": b}

def reference(x, edge_index, W, b):
    # DGL SAGEConv with aggregator_type='gcn':
    #   h_neigh = (sum_{u in N(v)} x_u + x_v) / (in_degree(v) + 1)
    #   out = fc_neigh(h_neigh) + bias
    src = edge_index[0]
    dst = edge_index[1]
    msg = jnp.take(x, src, axis=0)                      # gather  [E, D_IN]
    agg = jnp.zeros((N, D_IN), dtype=x.dtype).at[dst].add(msg)   # scatter-add
    deg = jnp.zeros((N,), dtype=x.dtype).at[dst].add(1.0)        # in-degrees
    h = (agg + x) / (deg[:, None] + 1.0)
    return h @ W + b

if __name__ == "__main__":
    import jax
    _d = setup_inputs()
    print(jax.jit(kernel)(*tuple(_d.values())))

</pallas_src>

<mosaic_0001>
#map = affine_map<(d0, d1) -> (0, 0)>
#map1 = affine_map<(d0, d1) -> (0, 0, 0)>
module attributes {stable_mosaic.version = 14 : i64} {
  func.func @_sc_body(%arg0: i32, %arg1: i32, %arg2: memref<10000x128xf32, #tpu.memory_space<hbm>>, %arg3: memref<2x320000xi32, #tpu.memory_space<hbm>>, %arg4: memref<2x10000x128xf32, #tpu.memory_space<hbm>>, %arg5: memref<2x640x16xf32, #tpu.memory_space<hbm>>, %arg6: memref<5040xi32, #tpu.memory_space<vmem>>, %arg7: memref<10000xi32, #tpu.memory_space<vmem>>, %arg8: memref<2x80x128xf32, #tpu.memory_space<vmem>>, %arg9: memref<640x16xf32, #tpu.memory_space<vmem>>, %arg10: memref<5x128xi32, #tpu.memory_space<vmem>>, %arg11: memref<10000x128xf32, #tpu.memory_space<vmem_shared>>, %arg12: memref<640x16xf32, #tpu.memory_space<vmem_shared>>, %arg13: memref<!tpu.dma_semaphore, #tpu.memory_space<semaphore_mem>>, %arg14: memref<!tpu.dma_semaphore, #tpu.memory_space<semaphore_mem>>, %arg15: memref<!tpu.dma_semaphore, #tpu.memory_space<semaphore_mem>>, %arg16: memref<!tpu.dma_semaphore, #tpu.memory_space<semaphore_mem>>) attributes {dimension_semantics = [#tpu.dimension_semantics<core_parallel>, #tpu.dimension_semantics<subcore_parallel>], iteration_bounds = array<i64: 2, 16>, scalar_prefetch = 0 : i64, scratch_operands = 11 : i64, tpu.core_type = #tpu.core_type<sc_vector_subcore>, window_params = [{transform_indices = #map}, {transform_indices = #map}, {transform_indices = #map1}, {transform_indices = #map1}]} {
    %mul3A = arith.constant 16 : i32
    %mul3A_0 = arith.muli %arg0, %mul3A : i32
    %add3A = arith.addi %mul3A_0, %arg1 : i32
    %broadcast_in_dim3A = arith.constant 0.000000e+00 : f32
    %broadcast_in_dim3A_1 = vector.broadcast %broadcast_in_dim3A : f32 to vector<16xf32>
    %broadcast_in_dim3A_2 = arith.constant 1.000000e+00 : f32
    %broadcast_in_dim3A_3 = vector.broadcast %broadcast_in_dim3A_2 : f32 to vector<16xf32>
    %iota3A = tpu.iota {dimensions = array<i32: 0>} : vector<16xi32>
    %mul3A_4 = arith.constant 10000 : i32
    %mul3A_5 = arith.muli %add3A, %mul3A_4 : i32
    %dma_start3A = arith.constant 0 : i32
    %dma_start3A_6 = tpu.memref_slice %arg3[%dma_start3A, %mul3A_5] : memref<2x320000xi32, #tpu.memory_space<hbm>> -> memref<1x5040xi32, #tpu.memory_space<hbm>>
    %dma_start3A_7 = tpu.memref_squeeze %dma_start3A_6 : memref<1x5040xi32, #tpu.memory_space<hbm>> -> memref<5040xi32, #tpu.memory_space<hbm>>
    %dma_start3A_8 = tpu.memref_slice %arg3[%dma_start3A, %mul3A_5] : memref<2x320000xi32, #tpu.memory_space<hbm>> -> memref<1x5040xi32, #tpu.memory_space<hbm>>
    %dma_start3A_9 = tpu.memref_squeeze %dma_start3A_8 : memref<1x5040xi32, #tpu.memory_space<hbm>> -> memref<5040xi32, #tpu.memory_space<hbm>>
    tpu.enqueue_dma source(%dma_start3A_9 : memref<5040xi32, #tpu.memory_space<hbm>>) target(%arg6 : memref<5040xi32, #tpu.memory_space<vmem>>) target_semaphore(%arg15 : memref<!tpu.dma_semaphore, #tpu.memory_space<semaphore_mem>>)
    %mul3A_10 = arith.constant 10000 : i32
    %mul3A_11 = arith.muli %add3A, %mul3A_10 : i32
    %dma_start3A_12 = arith.constant 1 : i32
    %dma_start3A_13 = tpu.memref_slice %arg3[%dma_start3A_12, %mul3A_11] : memref<2x320000xi32, #tpu.memory_space<hbm>> -> memref<1x10000xi32, #tpu.memory_space<hbm>>
    %dma_start3A_14 = tpu.memref_squeeze %dma_start3A_13 : memref<1x10000xi32, #tpu.memory_space<hbm>> -> memref<10000xi32, #tpu.memory_space<hbm>>
    %dma_start3A_15 = tpu.memref_slice %arg3[%dma_start3A_12, %mul3A_11] : memref<2x320000xi32, #tpu.memory_space<hbm>> -> memref<1x10000xi32, #tpu.memory_space<hbm>>
    %dma_start3A_16 = tpu.memref_squeeze %dma_start3A_15 : memref<1x10000xi32, #tpu.memory_space<hbm>> -> memref<10000xi32, #tpu.memory_space<hbm>>
    tpu.enqueue_dma source(%dma_start3A_16 : memref<10000xi32, #tpu.memory_space<hbm>>) target(%arg7 : memref<10000xi32, #tpu.memory_space<vmem>>) target_semaphore(%arg16 : memref<!tpu.dma_semaphore, #tpu.memory_space<semaphore_mem>>)
    %scan3A = arith.constant 0 : i32
    %scan3A_17 = arith.constant 0 : i32
    %scan3A_18 = arith.constant 640 : i32
    %scan3A_19 = arith.addi %scan3A_17, %scan3A_18 : i32
    %scan3A_20 = arith.constant 1 : i32
    %scan3A_21 = scf.for %scan3A_761 = %scan3A_17 to %scan3A_19 step %scan3A_20 iter_args(%scan3A_762 = %scan3A) -> (i32)  : i32 {
      %swap3A_763 = arith.index_cast %scan3A_761 : i32 to index
      %swap3A_764 = arith.constant 0 : index
      %swap3A_765 = tpu.vector_load %arg9[%swap3A_763, %swap3A_764] {strides = array<i32>} : memref<640x16xf32, #tpu.memory_space<vmem>>, vector<16xf32>,
      tpu.vector_store %arg9[%swap3A_763, %swap3A_764], %broadcast_in_dim3A_1 {strides = array<i32>} : memref<640x16xf32, #tpu.memory_space<vmem>>, vector<16xf32>,
      %scan3A_766 = arith.constant 0 : i32
      scf.yield %scan3A_766 : i32
    }
    %scan3A_22 = arith.constant 640 : i32
    %mul3A_23 = arith.constant 40 : i32
    %mul3A_24 = arith.muli %arg1, %mul3A_23 : i32
    %mul3A_25 = arith.constant 40 : i32
    %mul3A_26 = arith.muli %arg1, %mul3A_25 : i32
    "tpu.region"() ({
      %run_scoped3A_761 = tpu.sem_alloc : memref<!tpu.dma_semaphore, #tpu.memory_space<semaphore_mem>>
      %dma_start3A_762 = arith.constant 0 : i32
      %dma_start3A_763 = tpu.memref_slice %arg9[%mul3A_24, %dma_start3A_762] : memref<640x16xf32, #tpu.memory_space<vmem>> -> memref<40x16xf32, #tpu.memory_space<vmem>>
      %dma_start3A_764 = arith.constant 0 : i32
      %dma_start3A_765 = tpu.memref_slice %arg12[%mul3A_26, %dma_start3A_764] : memref<640x16xf32, #tpu.memory_space<vmem_shared>> -> memref<40x16xf32, #tpu.memory_space<vmem_shared>>
      %dma_start3A_766 = arith.constant 0 : i32
      %dma_start3A_767 = tpu.memref_slice %arg12[%mul3A_26, %dma_start3A_766] : memref<640x16xf32, #tpu.memory_space<vmem_shared>> -> memref<40x16xf32, #tpu.memory_space<vmem_shared>>
      %dma_start3A_768 = arith.constant 0 : i32
      %dma_start3A_769 = tpu.memref_slice %arg9[%mul3A_24, %dma_start3A_768] : memref<640x16xf32, #tpu.memory_space<vmem>> -> memref<40x16xf32, #tpu.memory_space<vmem>>
      tpu.enqueue_dma source(%dma_start3A_769 : memref<40x16xf32, #tpu.memory_space<vmem>>) target(%dma_start3A_767 : memref<40x16xf32, #tpu.memory_space<vmem_shared>>) target_semaphore(%run_scoped3A_761 : memref<!tpu.dma_semaphore, #tpu.memory_space<semaphore_mem>>)
      %dma_wait3A_770 = arith.constant 0 : i32
      %dma_wait3A_771 = tpu.memref_slice %arg9[%mul3A_24, %dma_wait3A_770] : memref<640x16xf32, #tpu.memory_space<vmem>> -> memref<40x16xf32, #tpu.memory_space<vmem>>
      %dma_wait3A_772 = arith.constant 0 : i32
      %dma_wait3A_773 = tpu.memref_slice %arg12[%mul3A_26, %dma_wait3A_772] : memref<640x16xf32, #tpu.memory_space<vmem_shared>> -> memref<40x16xf32, #tpu.memory_space<vmem_shared>>
      %dma_wait3A_774 = arith.constant 0 : i32
      %dma_wait3A_775 = tpu.memref_slice %arg12[%mul3A_26, %dma_wait3A_774] : memref<640x16xf32, #tpu.memory_space<vmem_shared>> -> memref<40x16xf32, #tpu.memory_space<vmem_shared>>
      %dma_wait3A_776 = arith.constant 0 : i32
      %dma_wait3A_777 = tpu.memref_slice %arg9[%mul3A_24, %dma_wait3A_776] : memref<640x16xf32, #tpu.memory_space<vmem>> -> memref<40x16xf32, #tpu.memory_space<vmem>>
      tpu.wait_dma2 semaphore(%run_scoped3A_761 : memref<!tpu.dma_semaphore, #tpu.memory_space<semaphore_mem>>) src(%dma_wait3A_777 : memref<40x16xf32, #tpu.memory_space<vmem>>) dst(%dma_wait3A_775 : memref<40x16xf32, #tpu.memory_space<vmem_shared>>)
      tpu.yield
    }) : () -> ()
    %scan3A_27 = arith.constant 0 : i32
    %scan3A_28 = arith.constant 0 : i32
    %scan3A_29 = arith.constant 0 : i32
    %scan3A_30 = arith.constant 80 : i32
    %scan3A_31 = arith.addi %scan3A_29, %scan3A_30 : i32
    %scan3A_32 = arith.constant 1 : i32
    %scan3A_33 = scf.for %scan3A_761 = %scan3A_29 to %scan3A_31 step %scan3A_32 iter_args(%scan3A_762 = %scan3A_28) -> (i32)  : i32 {
      %swap3A_763 = arith.constant 0 : i32
      %swap3A_764 = arith.constant 0 : i32
      %swap3A_765 = tpu.memref_slice %arg8[%scan3A_27, %swap3A_763, %swap3A_764] : memref<2x80x128xf32, #tpu.memory_space<vmem>> -> memref<1x80x128xf32, #tpu.memory_space<vmem>>
      %swap3A_766 = tpu.memref_squeeze %swap3A_765 : memref<1x80x128xf32, #tpu.memory_space<vmem>> -> memref<80x128xf32, #tpu.memory_space<vmem>>
      %swap3A_767 = arith.index_cast %scan3A_761 : i32 to index
      %swap3A_768 = arith.constant 0 : index
      %swap3A_769 = tpu.vector_load %swap3A_766[%swap3A_767, %swap3A_768] {strides = array<i32>} : memref<80x128xf32, #tpu.memory_space<vmem>>, vector<16xf32>,
      tpu.vector_store %swap3A_766[%swap3A_767, %swap3A_768], %broadcast_in_dim3A_1 {strides = array<i32>} : memref<80x128xf32, #tpu.memory_space<vmem>>, vector<16xf32>,
      %swap3A_770 = arith.constant 0 : i32
      %swap3A_771 = arith.constant 0 : i32
      %swap3A_772 = tpu.memref_slice %arg8[%scan3A_27, %swap3A_770, %swap3A_771] : memref<2x80x128xf32, #tpu.memory_space<vmem>> -> memref<1x80x128xf32, #tpu.memory_space<vmem>>
      %swap3A_773 = tpu.memref_squeeze %swap3A_772 : memref<1x80x128xf32, #tpu.memory_space<vmem>> -> memref<80x128xf32, #tpu.memory_space<vmem>>
      %swap3A_774 = arith.index_cast %scan3A_761 : i32 to index
      %swap3A_775 = arith.constant 16 : index
      %swap3A_776 = tpu.vector_load %swap3A_773[%swap3A_774, %swap3A_775] {strides = array<i32>} : memref<80x128xf32, #tpu.memory_space<vmem>>, vector<16xf32>,
      tpu.vector_store %swap3A_773[%swap3A_774, %swap3A_775], %broadcast_in_dim3A_1 {strides = array<i32>} : memref<80x128xf32, #tpu.memory_space<vmem>>, vector<16xf32>,
      %swap3A_777 = arith.constant 0 : i32
      %swap3A_778 = arith.constant 0 : i32
      %swap3A_779 = tpu.memref_slice %arg8[%scan3A_27, %swap3A_777, %swap3A_778] : memref<2x80x128xf32, #tpu.memory_space<vmem>> -> memref<1x80x128xf32, #tpu.memory_space<vmem>>
      %swap3A_780 = tpu.memref_squeeze %swap3A_779 : memref<1x80x128xf32, #tpu.memory_space<vmem>> -> memref<80x128xf32, #tpu.memory_space<vmem>>
      %swap3A_781 = arith.index_cast %scan3A_761 : i32 to index
      %swap3A_782 = arith.constant 32 : index
      %swap3A_783 = tpu.vector_load %swap3A_780[%swap3A_781, %swap3A_782] {strides = array<i32>} : memref<80x128xf32, #tpu.memory_space<vmem>>, vector<16xf32>,
      tpu.vector_store %swap3A_780[%swap3A_781, %swap3A_782], %broadcast_in_dim3A_1 {strides = array<i32>} : memref<80x128xf32, #tpu.memory_space<vmem>>, vector<16xf32>,
      %swap3A_784 = arith.constant 0 : i32
      %swap3A_785 = arith.constant 0 : i32
      %swap3A_786 = tpu.memref_slice %arg8[%scan3A_27, %swap3A_784, %swap3A_785] : memref<2x80x128xf32, #tpu.memory_space<vmem>> -> memref<1x80x128xf32, #tpu.memory_space<vmem>>
      %swap3A_787 = tpu.memref_squeeze %swap3A_786 : memref<1x80x128xf32, #tpu.memory_space<vmem>> -> memref<80x128xf32, #tpu.memory_space<vmem>>
      %swap3A_788 = arith.index_cast %scan3A_761 : i32 to index
      %swap3A_789 = arith.constant 48 : index
      %swap3A_790 = tpu.vector_load %swap3A_787[%swap3A_788, %swap3A_789] {strides = array<i32>} : memref<80x128xf32, #tpu.memory_space<vmem>>, vector<16xf32>,
      tpu.vector_store %swap3A_787[%swap3A_788, %swap3A_789], %broadcast_in_dim3A_1 {strides = array<i32>} : memref<80x128xf32, #tpu.memory_space<vmem>>, vector<16xf32>,
      %swap3A_791 = arith.constant 0 : i32
      %swap3A_792 = arith.constant 0 : i32
      %swap3A_793 = tpu.memref_slice %arg8[%scan3A_27, %swap3A_791, %swap3A_792] : memref<2x80x128xf32, #tpu.memory_space<vmem>> -> memref<1x80x128xf32, #tpu.memory_space<vmem>>
      %swap3A_794 = tpu.memref_squeeze %swap3A_793 : memref<1x80x128xf32, #tpu.memory_space<vmem>> -> memref<80x128xf32, #tpu.memory_space<vmem>>
      %swap3A_795 = arith.index_cast %scan3A_761 : i32 to index
      %swap3A_796 = arith.constant 64 : index
      %swap3A_797 = tpu.vector_load %swap3A_794[%swap3A_795, %swap3A_796] {strides = array<i32>} : memref<80x128xf32, #tpu.memory_space<vmem>>, vector<16xf32>,
      tpu.vector_store %swap3A_794[%swap3A_795, %swap3A_796], %broadcast_in_dim3A_1 {strides = array<i32>} : memref<80x128xf32, #tpu.memory_space<vmem>>, vector<16xf32>,
      %swap3A_798 = arith.constant 0 : i32
      %swap3A_799 = arith.constant 0 : i32
      %swap3A_800 = tpu.memref_slice %arg8[%scan3A_27, %swap3A_798, %swap3A_799] : memref<2x80x128xf32, #tpu.memory_space<vmem>> -> memref<1x80x128xf32, #tpu.memory_space<vmem>>
      %swap3A_801 = tpu.memref_squeeze %swap3A_800 : memref<1x80x128xf32, #tpu.memory_space<vmem>> -> memref<80x128xf32, #tpu.memory_space<vmem>>
      %swap3A_802 = arith.index_cast %scan3A_761 : i32 to index
      %swap3A_803 = arith.constant 80 : index
      %swap3A_804 = tpu.vector_load %swap3A_801[%swap3A_802, %swap3A_803] {strides = array<i32>} : memref<80x128xf32, #tpu.memory_space<vmem>>, vector<16xf32>,
      tpu.vector_store %swap3A_801[%swap3A_802, %swap3A_803], %broadcast_in_dim3A_1 {strides = array<i32>} : memref<80x128xf32, #tpu.memory_space<vmem>>, vector<16xf32>,
      %swap3A_805 = arith.constant 0 : i32
      %swap3A_806 = arith.constant 0 : i32
      %swap3A_807 = tpu.memref_slice %arg8[%scan3A_27, %swap3A_805, %swap3A_806] : memref<2x80x128xf32, #tpu.memory_space<vmem>> -> memref<1x80x128xf32, #tpu.memory_space<vmem>>
      %swap3A_808 = tpu.memref_squeeze %swap3A_807 : memref<1x80x128xf32, #tpu.memory_space<vmem>> -> memref<80x128xf32, #tpu.memory_space<vmem>>
      %swap3A_809 = arith.index_cast %scan3A_761 : i32 to index
      %swap3A_810 = arith.constant 96 : index
      %swap3A_811 = tpu.vector_load %swap3A_808[%swap3A_809, %swap3A_810] {strides = array<i32>} : memref<80x128xf32, #tpu.memory_space<vmem>>, vector<16xf32>,
      tpu.vector_store %swap3A_808[%swap3A_809, %swap3A_810], %broadcast_in_dim3A_1 {strides = array<i32>} : memref<80x128xf32, #tpu.memory_space<vmem>>, vector<16xf32>,
      %swap3A_812 = arith.constant 0 : i32
      %swap3A_813 = arith.constant 0 : i32
      %swap3A_814 = tpu.memref_slice %arg8[%scan3A_27, %swap3A_812, %swap3A_813] : memref<2x80x128xf32, #tpu.memory_space<vmem>> -> memref<1x80x128xf32, #tpu.memory_space<vmem>>
      %swap3A_815 = tpu.memref_squeeze %swap3A_814 : memref<1x80x128xf32, #tpu.memory_space<vmem>> -> memref<80x128xf32, #tpu.memory_space<vmem>>
      %swap3A_816 = arith.index_cast %scan3A_761 : i32 to index
      %swap3A_817 = arith.constant 112 : index
      %swap3A_818 = tpu.vector_load %swap3A_815[%swap3A_816, %swap3A_817] {strides = array<i32>} : memref<80x128xf32, #tpu.memory_space<vmem>>, vector<16xf32>,
      tpu.vector_store %swap3A_815[%swap3A_816, %swap3A_817], %broadcast_in_dim3A_1 {strides = array<i32>} : memref<80x128xf32, #tpu.memory_space<vmem>>, vector<16xf32>,
      %scan3A_819 = arith.constant 0 : i32
      scf.yield %scan3A_819 : i32
    }
    %scan3A_34 = arith.constant 80 : i32
    %scan3A_35 = arith.constant 0 : i32
    %scan3A_36 = arith.constant 0 : i32
    %scan3A_37 = arith.constant 0 : i32
    %scan3A_38 = arith.constant 8 : i32
    %scan3A_39 = arith.addi %scan3A_37, %scan3A_38 : i32
    %scan3A_40 = arith.constant 1 : i32
    %scan3A_41 = scf.for %scan3A_761 = %scan3A_37 to %scan3A_39 step %scan3A_40 iter_args(%scan3A_762 = %scan3A_36) -> (i32)  : i32 {
      %mul3A_763 = arith.constant 16 : i32
      %mul3A_764 = arith.muli %scan3A_761, %mul3A_763 : i32
      %add3A_765 = arith.addi %arg1, %mul3A_764 : i32
      %lt3A = arith.constant 125 : i32
      %lt3A_766 = arith.cmpi slt, %add3A_765, %lt3A : i32
      %convert_element_type3A = arith.extui %lt3A_766 : i1 to i32
      %cond3A = arith.constant 0 : i32
      %cond3A_767 = arith.cmpi ne, %convert_element_type3A, %cond3A : i32
      scf.if %cond3A_767 {
        %mul3A_769 = arith.constant 80 : i32
        %mul3A_770 = arith.muli %add3A_765, %mul3A_769 : i32
        %dma_start3A_771 = arith.constant 0 : i32
        %dma_start3A_772 = arith.constant 0 : i32
        %dma_start3A_773 = tpu.memref_slice %arg8[%scan3A_35, %dma_start3A_771, %dma_start3A_772] : memref<2x80x128xf32, #tpu.memory_space<vmem>> -> memref<1x80x128xf32, #tpu.memory_space<vmem>>
        %dma_start3A_774 = tpu.memref_squeeze %dma_start3A_773 : memref<1x80x128xf32, #tpu.memory_space<vmem>> -> memref<80x128xf32, #tpu.memory_space<vmem>>
        %dma_start3A_775 = arith.constant 0 : i32
        %dma_start3A_776 = tpu.memref_slice %arg11[%mul3A_770, %dma_start3A_775] : memref<10000x128xf32, #tpu.memory_space<vmem_shared>> -> memref<80x128xf32, #tpu.memory_space<vmem_shared>>
        %dma_start3A_777 = arith.constant 0 : i32
        %dma_start3A_778 = tpu.memref_slice %arg11[%mul3A_770, %dma_start3A_777] : memref<10000x128xf32, #tpu.memory_space<vmem_shared>> -> memref<80x128xf32, #tpu.memory_space<vmem_shared>>
        %dma_start3A_779 = arith.constant 0 : i32
        %dma_start3A_780 = arith.constant 0 : i32
        %dma_start3A_781 = tpu.memref_slice %arg8[%scan3A_35, %dma_start3A_779, %dma_start3A_780] : memref<2x80x128xf32, #tpu.memory_space<vmem>> -> memref<1x80x128xf32, #tpu.memory_space<vmem>>
        %dma_start3A_782 = tpu.memref_squeeze %dma_start3A_781 : memref<1x80x128xf32, #tpu.memory_space<vmem>> -> memref<80x128xf32, #tpu.memory_space<vmem>>
        tpu.enqueue_dma source(%dma_start3A_782 : memref<80x128xf32, #tpu.memory_space<vmem>>) target(%dma_start3A_778 : memref<80x128xf32, #tpu.memory_space<vmem_shared>>) target_semaphore(%arg13 : memref<!tpu.dma_semaphore, #tpu.memory_space<semaphore_mem>>)
      } else {
      }
      %scan3A_768 = arith.constant 0 : i32
      scf.yield %scan3A_768 : i32
    }
    %scan3A_42 = arith.constant 8 : i32
    %scan3A_43 = arith.constant 0 : i32
    %scan3A_44 = arith.constant 0 : i32
    %scan3A_45 = arith.constant 0 : i32
    %scan3A_46 = arith.constant 8 : i32
    %scan3A_47 = arith.addi %scan3A_45, %scan3A_46 : i32
    %scan3A_48 = arith.constant 1 : i32
    %scan3A_49 = scf.for %scan3A_761 = %scan3A_45 to %scan3A_47 step %scan3A_48 iter_args(%scan3A_762 = %scan3A_44) -> (i32)  : i32 {
      %mul3A_763 = arith.constant 16 : i32
      %mul3A_764 = arith.muli %scan3A_761, %mul3A_763 : i32
      %add3A_765 = arith.addi %arg1, %mul3A_764 : i32
      %lt3A = arith.constant 125 : i32
      %lt3A_766 = arith.cmpi slt, %add3A_765, %lt3A : i32
      %convert_element_type3A = arith.extui %lt3A_766 : i1 to i32
      %cond3A = arith.constant 0 : i32
      %cond3A_767 = arith.cmpi ne, %convert_element_type3A, %cond3A : i32
      scf.if %cond3A_767 {
        %mul3A_769 = arith.constant 80 : i32
        %mul3A_770 = arith.muli %add3A_765, %mul3A_769 : i32
        %dma_wait3A_771 = arith.constant 0 : i32
        %dma_wait3A_772 = arith.constant 0 : i32
        %dma_wait3A_773 = tpu.memref_slice %arg8[%scan3A_43, %dma_wait3A_771, %dma_wait3A_772] : memref<2x80x128xf32, #tpu.memory_space<vmem>> -> memref<1x80x128xf32, #tpu.memory_space<vmem>>
        %dma_wait3A_774 = tpu.memref_squeeze %dma_wait3A_773 : memref<1x80x128xf32, #tpu.memory_space<vmem>> -> memref<80x128xf32, #tpu.memory_space<vmem>>
        %dma_wait3A_775 = arith.constant 0 : i32
        %dma_wait3A_776 = tpu.memref_slice %arg11[%mul3A_770, %dma_wait3A_775] : memref<10000x128xf32, #tpu.memory_space<vmem_shared>> -> memref<80x128xf32, #tpu.memory_space<vmem_shared>>
        %dma_wait3A_777 = arith.constant 0 : i32
        %dma_wait3A_778 = tpu.memref_slice %arg11[%mul3A_770, %dma_wait3A_777] : memref<10000x128xf32, #tpu.memory_space<vmem_shared>> -> memref<80x128xf32, #tpu.memory_space<vmem_shared>>
        %dma_wait3A_779 = arith.constant 0 : i32
        %dma_wait3A_780 = arith.constant 0 : i32
        %dma_wait3A_781 = tpu.memref_slice %arg8[%scan3A_43, %dma_wait3A_779, %dma_wait3A_780] : memref<2x80x128xf32, #tpu.memory_space<vmem>> -> memref<1x80x128xf32, #tpu.memory_space<vmem>>
        %dma_wait3A_782 = tpu.memref_squeeze %dma_wait3A_781 : memref<1x80x128xf32, #tpu.memory_space<vmem>> -> memref<80x128xf32, #tpu.memory_space<vmem>>
        tpu.wait_dma2 semaphore(%arg13 : memref<!tpu.dma_semaphore, #tpu.memory_space<semaphore_mem>>) src(%dma_wait3A_782 : memref<80x128xf32, #tpu.memory_space<vmem>>) dst(%dma_wait3A_778 : memref<80x128xf32, #tpu.memory_space<vmem_shared>>)
      } else {
      }
      %scan3A_768 = arith.constant 0 : i32
      scf.yield %scan3A_768 : i32
    }
    %scan3A_50 = arith.constant 8 : i32
    %add3A_51 = arith.constant 0 : i32
    %add3A_52 = vector.broadcast %add3A_51 : i32 to vector<16xi32>
    %add3A_53 = arith.addi %add3A_52, %iota3A : vector<16xi32>
    %swap3A = arith.constant 0 : i32
    %swap3A_54 = arith.index_cast %swap3A : i32 to index
    %swap3A_55 = arith.constant 0 : index
    %swap3A_56 = tpu.vector_load %arg10[%swap3A_54, %swap3A_55] {strides = array<i32>} : memref<5x128xi32, #tpu.memory_space<vmem>>, vector<16xi32>,
    tpu.vector_store %arg10[%swap3A_54, %swap3A_55], %add3A_53 {strides = array<i32>} : memref<5x128xi32, #tpu.memory_space<vmem>>, vector<16xi32>,
    %add3A_57 = arith.constant 16 : i32
    %add3A_58 = vector.broadcast %add3A_57 : i32 to vector<16xi32>
    %add3A_59 = arith.addi %add3A_58, %iota3A : vector<16xi32>
    %swap3A_60 = arith.constant 0 : i32
    %swap3A_61 = arith.index_cast %swap3A_60 : i32 to index
    %swap3A_62 = arith.constant 16 : index
    %swap3A_63 = tpu.vector_load %arg10[%swap3A_61, %swap3A_62] {strides = array<i32>} : memref<5x128xi32, #tpu.memory_space<vmem>>, vector<16xi32>,
    tpu.vector_store %arg10[%swap3A_61, %swap3A_62], %add3A_59 {strides = array<i32>} : memref<5x128xi32, #tpu.memory_space<vmem>>, vector<16xi32>,
    %add3A_64 = arith.constant 32 : i32
    %add3A_65 = vector.broadcast %add3A_64 : i32 to vector<16xi32>
    %add3A_66 = arith.addi %add3A_65, %iota3A : vector<16xi32>
    %swap3A_67 = arith.constant 0 : i32
    %swap3A_68 = arith.index_cast %swap3A_67 : i32 to index
    %swap3A_69 = arith.constant 32 : index
    %swap3A_70 = tpu.vector_load %arg10[%swap3A_68, %swap3A_69] {strides = array<i32>} : memref<5x128xi32, #tpu.memory_space<vmem>>, vector<16xi32>,
    tpu.vector_store %arg10[%swap3A_68, %swap3A_69], %add3A_66 {strides = array<i32>} : memref<5x128xi32, #tpu.memory_space<vmem>>, vector<16xi32>,
    %add3A_71 = arith.constant 48 : i32
    %add3A_72 = vector.broadcast %add3A_71 : i32 to vector<16xi32>
    %add3A_73 = arith.addi %add3A_72, %iota3A : vector<16xi32>
    %swap3A_74 = arith.constant 0 : i32
    %swap3A_75 = arith.index_cast %swap3A_74 : i32 to index
    %swap3A_76 = arith.constant 48 : index
    %swap3A_77 = tpu.vector_load %arg10[%swap3A_75, %swap3A_76] {strides = array<i32>} : memref<5x128xi32, #tpu.memory_space<vmem>>, vector<16xi32>,
    tpu.vector_store %arg10[%swap3A_75, %swap3A_76], %add3A_73 {strides = array<i32>} : memref<5x128xi32, #tpu.memory_space<vmem>>, vector<16xi32>,
    %add3A_78 = arith.constant 64 : i32
    %add3A_79 = vector.broadcast %add3A_78 : i32 to vector<16xi32>
    %add3A_80 = arith.addi %add3A_79, %iota3A : vector<16xi32>
    %swap3A_81 = arith.constant 0 : i32
    %swap3A_82 = arith.index_cast %swap3A_81 : i32 to index
    %swap3A_83 = arith.constant 64 : index
    %swap3A_84 = tpu.vector_load %arg10[%swap3A_82, %swap3A_83] {strides = array<i32>} : memref<5x128xi32, #tpu.memory_space<vmem>>, vector<16xi32>,
    tpu.vector_store %arg10[%swap3A_82, %swap3A_83], %add3A_80 {strides = array<i32>} : memref<5x128xi32, #tpu.memory_space<vmem>>, vector<16xi32>,
    %add3A_85 = arith.constant 80 : i32
    %add3A_86 = vector.broadcast %add3A_85 : i32 to vector<16xi32>
    %add3A_87 = arith.addi %add3A_86, %iota3A : vector<16xi32>
    %swap3A_88 = arith.constant 0 : i32
    %swap3A_89 = arith.index_cast %swap3A_88 : i32 to index
    %swap3A_90 = arith.constant 80 : index
    %swap3A_91 = tpu.vector_load %arg10[%swap3A_89, %swap3A_90] {strides = array<i32>} : memref<5x128xi32, #tpu.memory_space<vmem>>, vector<16xi32>,
    tpu.vector_store %arg10[%swap3A_89, %swap3A_90], %add3A_87 {strides = array<i32>} : memref<5x128xi32, #tpu.memory_space<vmem>>, vector<16xi32>,
    %add3A_92 = arith.constant 96 : i32
    %add3A_93 = vector.broadcast %add3A_92 : i32 to vector<16xi32>
    %add3A_94 = arith.addi %add3A_93, %iota3A : vector<16xi32>
    %swap3A_95 = arith.constant 0 : i32
    %swap3A_96 = arith.index_cast %swap3A_95 : i32 to index
    %swap3A_97 = arith.constant 96 : index
    %swap3A_98 = tpu.vector_load %arg10[%swap3A_96, %swap3A_97] {strides = array<i32>} : memref<5x128xi32, #tpu.memory_space<vmem>>, vector<16xi32>,
    tpu.vector_store %arg10[%swap3A_96, %swap3A_97], %add3A_94 {strides = array<i32>} : memref<5x128xi32, #tpu.memory_space<vmem>>, vector<16xi32>,
    %add3A_99 = arith.constant 112 : i32
    %add3A_100 = vector.broadcast %add3A_99 : i32 to vector<16xi32>
    %add3A_101 = arith.addi %add3A_100, %iota3A : vector<16xi32>
    %swap3A_102 = arith.constant 0 : i32
    %swap3A_103 = arith.index_cast %swap3A_102 : i32 to index
    %swap3A_104 = arith.constant 112 : index
    %swap3A_105 = tpu.vector_load %arg10[%swap3A_103, %swap3A_104] {strides = array<i32>} : memref<5x128xi32, #tpu.memory_space<vmem>>, vector<16xi32>,
    tpu.vector_store %arg10[%swap3A_103, %swap3A_104], %add3A_101 {strides = array<i32>} : memref<5x128xi32, #tpu.memory_space<vmem>>, vector<16xi32>,
    %add3A_106 = arith.constant 128 : i32
    %add3A_107 = vector.broadcast %add3A_106 : i32 to vector<16xi32>
    %add3A_108 = arith.addi %add3A_107, %iota3A : vector<16xi32>
    %swap3A_109 = arith.constant 1 : i32
    %swap3A_110 = arith.index_cast %swap3A_109 : i32 to index
    %swap3A_111 = arith.constant 0 : index
    %swap3A_112 = tpu.vector_load %arg10[%swap3A_110, %swap3A_111] {strides = array<i32>} : memref<5x128xi32, #tpu.memory_space<vmem>>, vector<16xi32>,
    tpu.vector_store %arg10[%swap3A_110, %swap3A_111], %add3A_108 {strides = array<i32>} : memref<5x128xi32, #tpu.memory_space<vmem>>, vector<16xi32>,
    %add3A_113 = arith.constant 144 : i32
    %add3A_114 = vector.broadcast %add3A_113 : i32 to vector<16xi32>
    %add3A_115 = arith.addi %add3A_114, %iota3A : vector<16xi32>
    %swap3A_116 = arith.constant 1 : i32
    %swap3A_117 = arith.index_cast %swap3A_116 : i32 to index
    %swap3A_118 = arith.constant 16 : index
    %swap3A_119 = tpu.vector_load %arg10[%swap3A_117, %swap3A_118] {strides = array<i32>} : memref<5x128xi32, #tpu.memory_space<vmem>>, vector<16xi32>,
    tpu.vector_store %arg10[%swap3A_117, %swap3A_118], %add3A_115 {strides = array<i32>} : memref<5x128xi32, #tpu.memory_space<vmem>>, vector<16xi32>,
    %add3A_120 = arith.constant 160 : i32
    %add3A_121 = vector.broadcast %add3A_120 : i32 to vector<16xi32>
    %add3A_122 = arith.addi %add3A_121, %iota3A : vector<16xi32>
    %swap3A_123 = arith.constant 1 : i32
    %swap3A_124 = arith.index_cast %swap3A_123 : i32 to index
    %swap3A_125 = arith.constant 32 : index
    %swap3A_126 = tpu.vector_load %arg10[%swap3A_124, %swap3A_125] {strides = array<i32>} : memref<5x128xi32, #tpu.memory_space<vmem>>, vector<16xi32>,
    tpu.vector_store %arg10[%swap3A_124, %swap3A_125], %add3A_122 {strides = array<i32>} : memref<5x128xi32, #tpu.memory_space<vmem>>, vector<16xi32>,
    %add3A_127 = arith.constant 176 : i32
    %add3A_128 = vector.broadcast %add3A_127 : i32 to vector<16xi32>
    %add3A_129 = arith.addi %add3A_128, %iota3A : vector<16xi32>
    %swap3A_130 = arith.constant 1 : i32
    %swap3A_131 = arith.index_cast %swap3A_130 : i32 to index
    %swap3A_132 = arith.constant 48 : index
    %swap3A_133 = tpu.vector_load %arg10[%swap3A_131, %swap3A_132] {strides = array<i32>} : memref<5x128xi32, #tpu.memory_space<vmem>>, vector<16xi32>,
    tpu.vector_store %arg10[%swap3A_131, %swap3A_132], %add3A_129 {strides = array<i32>} : memref<5x128xi32, #tpu.memory_space<vmem>>, vector<16xi32>,
    %add3A_134 = arith.constant 192 : i32
    %add3A_135 = vector.broadcast %add3A_134 : i32 to vector<16xi32>
    %add3A_136 = arith.addi %add3A_135, %iota3A : vector<16xi32>
    %swap3A_137 = arith.constant 1 : i32
    %swap3A_138 = arith.index_cast %swap3A_137 : i32 to index
    %swap3A_139 = arith.constant 64 : index
    %swap3A_140 = tpu.vector_load %arg10[%swap3A_138, %swap3A_139] {strides = array<i32>} : memref<5x128xi32, #tpu.memory_space<vmem>>, vector<16xi32>,
    tpu.vector_store %arg10[%swap3A_138, %swap3A_139], %add3A_136 {strides = array<i32>} : memref<5x128xi32, #tpu.memory_space<vmem>>, vector<16xi32>,
    %add3A_141 = arith.constant 208 : i32
    %add3A_142 = vector.broadcast %add3A_141 : i32 to vector<16xi32>
    %add3A_143 = arith.addi %add3A_142, %iota3A : vector<16xi32>
    %swap3A_144 = arith.constant 1 : i32
    %swap3A_145 = arith.index_cast %swap3A_144 : i32 to index
    %swap3A_146 = arith.constant 80 : index
    %swap3A_147 = tpu.vector_load %arg10[%swap3A_145, %swap3A_146] {strides = array<i32>} : memref<5x128xi32, #tpu.memory_space<vmem>>, vector<16xi32>,
    tpu.vector_store %arg10[%swap3A_145, %swap3A_146], %add3A_143 {strides = array<i32>} : memref<5x128xi32, #tpu.memory_space<vmem>>, vector<16xi32>,
    %add3A_148 = arith.constant 224 : i32
    %add3A_149 = vector.broadcast %add3A_148 : i32 to vector<16xi32>
    %add3A_150 = arith.addi %add3A_149, %iota3A : vector<16xi32>
    %swap3A_151 = arith.constant 1 : i32
    %swap3A_152 = arith.index_cast %swap3A_151 : i32 to index
    %swap3A_153 = arith.constant 96 : index
    %swap3A_154 = tpu.vector_load %arg10[%swap3A_152, %swap3A_153] {strides = array<i32>} : memref<5x128xi32, #tpu.memory_space<vmem>>, vector<16xi32>,
    tpu.vector_store %arg10[%swap3A_152, %swap3A_153], %add3A_150 {strides = array<i32>} : memref<5x128xi32, #tpu.memory_space<vmem>>, vector<16xi32>,
    %add3A_155 = arith.constant 240 : i32
    %add3A_156 = vector.broadcast %add3A_155 : i32 to vector<16xi32>
    %add3A_157 = arith.addi %add3A_156, %iota3A : vector<16xi32>
    %swap3A_158 = arith.constant 1 : i32
    %swap3A_159 = arith.index_cast %swap3A_158 : i32 to index
    %swap3A_160 = arith.constant 112 : index
    %swap3A_161 = tpu.vector_load %arg10[%swap3A_159, %swap3A_160] {strides = array<i32>} : memref<5x128xi32, #tpu.memory_space<vmem>>, vector<16xi32>,
    tpu.vector_store %arg10[%swap3A_159, %swap3A_160], %add3A_157 {strides = array<i32>} : memref<5x128xi32, #tpu.memory_space<vmem>>, vector<16xi32>,
    %add3A_162 = arith.constant 256 : i32
    %add3A_163 = vector.broadcast %add3A_162 : i32 to vector<16xi32>
    %add3A_164 = arith.addi %add3A_163, %iota3A : vector<16xi32>
    %swap3A_165 = arith.constant 2 : i32
    %swap3A_166 = arith.index_cast %swap3A_165 : i32 to index
    %swap3A_167 = arith.constant 0 : index
    %swap3A_168 = tpu.vector_load %arg10[%swap3A_166, %swap3A_167] {strides = array<i32>} : memref<5x128xi32, #tpu.memory_space<vmem>>, vector<16xi32>,
    tpu.vector_store %arg10[%swap3A_166, %swap3A_167], %add3A_164 {strides = array<i32>} : memref<5x128xi32, #tpu.memory_space<vmem>>, vector<16xi32>,
    %add3A_169 = arith.constant 272 : i32
    %add3A_170 = vector.broadcast %add3A_169 : i32 to vector<16xi32>
    %add3A_171 = arith.addi %add3A_170, %iota3A : vector<16xi32>
    %swap3A_172 = arith.constant 2 : i32
    %swap3A_173 = arith.index_cast %swap3A_172 : i32 to index
    %swap3A_174 = arith.constant 16 : index
    %swap3A_175 = tpu.vector_load %arg10[%swap3A_173, %swap3A_174] {strides = array<i32>} : memref<5x128xi32, #tpu.memory_space<vmem>>, vector<16xi32>,
    tpu.vector_store %arg10[%swap3A_173, %swap3A_174], %add3A_171 {strides = array<i32>} : memref<5x128xi32, #tpu.memory_space<vmem>>, vector<16xi32>,
    %add3A_176 = arith.constant 288 : i32
    %add3A_177 = vector.broadcast %add3A_176 : i32 to vector<16xi32>
    %add3A_178 = arith.addi %add3A_177, %iota3A : vector<16xi32>
    %swap3A_179 = arith.constant 2 : i32
    %swap3A_180 = arith.index_cast %swap3A_179 : i32 to index
    %swap3A_181 = arith.constant 32 : index
    %swap3A_182 = tpu.vector_load %arg10[%swap3A_180, %swap3A_181] {strides = array<i32>} : memref<5x128xi32, #tpu.memory_space<vmem>>, vector<16xi32>,
    tpu.vector_store %arg10[%swap3A_180, %swap3A_181], %add3A_178 {strides = array<i32>} : memref<5x128xi32, #tpu.memory_space<vmem>>, vector<16xi32>,
    %add3A_183 = arith.constant 304 : i32
    %add3A_184 = vector.broadcast %add3A_183 : i32 to vector<16xi32>
    %add3A_185 = arith.addi %add3A_184, %iota3A : vector<16xi32>
    %swap3A_186 = arith.constant 2 : i32
    %swap3A_187 = arith.index_cast %swap3A_186 : i32 to index
    %swap3A_188 = arith.constant 48 : index
    %swap3A_189 = tpu.vector_load %arg10[%swap3A_187, %swap3A_188] {strides = array<i32>} : memref<5x128xi32, #tpu.memory_space<vmem>>, vector<16xi32>,
    tpu.vector_store %arg10[%swap3A_187, %swap3A_188], %add3A_185 {strides = array<i32>} : memref<5x128xi32, #tpu.memory_space<vmem>>, vector<16xi32>,
    %add3A_190 = arith.constant 320 : i32
    %add3A_191 = vector.broadcast %add3A_190 : i32 to vector<16xi32>
    %add3A_192 = arith.addi %add3A_191, %iota3A : vector<16xi32>
    %swap3A_193 = arith.constant 2 : i32
    %swap3A_194 = arith.index_cast %swap3A_193 : i32 to index
    %swap3A_195 = arith.constant 64 : index
    %swap3A_196 = tpu.vector_load %arg10[%swap3A_194, %swap3A_195] {strides = array<i32>} : memref<5x128xi32, #tpu.memory_space<vmem>>, vector<16xi32>,
    tpu.vector_store %arg10[%swap3A_194, %swap3A_195], %add3A_192 {strides = array<i32>} : memref<5x128xi32, #tpu.memory_space<vmem>>, vector<16xi32>,
    %add3A_197 = arith.constant 336 : i32
    %add3A_198 = vector.broadcast %add3A_197 : i32 to vector<16xi32>
    %add3A_199 = arith.addi %add3A_198, %iota3A : vector<16xi32>
    %swap3A_200 = arith.constant 2 : i32
    %swap3A_201 = arith.index_cast %swap3A_200 : i32 to index
    %swap3A_202 = arith.constant 80 : index
    %swap3A_203 = tpu.vector_load %arg10[%swap3A_201, %swap3A_202] {strides = array<i32>} : memref<5x128xi32, #tpu.memory_space<vmem>>, vector<16xi32>,
    tpu.vector_store %arg10[%swap3A_201, %swap3A_202], %add3A_199 {strides = array<i32>} : memref<5x128xi32, #tpu.memory_space<vmem>>, vector<16xi32>,
    %add3A_204 = arith.constant 352 : i32
    %add3A_205 = vector.broadcast %add3A_204 : i32 to vector<16xi32>
    %add3A_206 = arith.addi %add3A_205, %iota3A : vector<16xi32>
    %swap3A_207 = arith.constant 2 : i32
    %swap3A_208 = arith.index_cast %swap3A_207 : i32 to index
    %swap3A_209 = arith.constant 96 : index
    %swap3A_210 = tpu.vector_load %arg10[%swap3A_208, %swap3A_209] {strides = array<i32>} : memref<5x128xi32, #tpu.memory_space<vmem>>, vector<16xi32>,
    tpu.vector_store %arg10[%swap3A_208, %swap3A_209], %add3A_206 {strides = array<i32>} : memref<5x128xi32, #tpu.memory_space<vmem>>, vector<16xi32>,
    %add3A_211 = arith.constant 368 : i32
    %add3A_212 = vector.broadcast %add3A_211 : i32 to vector<16xi32>
    %add3A_213 = arith.addi %add3A_212, %iota3A : vector<16xi32>
    %swap3A_214 = arith.constant 2 : i32
    %swap3A_215 = arith.index_cast %swap3A_214 : i32 to index
    %swap3A_216 = arith.constant 112 : index
    %swap3A_217 = tpu.vector_load %arg10[%swap3A_215, %swap3A_216] {strides = array<i32>} : memref<5x128xi32, #tpu.memory_space<vmem>>, vector<16xi32>,
    tpu.vector_store %arg10[%swap3A_215, %swap3A_216], %add3A_213 {strides = array<i32>} : memref<5x128xi32, #tpu.memory_space<vmem>>, vector<16xi32>,
    %add3A_218 = arith.constant 384 : i32
    %add3A_219 = vector.broadcast %add3A_218 : i32 to vector<16xi32>
    %add3A_220 = arith.addi %add3A_219, %iota3A : vector<16xi32>
    %swap3A_221 = arith.constant 3 : i32
    %swap3A_222 = arith.index_cast %swap3A_221 : i32 to index
    %swap3A_223 = arith.constant 0 : index
    %swap3A_224 = tpu.vector_load %arg10[%swap3A_222, %swap3A_223] {strides = array<i32>} : memref<5x128xi32, #tpu.memory_space<vmem>>, vector<16xi32>,
    tpu.vector_store %arg10[%swap3A_222, %swap3A_223], %add3A_220 {strides = array<i32>} : memref<5x128xi32, #tpu.memory_space<vmem>>, vector<16xi32>,
    %add3A_225 = arith.constant 400 : i32
    %add3A_226 = vector.broadcast %add3A_225 : i32 to vector<16xi32>
    %add3A_227 = arith.addi %add3A_226, %iota3A : vector<16xi32>
    %swap3A_228 = arith.constant 3 : i32
    %swap3A_229 = arith.index_cast %swap3A_228 : i32 to index
    %swap3A_230 = arith.constant 16 : index
    %swap3A_231 = tpu.vector_load %arg10[%swap3A_229, %swap3A_230] {strides = array<i32>} : memref<5x128xi32, #tpu.memory_space<vmem>>, vector<16xi32>,
    tpu.vector_store %arg10[%swap3A_229, %swap3A_230], %add3A_227 {strides = array<i32>} : memref<5x128xi32, #tpu.memory_space<vmem>>, vector<16xi32>,
    %add3A_232 = arith.constant 416 : i32
    %add3A_233 = vector.broadcast %add3A_232 : i32 to vector<16xi32>
    %add3A_234 = arith.addi %add3A_233, %iota3A : vector<16xi32>
    %swap3A_235 = arith.constant 3 : i32
    %swap3A_236 = arith.index_cast %swap3A_235 : i32 to index
    %swap3A_237 = arith.constant 32 : index
    %swap3A_238 = tpu.vector_load %arg10[%swap3A_236, %swap3A_237] {strides = array<i32>} : memref<5x128xi32, #tpu.memory_space<vmem>>, vector<16xi32>,
    tpu.vector_store %arg10[%swap3A_236, %swap3A_237], %add3A_234 {strides = array<i32>} : memref<5x128xi32, #tpu.memory_space<vmem>>, vector<16xi32>,
    %add3A_239 = arith.constant 432 : i32
    %add3A_240 = vector.broadcast %add3A_239 : i32 to vector<16xi32>
    %add3A_241 = arith.addi %add3A_240, %iota3A : vector<16xi32>
    %swap3A_242 = arith.constant 3 : i32
    %swap3A_243 = arith.index_cast %swap3A_242 : i32 to index
    %swap3A_244 = arith.constant 48 : index
    %swap3A_245 = tpu.vector_load %arg10[%swap3A_243, %swap3A_244] {strides = array<i32>} : memref<5x128xi32, #tpu.memory_space<vmem>>, vector<16xi32>,
    tpu.vector_store %arg10[%swap3A_243, %swap3A_244], %add3A_241 {strides = array<i32>} : memref<5x128xi32, #tpu.memory_space<vmem>>, vector<16xi32>,
    %add3A_246 = arith.constant 448 : i32
    %add3A_247 = vector.broadcast %add3A_246 : i32 to vector<16xi32>
    %add3A_248 = arith.addi %add3A_247, %iota3A : vector<16xi32>
    %swap3A_249 = arith.constant 3 : i32
    %swap3A_250 = arith.index_cast %swap3A_249 : i32 to index
    %swap3A_251 = arith.constant 64 : index
    %swap3A_252 = tpu.vector_load %arg10[%swap3A_250, %swap3A_251] {strides = array<i32>} : memref<5x128xi32, #tpu.memory_space<vmem>>, vector<16xi32>,
    tpu.vector_store %arg10[%swap3A_250, %swap3A_251], %add3A_248 {strides = array<i32>} : memref<5x128xi32, #tpu.memory_space<vmem>>, vector<16xi32>,
    %add3A_253 = arith.constant 464 : i32
    %add3A_254 = vector.broadcast %add3A_253 : i32 to vector<16xi32>
    %add3A_255 = arith.addi %add3A_254, %iota3A : vector<16xi32>
    %swap3A_256 = arith.constant 3 : i32
    %swap3A_257 = arith.index_cast %swap3A_256 : i32 to index
    %swap3A_258 = arith.constant 80 : index
    %swap3A_259 = tpu.vector_load %arg10[%swap3A_257, %swap3A_258] {strides = array<i32>} : memref<5x128xi32, #tpu.memory_space<vmem>>, vector<16xi32>,
    tpu.vector_store %arg10[%swap3A_257, %swap3A_258], %add3A_255 {strides = array<i32>} : memref<5x128xi32, #tpu.memory_space<vmem>>, vector<16xi32>,
    %add3A_260 = arith.constant 480 : i32
    %add3A_261 = vector.broadcast %add3A_260 : i32 to vector<16xi32>
    %add3A_262 = arith.addi %add3A_261, %iota3A : vector<16xi32>
    %swap3A_263 = arith.constant 3 : i32
    %swap3A_264 = arith.index_cast %swap3A_263 : i32 to index
    %swap3A_265 = arith.constant 96 : index
    %swap3A_266 = tpu.vector_load %arg10[%swap3A_264, %swap3A_265] {strides = array<i32>} : memref<5x128xi32, #tpu.memory_space<vmem>>, vector<16xi32>,
    tpu.vector_store %arg10[%swap3A_264, %swap3A_265], %add3A_262 {strides = array<i32>} : memref<5x128xi32, #tpu.memory_space<vmem>>, vector<16xi32>,
    %add3A_267 = arith.constant 496 : i32
    %add3A_268 = vector.broadcast %add3A_267 : i32 to vector<16xi32>
    %add3A_269 = arith.addi %add3A_268, %iota3A : vector<16xi32>
    %swap3A_270 = arith.constant 3 : i32
    %swap3A_271 = arith.index_cast %swap3A_270 : i32 to index
    %swap3A_272 = arith.constant 112 : index
    %swap3A_273 = tpu.vector_load %arg10[%swap3A_271, %swap3A_272] {strides = array<i32>} : memref<5x128xi32, #tpu.memory_space<vmem>>, vector<16xi32>,
    tpu.vector_store %arg10[%swap3A_271, %swap3A_272], %add3A_269 {strides = array<i32>} : memref<5x128xi32, #tpu.memory_space<vmem>>, vector<16xi32>,
    %add3A_274 = arith.constant 512 : i32
    %add3A_275 = vector.broadcast %add3A_274 : i32 to vector<16xi32>
    %add3A_276 = arith.addi %add3A_275, %iota3A : vector<16xi32>
    %swap3A_277 = arith.constant 4 : i32
    %swap3A_278 = arith.index_cast %swap3A_277 : i32 to index
    %swap3A_279 = arith.constant 0 : index
    %swap3A_280 = tpu.vector_load %arg10[%swap3A_278, %swap3A_279] {strides = array<i32>} : memref<5x128xi32, #tpu.memory_space<vmem>>, vector<16xi32>,
    tpu.vector_store %arg10[%swap3A_278, %swap3A_279], %add3A_276 {strides = array<i32>} : memref<5x128xi32, #tpu.memory_space<vmem>>, vector<16xi32>,
    %add3A_281 = arith.constant 528 : i32
    %add3A_282 = vector.broadcast %add3A_281 : i32 to vector<16xi32>
    %add3A_283 = arith.addi %add3A_282, %iota3A : vector<16xi32>
    %swap3A_284 = arith.constant 4 : i32
    %swap3A_285 = arith.index_cast %swap3A_284 : i32 to index
    %swap3A_286 = arith.constant 16 : index
    %swap3A_287 = tpu.vector_load %arg10[%swap3A_285, %swap3A_286] {strides = array<i32>} : memref<5x128xi32, #tpu.memory_space<vmem>>, vector<16xi32>,
    tpu.vector_store %arg10[%swap3A_285, %swap3A_286], %add3A_283 {strides = array<i32>} : memref<5x128xi32, #tpu.memory_space<vmem>>, vector<16xi32>,
    %add3A_288 = arith.constant 544 : i32
    %add3A_289 = vector.broadcast %add3A_288 : i32 to vector<16xi32>
    %add3A_290 = arith.addi %add3A_289, %iota3A : vector<16xi32>
    %swap3A_291 = arith.constant 4 : i32
    %swap3A_292 = arith.index_cast %swap3A_291 : i32 to index
    %swap3A_293 = arith.constant 32 : index
    %swap3A_294 = tpu.vector_load %arg10[%swap3A_292, %swap3A_293] {strides = array<i32>} : memref<5x128xi32, #tpu.memory_space<vmem>>, vector<16xi32>,
    tpu.vector_store %arg10[%swap3A_292, %swap3A_293], %add3A_290 {strides = array<i32>} : memref<5x128xi32, #tpu.memory_space<vmem>>, vector<16xi32>,
    %add3A_295 = arith.constant 560 : i32
    %add3A_296 = vector.broadcast %add3A_295 : i32 to vector<16xi32>
    %add3A_297 = arith.addi %add3A_296, %iota3A : vector<16xi32>
    %swap3A_298 = arith.constant 4 : i32
    %swap3A_299 = arith.index_cast %swap3A_298 : i32 to index
    %swap3A_300 = arith.constant 48 : index
    %swap3A_301 = tpu.vector_load %arg10[%swap3A_299, %swap3A_300] {strides = array<i32>} : memref<5x128xi32, #tpu.memory_space<vmem>>, vector<16xi32>,
    tpu.vector_store %arg10[%swap3A_299, %swap3A_300], %add3A_297 {strides = array<i32>} : memref<5x128xi32, #tpu.memory_space<vmem>>, vector<16xi32>,
    %add3A_302 = arith.constant 576 : i32
    %add3A_303 = vector.broadcast %add3A_302 : i32 to vector<16xi32>
    %add3A_304 = arith.addi %add3A_303, %iota3A : vector<16xi32>
    %swap3A_305 = arith.constant 4 : i32
    %swap3A_306 = arith.index_cast %swap3A_305 : i32 to index
    %swap3A_307 = arith.constant 64 : index
    %swap3A_308 = tpu.vector_load %arg10[%swap3A_306, %swap3A_307] {strides = array<i32>} : memref<5x128xi32, #tpu.memory_space<vmem>>, vector<16xi32>,
    tpu.vector_store %arg10[%swap3A_306, %swap3A_307], %add3A_304 {strides = array<i32>} : memref<5x128xi32, #tpu.memory_space<vmem>>, vector<16xi32>,
    %add3A_309 = arith.constant 592 : i32
    %add3A_310 = vector.broadcast %add3A_309 : i32 to vector<16xi32>
    %add3A_311 = arith.addi %add3A_310, %iota3A : vector<16xi32>
    %swap3A_312 = arith.constant 4 : i32
    %swap3A_313 = arith.index_cast %swap3A_312 : i32 to index
    %swap3A_314 = arith.constant 80 : index
    %swap3A_315 = tpu.vector_load %arg10[%swap3A_313, %swap3A_314] {strides = array<i32>} : memref<5x128xi32, #tpu.memory_space<vmem>>, vector<16xi32>,
    tpu.vector_store %arg10[%swap3A_313, %swap3A_314], %add3A_311 {strides = array<i32>} : memref<5x128xi32, #tpu.memory_space<vmem>>, vector<16xi32>,
    %add3A_316 = arith.constant 608 : i32
    %add3A_317 = vector.broadcast %add3A_316 : i32 to vector<16xi32>
    %add3A_318 = arith.addi %add3A_317, %iota3A : vector<16xi32>
    %swap3A_319 = arith.constant 4 : i32
    %swap3A_320 = arith.index_cast %swap3A_319 : i32 to index
    %swap3A_321 = arith.constant 96 : index
    %swap3A_322 = tpu.vector_load %arg10[%swap3A_320, %swap3A_321] {strides = array<i32>} : memref<5x128xi32, #tpu.memory_space<vmem>>, vector<16xi32>,
    tpu.vector_store %arg10[%swap3A_320, %swap3A_321], %add3A_318 {strides = array<i32>} : memref<5x128xi32, #tpu.memory_space<vmem>>, vector<16xi32>,
    %add3A_323 = arith.constant 624 : i32
    %add3A_324 = vector.broadcast %add3A_323 : i32 to vector<16xi32>
    %add3A_325 = arith.addi %add3A_324, %iota3A : vector<16xi32>
    %swap3A_326 = arith.constant 4 : i32
    %swap3A_327 = arith.index_cast %swap3A_326 : i32 to index
    %swap3A_328 = arith.constant 112 : index
    %swap3A_329 = tpu.vector_load %arg10[%swap3A_327, %swap3A_328] {strides = array<i32>} : memref<5x128xi32, #tpu.memory_space<vmem>>, vector<16xi32>,
    tpu.vector_store %arg10[%swap3A_327, %swap3A_328], %add3A_325 {strides = array<i32>} : memref<5x128xi32, #tpu.memory_space<vmem>>, vector<16xi32>,
    %mul3A_330 = arith.constant 10000 : i32
    %mul3A_331 = arith.muli %add3A, %mul3A_330 : i32
    %dma_wait3A = arith.constant 0 : i32
    %dma_wait3A_332 = tpu.memref_slice %arg3[%dma_wait3A, %mul3A_331] : memref<2x320000xi32, #tpu.memory_space<hbm>> -> memref<1x5040xi32, #tpu.memory_space<hbm>>
    %dma_wait3A_333 = tpu.memref_squeeze %dma_wait3A_332 : memref<1x5040xi32, #tpu.memory_space<hbm>> -> memref<5040xi32, #tpu.memory_space<hbm>>
    %dma_wait3A_334 = tpu.memref_slice %arg3[%dma_wait3A, %mul3A_331] : memref<2x320000xi32, #tpu.memory_space<hbm>> -> memref<1x5040xi32, #tpu.memory_space<hbm>>
    %dma_wait3A_335 = tpu.memref_squeeze %dma_wait3A_334 : memref<1x5040xi32, #tpu.memory_space<hbm>> -> memref<5040xi32, #tpu.memory_space<hbm>>
    tpu.wait_dma2 semaphore(%arg15 : memref<!tpu.dma_semaphore, #tpu.memory_space<semaphore_mem>>) src(%dma_wait3A_335 : memref<5040xi32, #tpu.memory_space<hbm>>) dst(%arg6 : memref<5040xi32, #tpu.memory_space<vmem>>)
    %mul3A_336 = arith.constant 10000 : i32
    %mul3A_337 = arith.muli %add3A, %mul3A_336 : i32
    %dma_wait3A_338 = arith.constant 1 : i32
    %dma_wait3A_339 = tpu.memref_slice %arg3[%dma_wait3A_338, %mul3A_337] : memref<2x320000xi32, #tpu.memory_space<hbm>> -> memref<1x10000xi32, #tpu.memory_space<hbm>>
    %dma_wait3A_340 = tpu.memref_squeeze %dma_wait3A_339 : memref<1x10000xi32, #tpu.memory_space<hbm>> -> memref<10000xi32, #tpu.memory_space<hbm>>
    %dma_wait3A_341 = tpu.memref_slice %arg3[%dma_wait3A_338, %mul3A_337] : memref<2x320000xi32, #tpu.memory_space<hbm>> -> memref<1x10000xi32, #tpu.memory_space<hbm>>
    %dma_wait3A_342 = tpu.memref_squeeze %dma_wait3A_341 : memref<1x10000xi32, #tpu.memory_space<hbm>> -> memref<10000xi32, #tpu.memory_space<hbm>>
    tpu.wait_dma2 semaphore(%arg16 : memref<!tpu.dma_semaphore, #tpu.memory_space<semaphore_mem>>) src(%dma_wait3A_342 : memref<10000xi32, #tpu.memory_space<hbm>>) dst(%arg7 : memref<10000xi32, #tpu.memory_space<vmem>>)
    %barrier3A = arith.constant 0 : index
    tpu.barrier barrier_id(%barrier3A)
    %dma_start3A_343 = arith.constant 0 : i32
    %dma_start3A_344 = arith.constant 0 : i32
    %dma_start3A_345 = arith.constant 0 : i32
    %dma_start3A_346 = tpu.memref_slice %arg8[%dma_start3A_343, %dma_start3A_344, %dma_start3A_345] : memref<2x80x128xf32, #tpu.memory_space<vmem>> -> memref<1x80x128xf32, #tpu.memory_space<vmem>>
    %dma_start3A_347 = tpu.memref_squeeze %dma_start3A_346 : memref<1x80x128xf32, #tpu.memory_space<vmem>> -> memref<80x128xf32, #tpu.memory_space<vmem>>
    %dma_start3A_348 = arith.constant 0 : i32
    %dma_start3A_349 = arith.constant 0 : i32
    %dma_start3A_350 = tpu.memref_slice %dma_start3A_347[%dma_start3A_348, %dma_start3A_349] : memref<80x128xf32, #tpu.memory_space<vmem>> -> memref<40x128xf32, #tpu.memory_space<vmem>>
    %dma_start3A_351 = arith.constant 0 : i32
    %dma_start3A_352 = tpu.memref_slice %arg6[%dma_start3A_351] : memref<5040xi32, #tpu.memory_space<vmem>> -> memref<40xi32, #tpu.memory_space<vmem>>
    %dma_start3A_353 = arith.constant 0 : i32
    %dma_start3A_354 = arith.constant 0 : i32
    %dma_start3A_355 = tpu.memref_slice %arg2[%dma_start3A_353, %dma_start3A_354] : memref<10000x128xf32, #tpu.memory_space<hbm>> -> memref<10000x128xf32, #tpu.memory_space<hbm>>
    tpu.enqueue_indirect_dma source(%dma_start3A_355 : memref<10000x128xf32, #tpu.memory_space<hbm>>) target(%dma_start3A_350 : memref<40x128xf32, #tpu.memory_space<vmem>>) offsets(%dma_start3A_352 : memref<40xi32, #tpu.memory_space<vmem>>) semaphore(%arg13 : memref<!tpu.dma_semaphore, #tpu.memory_space<semaphore_mem>>)
    %dma_start3A_356 = arith.constant 0 : i32
    %dma_start3A_357 = arith.constant 0 : i32
    %dma_start3A_358 = arith.constant 0 : i32
    %dma_start3A_359 = tpu.memref_slice %arg8[%dma_start3A_356, %dma_start3A_357, %dma_start3A_358] : memref<2x80x128xf32, #tpu.memory_space<vmem>> -> memref<1x80x128xf32, #tpu.memory_space<vmem>>
    %dma_start3A_360 = tpu.memref_squeeze %dma_start3A_359 : memref<1x80x128xf32, #tpu.memory_space<vmem>> -> memref<80x128xf32, #tpu.memory_space<vmem>>
    %dma_start3A_361 = arith.constant 40 : i32
    %dma_start3A_362 = arith.constant 0 : i32
    %dma_start3A_363 = tpu.memref_slice %dma_start3A_360[%dma_start3A_361, %dma_start3A_362] : memref<80x128xf32, #tpu.memory_space<vmem>> -> memref<40x128xf32, #tpu.memory_space<vmem>>
    %dma_start3A_364 = arith.constant 40 : i32
    %dma_start3A_365 = tpu.memref_slice %arg6[%dma_start3A_364] : memref<5040xi32, #tpu.memory_space<vmem>> -> memref<40xi32, #tpu.memory_space<vmem>>
    %dma_start3A_366 = arith.constant 0 : i32
    %dma_start3A_367 = arith.constant 0 : i32
    %dma_start3A_368 = tpu.memref_slice %arg2[%dma_start3A_366, %dma_start3A_367] : memref<10000x128xf32, #tpu.memory_space<hbm>> -> memref<10000x128xf32, #tpu.memory_space<hbm>>
    tpu.enqueue_indirect_dma source(%dma_start3A_368 : memref<10000x128xf32, #tpu.memory_space<hbm>>) target(%dma_start3A_363 : memref<40x128xf32, #tpu.memory_space<vmem>>) offsets(%dma_start3A_365 : memref<40xi32, #tpu.memory_space<vmem>>) semaphore(%arg13 : memref<!tpu.dma_semaphore, #tpu.memory_space<semaphore_mem>>)
    %get3A = arith.constant 0 : index
    %get3A_369 = tpu.vector_load %arg7[%get3A] {strides = array<i32>} : memref<10000xi32, #tpu.memory_space<vmem>>, vector<16xi32>,
    %shift_right_logical3A = arith.constant 4 : i32
    %shift_right_logical3A_370 = vector.broadcast %shift_right_logical3A : i32 to vector<16xi32>
    %shift_right_logical3A_371 = arith.shrui %get3A_369, %shift_right_logical3A_370 : vector<16xi32>
    %and3A = arith.constant 15 : i32
    %and3A_372 = vector.broadcast %and3A : i32 to vector<16xi32>
    %and3A_373 = arith.andi %get3A_369, %and3A_372 : vector<16xi32>
    tpu.vector_store_idx %arg9[%shift_right_logical3A_371, %and3A_373], %broadcast_in_dim3A_3 {add = true} : memref<640x16xf32, #tpu.memory_space<vmem>>[vector<16xi32>, vector<16xi32>], vector<16xf32>,
    %get3A_374 = arith.constant 16 : index
    %get3A_375 = tpu.vector_load %arg7[%get3A_374] {strides = array<i32>} : memref<10000xi32, #tpu.memory_space<vmem>>, vector<16xi32>,
    %shift_right_logical3A_376 = arith.constant 4 : i32
    %shift_right_logical3A_377 = vector.broadcast %shift_right_logical3A_376 : i32 to vector<16xi32>
    %shift_right_logical3A_378 = arith.shrui %get3A_375, %shift_right_logical3A_377 : vector<16xi32>
    %and3A_379 = arith.constant 15 : i32
    %and3A_380 = vector.broadcast %and3A_379 : i32 to vector<16xi32>
    %and3A_381 = arith.andi %get3A_375, %and3A_380 : vector<16xi32>
    tpu.vector_store_idx %arg9[%shift_right_logical3A_378, %and3A_381], %broadcast_in_dim3A_3 {add = true} : memref<640x16xf32, #tpu.memory_space<vmem>>[vector<16xi32>, vector<16xi32>], vector<16xf32>,
    %get3A_382 = arith.constant 32 : index
    %get3A_383 = tpu.vector_load %arg7[%get3A_382] {strides = array<i32>} : memref<10000xi32, #tpu.memory_space<vmem>>, vector<16xi32>,
    %shift_right_logical3A_384 = arith.constant 4 : i32
    %shift_right_logical3A_385 = vector.broadcast %shift_right_logical3A_384 : i32 to vector<16xi32>
    %shift_right_logical3A_386 = arith.shrui %get3A_383, %shift_right_logical3A_385 : vector<16xi32>
    %and3A_387 = arith.constant 15 : i32
    %and3A_388 = vector.broadcast %and3A_387 : i32 to vector<16xi32>
    %and3A_389 = arith.andi %get3A_383, %and3A_388 : vector<16xi32>
    tpu.vector_store_idx %arg9[%shift_right_logical3A_386, %and3A_389], %broadcast_in_dim3A_3 {add = true} : memref<640x16xf32, #tpu.memory_space<vmem>>[vector<16xi32>, vector<16xi32>], vector<16xf32>,
    %get3A_390 = arith.constant 48 : index
    %get3A_391 = tpu.vector_load %arg7[%get3A_390] {strides = array<i32>} : memref<10000xi32, #tpu.memory_space<vmem>>, vector<16xi32>,
    %shift_right_logical3A_392 = arith.constant 4 : i32
    %shift_right_logical3A_393 = vector.broadcast %shift_right_logical3A_392 : i32 to vector<16xi32>
    %shift_right_logical3A_394 = arith.shrui %get3A_391, %shift_right_logical3A_393 : vector<16xi32>
    %and3A_395 = arith.constant 15 : i32
    %and3A_396 = vector.broadcast %and3A_395 : i32 to vector<16xi32>
    %and3A_397 = arith.andi %get3A_391, %and3A_396 : vector<16xi32>
    tpu.vector_store_idx %arg9[%shift_right_logical3A_394, %and3A_397], %broadcast_in_dim3A_3 {add = true} : memref<640x16xf32, #tpu.memory_space<vmem>>[vector<16xi32>, vector<16xi32>], vector<16xf32>,
    %get3A_398 = arith.constant 64 : index
    %get3A_399 = tpu.vector_load %arg7[%get3A_398] {strides = array<i32>} : memref<10000xi32, #tpu.memory_space<vmem>>, vector<16xi32>,
    %shift_right_logical3A_400 = arith.constant 4 : i32
    %shift_right_logical3A_401 = vector.broadcast %shift_right_logical3A_400 : i32 to vector<16xi32>
    %shift_right_logical3A_402 = arith.shrui %get3A_399, %shift_right_logical3A_401 : vector<16xi32>
    %and3A_403 = arith.constant 15 : i32
    %and3A_404 = vector.broadcast %and3A_403 : i32 to vector<16xi32>
    %and3A_405 = arith.andi %get3A_399, %and3A_404 : vector<16xi32>
    tpu.vector_store_idx %arg9[%shift_right_logical3A_402, %and3A_405], %broadcast_in_dim3A_3 {add = true} : memref<640x16xf32, #tpu.memory_space<vmem>>[vector<16xi32>, vector<16xi32>], vector<16xf32>,
    %scan3A_406 = arith.constant 1 : i32
    %scan3A_407 = arith.constant 0 : i32
    %scan3A_408 = arith.constant 0 : i32
    %scan3A_409 = arith.constant 0 : i32
    %scan3A_410 = arith.constant 31 : i32
    %scan3A_411 = arith.addi %scan3A_409, %scan3A_410 : i32
    %scan3A_412 = arith.constant 1 : i32
    %scan3A_413 = scf.for %scan3A_761 = %scan3A_409 to %scan3A_411 step %scan3A_412 iter_args(%scan3A_762 = %scan3A_408) -> (i32)  : i32 {
      %mul3A_763 = arith.constant 2 : i32
      %mul3A_764 = arith.muli %mul3A_763, %scan3A_761 : i32
      %add3A_765 = arith.constant 1 : i32
      %add3A_766 = arith.addi %mul3A_764, %add3A_765 : i32
      %add3A_767 = arith.constant 1 : i32
      %add3A_768 = arith.addi %mul3A_764, %add3A_767 : i32
      %mul3A_769 = arith.constant 80 : i32
      %mul3A_770 = arith.muli %add3A_768, %mul3A_769 : i32
      %dma_start3A_771 = arith.constant 0 : i32
      %dma_start3A_772 = arith.constant 0 : i32
      %dma_start3A_773 = tpu.memref_slice %arg8[%scan3A_406, %dma_start3A_771, %dma_start3A_772] : memref<2x80x128xf32, #tpu.memory_space<vmem>> -> memref<1x80x128xf32, #tpu.memory_space<vmem>>
      %dma_start3A_774 = tpu.memref_squeeze %dma_start3A_773 : memref<1x80x128xf32, #tpu.memory_space<vmem>> -> memref<80x128xf32, #tpu.memory_space<vmem>>
      %dma_start3A_775 = arith.constant 0 : i32
      %dma_start3A_776 = arith.constant 0 : i32
      %dma_start3A_777 = tpu.memref_slice %dma_start3A_774[%dma_start3A_775, %dma_start3A_776] : memref<80x128xf32, #tpu.memory_space<vmem>> -> memref<40x128xf32, #tpu.memory_space<vmem>>
      %dma_start3A_778 = tpu.memref_slice %arg6[%mul3A_770] : memref<5040xi32, #tpu.memory_space<vmem>> -> memref<40xi32, #tpu.memory_space<vmem>>
      %dma_start3A_779 = arith.constant 0 : i32
      %dma_start3A_780 = arith.constant 0 : i32
      %dma_start3A_781 = tpu.memref_slice %arg2[%dma_start3A_779, %dma_start3A_780] : memref<10000x128xf32, #tpu.memory_space<hbm>> -> memref<10000x128xf32, #tpu.memory_space<hbm>>
      tpu.enqueue_indirect_dma source(%dma_start3A_781 : memref<10000x128xf32, #tpu.memory_space<hbm>>) target(%dma_start3A_777 : memref<40x128xf32, #tpu.memory_space<vmem>>) offsets(%dma_start3A_778 : memref<40xi32, #tpu.memory_space<vmem>>) semaphore(%arg14 : memref<!tpu.dma_semaphore, #tpu.memory_space<semaphore_mem>>)
      %mul3A_782 = arith.constant 80 : i32
      %mul3A_783 = arith.muli %add3A_768, %mul3A_782 : i32
      %add3A_784 = arith.constant 40 : i32
      %add3A_785 = arith.addi %mul3A_783, %add3A_784 : i32
      %dma_start3A_786 = arith.constant 0 : i32
      %dma_start3A_787 = arith.constant 0 : i32
      %dma_start3A_788 = tpu.memref_slice %arg8[%scan3A_406, %dma_start3A_786, %dma_start3A_787] : memref<2x80x128xf32, #tpu.memory_space<vmem>> -> memref<1x80x128xf32, #tpu.memory_space<vmem>>
      %dma_start3A_789 = tpu.memref_squeeze %dma_start3A_788 : memref<1x80x128xf32, #tpu.memory_space<vmem>> -> memref<80x128xf32, #tpu.memory_space<vmem>>
      %dma_start3A_790 = arith.constant 40 : i32
      %dma_start3A_791 = arith.constant 0 : i32
      %dma_start3A_792 = tpu.memref_slice %dma_start3A_789[%dma_start3A_790, %dma_start3A_791] : memref<80x128xf32, #tpu.memory_space<vmem>> -> memref<40x128xf32, #tpu.memory_space<vmem>>
      %dma_start3A_793 = tpu.memref_slice %arg6[%add3A_785] : memref<5040xi32, #tpu.memory_space<vmem>> -> memref<40xi32, #tpu.memory_space<vmem>>
      %dma_start3A_794 = arith.constant 0 : i32
      %dma_start3A_795 = arith.constant 0 : i32
      %dma_start3A_796 = tpu.memref_slice %arg2[%dma_start3A_794, %dma_start3A_795] : memref<10000x128xf32, #tpu.memory_space<hbm>> -> memref<10000x128xf32, #tpu.memory_space<hbm>>
      tpu.enqueue_indirect_dma source(%dma_start3A_796 : memref<10000x128xf32, #tpu.memory_space<hbm>>) target(%dma_start3A_792 : memref<40x128xf32, #tpu.memory_space<vmem>>) offsets(%dma_start3A_793 : memref<40xi32, #tpu.memory_space<vmem>>) semaphore(%arg14 : memref<!tpu.dma_semaphore, #tpu.memory_space<semaphore_mem>>)
      %mul3A_797 = arith.constant 80 : i32
      %mul3A_798 = arith.muli %add3A_766, %mul3A_797 : i32
      %add3A_799 = arith.constant 0 : i32
      %add3A_800 = arith.addi %mul3A_798, %add3A_799 : i32
      %get3A_801 = arith.index_cast %add3A_800 : i32 to index
      %get3A_802 = tpu.vector_load %arg7[%get3A_801] {strides = array<i32>} : memref<10000xi32, #tpu.memory_space<vmem>>, vector<16xi32>,
      %shift_right_logical3A_803 = arith.constant 4 : i32
      %shift_right_logical3A_804 = vector.broadcast %shift_right_logical3A_803 : i32 to vector<16xi32>
      %shift_right_logical3A_805 = arith.shrui %get3A_802, %shift_right_logical3A_804 : vector<16xi32>
      %and3A_806 = arith.constant 15 : i32
      %and3A_807 = vector.broadcast %and3A_806 : i32 to vector<16xi32>
      %and3A_808 = arith.andi %get3A_802, %and3A_807 : vector<16xi32>
      tpu.vector_store_idx %arg9[%shift_right_logical3A_805, %and3A_808], %broadcast_in_dim3A_3 {add = true} : memref<640x16xf32, #tpu.memory_space<vmem>>[vector<16xi32>, vector<16xi32>], vector<16xf32>,
      %mul3A_809 = arith.constant 80 : i32
      %mul3A_810 = arith.muli %add3A_766, %mul3A_809 : i32
      %add3A_811 = arith.constant 16 : i32
      %add3A_812 = arith.addi %mul3A_810, %add3A_811 : i32
      %get3A_813 = arith.index_cast %add3A_812 : i32 to index
      %get3A_814 = tpu.vector_load %arg7[%get3A_813] {strides = array<i32>} : memref<10000xi32, #tpu.memory_space<vmem>>, vector<16xi32>,
      %shift_right_logical3A_815 = arith.constant 4 : i32
      %shift_right_logical3A_816 = vector.broadcast %shift_right_logical3A_815 : i32 to vector<16xi32>
      %shift_right_logical3A_817 = arith.shrui %get3A_814, %shift_right_logical3A_816 : vector<16xi32>
      %and3A_818 = arith.constant 15 : i32
      %and3A_819 = vector.broadcast %and3A_818 : i32 to vector<16xi32>
      %and3A_820 = arith.andi %get3A_814, %and3A_819 : vector<16xi32>
      tpu.vector_store_idx %arg9[%shift_right_logical3A_817, %and3A_820], %broadcast_in_dim3A_3 {add = true} : memref<640x16xf32, #tpu.memory_space<vmem>>[vector<16xi32>, vector<16xi32>], vector<16xf32>,
      %mul3A_821 = arith.constant 80 : i32
      %mul3A_822 = arith.muli %add3A_766, %mul3A_821 : i32
      %add3A_823 = arith.constant 32 : i32
      %add3A_824 = arith.addi %mul3A_822, %add3A_823 : i32
      %get3A_825 = arith.index_cast %add3A_824 : i32 to index
      %get3A_826 = tpu.vector_load %arg7[%get3A_825] {strides = array<i32>} : memref<10000xi32, #tpu.memory_space<vmem>>, vector<16xi32>,
      %shift_right_logical3A_827 = arith.constant 4 : i32
      %shift_right_logical3A_828 = vector.broadcast %shift_right_logical3A_827 : i32 to vector<16xi32>
      %shift_right_logical3A_829 = arith.shrui %get3A_826, %shift_right_logical3A_828 : vector<16xi32>
      %and3A_830 = arith.constant 15 : i32
      %and3A_831 = vector.broadcast %and3A_830 : i32 to vector<16xi32>
      %and3A_832 = arith.andi %get3A_826, %and3A_831 : vector<16xi32>
      tpu.vector_store_idx %arg9[%shift_right_logical3A_829, %and3A_832], %broadcast_in_dim3A_3 {add = true} : memref<640x16xf32, #tpu.memory_space<vmem>>[vector<16xi32>, vector<16xi32>], vector<16xf32>,
      %mul3A_833 = arith.constant 80 : i32
      %mul3A_834 = arith.muli %add3A_766, %mul3A_833 : i32
      %add3A_835 = arith.constant 48 : i32
      %add3A_836 = arith.addi %mul3A_834, %add3A_835 : i32
      %get3A_837 = arith.index_cast %add3A_836 : i32 to index
      %get3A_838 = tpu.vector_load %arg7[%get3A_837] {strides = array<i32>} : memref<10000xi32, #tpu.memory_space<vmem>>, vector<16xi32>,
      %shift_right_logical3A_839 = arith.constant 4 : i32
      %shift_right_logical3A_840 = vector.broadcast %shift_right_logical3A_839 : i32 to vector<16xi32>
      %shift_right_logical3A_841 = arith.shrui %get3A_838, %shift_right_logical3A_840 : vector<16xi32>
      %and3A_842 = arith.constant 15 : i32
      %and3A_843 = vector.broadcast %and3A_842 : i32 to vector<16xi32>
      %and3A_844 = arith.andi %get3A_838, %and3A_843 : vector<16xi32>
      tpu.vector_store_idx %arg9[%shift_right_logical3A_841, %and3A_844], %broadcast_in_dim3A_3 {add = true} : memref<640x16xf32, #tpu.memory_space<vmem>>[vector<16xi32>, vector<16xi32>], vector<16xf32>,
      %mul3A_845 = arith.constant 80 : i32
      %mul3A_846 = arith.muli %add3A_766, %mul3A_845 : i32
      %add3A_847 = arith.constant 64 : i32
      %add3A_848 = arith.addi %mul3A_846, %add3A_847 : i32
      %get3A_849 = arith.index_cast %add3A_848 : i32 to index
      %get3A_850 = tpu.vector_load %arg7[%get3A_849] {strides = array<i32>} : memref<10000xi32, #tpu.memory_space<vmem>>, vector<16xi32>,
      %shift_right_logical3A_851 = arith.constant 4 : i32
      %shift_right_logical3A_852 = vector.broadcast %shift_right_logical3A_851 : i32 to vector<16xi32>
      %shift_right_logical3A_853 = arith.shrui %get3A_850, %shift_right_logical3A_852 : vector<16xi32>
      %and3A_854 = arith.constant 15 : i32
      %and3A_855 = vector.broadcast %and3A_854 : i32 to vector<16xi32>
      %and3A_856 = arith.andi %get3A_850, %and3A_855 : vector<16xi32>
      tpu.vector_store_idx %arg9[%shift_right_logical3A_853, %and3A_856], %broadcast_in_dim3A_3 {add = true} : memref<640x16xf32, #tpu.memory_space<vmem>>[vector<16xi32>, vector<16xi32>], vector<16xf32>,
      %mul3A_857 = arith.constant 80 : i32
      %mul3A_858 = arith.muli %mul3A_764, %mul3A_857 : i32
      %dma_wait3A_859 = arith.constant 0 : i32
      %dma_wait3A_860 = arith.constant 0 : i32
      %dma_wait3A_861 = tpu.memref_slice %arg8[%scan3A_407, %dma_wait3A_859, %dma_wait3A_860] : memref<2x80x128xf32, #tpu.memory_space<vmem>> -> memref<1x80x128xf32, #tpu.memory_space<vmem>>
      %dma_wait3A_862 = tpu.memref_squeeze %dma_wait3A_861 : memref<1x80x128xf32, #tpu.memory_space<vmem>> -> memref<80x128xf32, #tpu.memory_space<vmem>>
      %dma_wait3A_863 = arith.constant 0 : i32
      %dma_wait3A_864 = arith.constant 0 : i32
      %dma_wait3A_865 = tpu.memref_slice %dma_wait3A_862[%dma_wait3A_863, %dma_wait3A_864] : memref<80x128xf32, #tpu.memory_space<vmem>> -> memref<40x128xf32, #tpu.memory_space<vmem>>
      %dma_wait3A_866 = tpu.memref_slice %arg6[%mul3A_858] : memref<5040xi32, #tpu.memory_space<vmem>> -> memref<40xi32, #tpu.memory_space<vmem>>
      %dma_wait3A_867 = arith.constant 0 : i32
      %dma_wait3A_868 = arith.constant 0 : i32
      %dma_wait3A_869 = tpu.memref_slice %arg2[%dma_wait3A_867, %dma_wait3A_868] : memref<10000x128xf32, #tpu.memory_space<hbm>> -> memref<10000x128xf32, #tpu.memory_space<hbm>>
      tpu.wait_indirect_dma semaphore(%arg13 : memref<!tpu.dma_semaphore, #tpu.memory_space<semaphore_mem>>) src(%dma_wait3A_869 : memref<10000x128xf32, #tpu.memory_space<hbm>>) dst(%dma_wait3A_865 : memref<40x128xf32, #tpu.memory_space<vmem>>)
      %mul3A_870 = arith.constant 80 : i32
      %mul3A_871 = arith.muli %mul3A_764, %mul3A_870 : i32
      %add3A_872 = arith.constant 40 : i32
      %add3A_873 = arith.addi %mul3A_871, %add3A_872 : i32
      %dma_wait3A_874 = arith.constant 0 : i32
      %dma_wait3A_875 = arith.constant 0 : i32
      %dma_wait3A_876 = tpu.memref_slice %arg8[%scan3A_407, %dma_wait3A_874, %dma_wait3A_875] : memref<2x80x128xf32, #tpu.memory_space<vmem>> -> memref<1x80x128xf32, #tpu.memory_space<vmem>>
      %dma_wait3A_877 = tpu.memref_squeeze %dma_wait3A_876 : memref<1x80x128xf32, #tpu.memory_space<vmem>> -> memref<80x128xf32, #tpu.memory_space<vmem>>
      %dma_wait3A_878 = arith.constant 40 : i32
      %dma_wait3A_879 = arith.constant 0 : i32
      %dma_wait3A_880 = tpu.memref_slice %dma_wait3A_877[%dma_wait3A_878, %dma_wait3A_879] : memref<80x128xf32, #tpu.memory_space<vmem>> -> memref<40x128xf32, #tpu.memory_space<vmem>>
      %dma_wait3A_881 = tpu.memref_slice %arg6[%add3A_873] : memref<5040xi32, #tpu.memory_space<vmem>> -> memref<40xi32, #tpu.memory_space<vmem>>
      %dma_wait3A_882 = arith.constant 0 : i32
      %dma_wait3A_883 = arith.constant 0 : i32
      %dma_wait3A_884 = tpu.memref_slice %arg2[%dma_wait3A_882, %dma_wait3A_883] : memref<10000x128xf32, #tpu.memory_space<hbm>> -> memref<10000x128xf32, #tpu.memory_space<hbm>>
      tpu.wait_indirect_dma semaphore(%arg13 : memref<!tpu.dma_semaphore, #tpu.memory_space<semaphore_mem>>) src(%dma_wait3A_884 : memref<10000x128xf32, #tpu.memory_space<hbm>>) dst(%dma_wait3A_880 : memref<40x128xf32, #tpu.memory_space<vmem>>)
      %mul3A_885 = arith.constant 80 : i32
      %mul3A_886 = arith.muli %mul3A_764, %mul3A_885 : i32
      "tpu.region"() ({
        %run_scoped3A_1014 = tpu.sem_alloc : memref<!tpu.dma_semaphore, #tpu.memory_space<semaphore_mem>>
        %dma_start3A_1015 = arith.constant 0 : i32
        %dma_start3A_1016 = arith.constant 0 : i32
        %dma_start3A_1017 = tpu.memref_slice %arg8[%scan3A_407, %dma_start3A_1015, %dma_start3A_1016] : memref<2x80x128xf32, #tpu.memory_space<vmem>> -> memref<1x80x128xf32, #tpu.memory_space<vmem>>
        %dma_start3A_1018 = tpu.memref_squeeze %dma_start3A_1017 : memref<1x80x128xf32, #tpu.memory_space<vmem>> -> memref<80x128xf32, #tpu.memory_space<vmem>>
        %dma_start3A_1019 = tpu.memref_slice %arg7[%mul3A_886] : memref<10000xi32, #tpu.memory_space<vmem>> -> memref<80xi32, #tpu.memory_space<vmem>>
        %dma_start3A_1020 = arith.constant 0 : i32
        %dma_start3A_1021 = arith.constant 0 : i32
        %dma_start3A_1022 = tpu.memref_slice %arg11[%dma_start3A_1020, %dma_start3A_1021] : memref<10000x128xf32, #tpu.memory_space<vmem_shared>> -> memref<10000x128xf32, #tpu.memory_space<vmem_shared>>
        tpu.enqueue_indirect_dma source(%dma_start3A_1018 : memref<80x128xf32, #tpu.memory_space<vmem>>) target(%dma_start3A_1022 : memref<10000x128xf32, #tpu.memory_space<vmem_shared>>) offsets(%dma_start3A_1019 : memref<80xi32, #tpu.memory_space<vmem>>) semaphore(%run_scoped3A_1014 : memref<!tpu.dma_semaphore, #tpu.memory_space<semaphore_mem>>) {add = true}
        %dma_wait3A_1023 = arith.constant 0 : i32
        %dma_wait3A_1024 = arith.constant 0 : i32
        %dma_wait3A_1025 = tpu.memref_slice %arg8[%scan3A_407, %dma_wait3A_1023, %dma_wait3A_1024] : memref<2x80x128xf32, #tpu.memory_space<vmem>> -> memref<1x80x128xf32, #tpu.memory_space<vmem>>
        %dma_wait3A_1026 = tpu.memref_squeeze %dma_wait3A_1025 : memref<1x80x128xf32, #tpu.memory_space<vmem>> -> memref<80x128xf32, #tpu.memory_space<vmem>>
        %dma_wait3A_1027 = tpu.memref_slice %arg7[%mul3A_886] : memref<10000xi32, #tpu.memory_space<vmem>> -> memref<80xi32, #tpu.memory_space<vmem>>
        %dma_wait3A_1028 = arith.constant 0 : i32
        %dma_wait3A_1029 = arith.constant 0 : i32
        %dma_wait3A_1030 = tpu.memref_slice %arg11[%dma_wait3A_1028, %dma_wait3A_1029] : memref<10000x128xf32, #tpu.memory_space<vmem_shared>> -> memref<10000x128xf32, #tpu.memory_space<vmem_shared>>
        tpu.wait_indirect_dma semaphore(%run_scoped3A_1014 : memref<!tpu.dma_semaphore, #tpu.memory_space<semaphore_mem>>) src(%dma_wait3A_1026 : memref<80x128xf32, #tpu.memory_space<vmem>>) dst(%dma_wait3A_1030 : memref<10000x128xf32, #tpu.memory_space<vmem_shared>>)
        tpu.yield
      }) : () -> ()
      %add3A_887 = arith.constant 2 : i32
      %add3A_888 = arith.addi %mul3A_764, %add3A_887 : i32
      %add3A_889 = arith.constant 2 : i32
      %add3A_890 = arith.addi %mul3A_764, %add3A_889 : i32
      %mul3A_891 = arith.constant 80 : i32
      %mul3A_892 = arith.muli %add3A_890, %mul3A_891 : i32
      %dma_start3A_893 = arith.constant 0 : i32
      %dma_start3A_894 = arith.constant 0 : i32
      %dma_start3A_895 = tpu.memref_slice %arg8[%scan3A_407, %dma_start3A_893, %dma_start3A_894] : memref<2x80x128xf32, #tpu.memory_space<vmem>> -> memref<1x80x128xf32, #tpu.memory_space<vmem>>
      %dma_start3A_896 = tpu.memref_squeeze %dma_start3A_895 : memref<1x80x128xf32, #tpu.memory_space<vmem>> -> memref<80x128xf32, #tpu.memory_space<vmem>>
      %dma_start3A_897 = arith.constant 0 : i32
      %dma_start3A_898 = arith.constant 0 : i32
      %dma_start3A_899 = tpu.memref_slice %dma_start3A_896[%dma_start3A_897, %dma_start3A_898] : memref<80x128xf32, #tpu.memory_space<vmem>> -> memref<40x128xf32, #tpu.memory_space<vmem>>
      %dma_start3A_900 = tpu.memref_slice %arg6[%mul3A_892] : memref<5040xi32, #tpu.memory_space<vmem>> -> memref<40xi32, #tpu.memory_space<vmem>>
      %dma_start3A_901 = arith.constant 0 : i32
      %dma_start3A_902 = arith.constant 0 : i32
      %dma_start3A_903 = tpu.memref_slice %arg2[%dma_start3A_901, %dma_start3A_902] : memref<10000x128xf32, #tpu.memory_space<hbm>> -> memref<10000x128xf32, #tpu.memory_space<hbm>>
      tpu.enqueue_indirect_dma source(%dma_start3A_903 : memref<10000x128xf32, #tpu.memory_space<hbm>>) target(%dma_start3A_899 : memref<40x128xf32, #tpu.memory_space<vmem>>) offsets(%dma_start3A_900 : memref<40xi32, #tpu.memory_space<vmem>>) semaphore(%arg13 : memref<!tpu.dma_semaphore, #tpu.memory_space<semaphore_mem>>)
      %mul3A_904 = arith.constant 80 : i32
      %mul3A_905 = arith.muli %add3A_890, %mul3A_904 : i32
      %add3A_906 = arith.constant 40 : i32
      %add3A_907 = arith.addi %mul3A_905, %add3A_906 : i32
      %dma_start3A_908 = arith.constant 0 : i32
      %dma_start3A_909 = arith.constant 0 : i32
      %dma_start3A_910 = tpu.memref_slice %arg8[%scan3A_407, %dma_start3A_908, %dma_start3A_909] : memref<2x80x128xf32, #tpu.memory_space<vmem>> -> memref<1x80x128xf32, #tpu.memory_space<vmem>>
      %dma_start3A_911 = tpu.memref_squeeze %dma_start3A_910 : memref<1x80x128xf32, #tpu.memory_space<vmem>> -> memref<80x128xf32, #tpu.memory_space<vmem>>
      %dma_start3A_912 = arith.constant 40 : i32
      %dma_start3A_913 = arith.constant 0 : i32
      %dma_start3A_914 = tpu.memref_slice %dma_start3A_911[%dma_start3A_912, %dma_start3A_913] : memref<80x128xf32, #tpu.memory_space<vmem>> -> memref<40x128xf32, #tpu.memory_space<vmem>>
      %dma_start3A_915 = tpu.memref_slice %arg6[%add3A_907] : memref<5040xi32, #tpu.memory_space<vmem>> -> memref<40xi32, #tpu.memory_space<vmem>>
      %dma_start3A_916 = arith.constant 0 : i32
      %dma_start3A_917 = arith.constant 0 : i32
      %dma_start3A_918 = tpu.memref_slice %arg2[%dma_start3A_916, %dma_start3A_917] : memref<10000x128xf32, #tpu.memory_space<hbm>> -> memref<10000x128xf32, #tpu.memory_space<hbm>>
      tpu.enqueue_indirect_dma source(%dma_start3A_918 : memref<10000x128xf32, #tpu.memory_space<hbm>>) target(%dma_start3A_914 : memref<40x128xf32, #tpu.memory_space<vmem>>) offsets(%dma_start3A_915 : memref<40xi32, #tpu.memory_space<vmem>>) semaphore(%arg13 : memref<!tpu.dma_semaphore, #tpu.memory_space<semaphore_mem>>)
      %mul3A_919 = arith.constant 80 : i32
      %mul3A_920 = arith.muli %add3A_888, %mul3A_919 : i32
      %add3A_921 = arith.constant 0 : i32
      %add3A_922 = arith.addi %mul3A_920, %add3A_921 : i32
      %get3A_923 = arith.index_cast %add3A_922 : i32 to index
      %get3A_924 = tpu.vector_load %arg7[%get3A_923] {strides = array<i32>} : memref<10000xi32, #tpu.memory_space<vmem>>, vector<16xi32>,
      %shift_right_logical3A_925 = arith.constant 4 : i32
      %shift_right_logical3A_926 = vector.broadcast %shift_right_logical3A_925 : i32 to vector<16xi32>
      %shift_right_logical3A_927 = arith.shrui %get3A_924, %shift_right_logical3A_926 : vector<16xi32>
      %and3A_928 = arith.constant 15 : i32
      %and3A_929 = vector.broadcast %and3A_928 : i32 to vector<16xi32>
      %and3A_930 = arith.andi %get3A_924, %and3A_929 : vector<16xi32>
      tpu.vector_store_idx %arg9[%shift_right_logical3A_927, %and3A_930], %broadcast_in_dim3A_3 {add = true} : memref<640x16xf32, #tpu.memory_space<vmem>>[vector<16xi32>, vector<16xi32>], vector<16xf32>,
      %mul3A_931 = arith.constant 80 : i32
      %mul3A_932 = arith.muli %add3A_888, %mul3A_931 : i32
      %add3A_933 = arith.constant 16 : i32
      %add3A_934 = arith.addi %mul3A_932, %add3A_933 : i32
      %get3A_935 = arith.index_cast %add3A_934 : i32 to index
      %get3A_936 = tpu.vector_load %arg7[%get3A_935] {strides = array<i32>} : memref<10000xi32, #tpu.memory_space<vmem>>, vector<16xi32>,
      %shift_right_logical3A_937 = arith.constant 4 : i32
      %shift_right_logical3A_938 = vector.broadcast %shift_right_logical3A_937 : i32 to vector<16xi32>
      %shift_right_logical3A_939 = arith.shrui %get3A_936, %shift_right_logical3A_938 : vector<16xi32>
      %and3A_940 = arith.constant 15 : i32
      %and3A_941 = vector.broadcast %and3A_940 : i32 to vector<16xi32>
      %and3A_942 = arith.andi %get3A_936, %and3A_941 : vector<16xi32>
      tpu.vector_store_idx %arg9[%shift_right_logical3A_939, %and3A_942], %broadcast_in_dim3A_3 {add = true} : memref<640x16xf32, #tpu.memory_space<vmem>>[vector<16xi32>, vector<16xi32>], vector<16xf32>,
      %mul3A_943 = arith.constant 80 : i32
      %mul3A_944 = arith.muli %add3A_888, %mul3A_943 : i32
      %add3A_945 = arith.constant 32 : i32
      %add3A_946 = arith.addi %mul3A_944, %add3A_945 : i32
      %get3A_947 = arith.index_cast %add3A_946 : i32 to index
      %get3A_948 = tpu.vector_load %arg7[%get3A_947] {strides = array<i32>} : memref<10000xi32, #tpu.memory_space<vmem>>, vector<16xi32>,
      %shift_right_logical3A_949 = arith.constant 4 : i32
      %shift_right_logical3A_950 = vector.broadcast %shift_right_logical3A_949 : i32 to vector<16xi32>
      %shift_right_logical3A_951 = arith.shrui %get3A_948, %shift_right_logical3A_950 : vector<16xi32>
      %and3A_952 = arith.constant 15 : i32
      %and3A_953 = vector.broadcast %and3A_952 : i32 to vector<16xi32>
      %and3A_954 = arith.andi %get3A_948, %and3A_953 : vector<16xi32>
      tpu.vector_store_idx %arg9[%shift_right_logical3A_951, %and3A_954], %broadcast_in_dim3A_3 {add = true} : memref<640x16xf32, #tpu.memory_space<vmem>>[vector<16xi32>, vector<16xi32>], vector<16xf32>,
      %mul3A_955 = arith.constant 80 : i32
      %mul3A_956 = arith.muli %add3A_888, %mul3A_955 : i32
      %add3A_957 = arith.constant 48 : i32
      %add3A_958 = arith.addi %mul3A_956, %add3A_957 : i32
      %get3A_959 = arith.index_cast %add3A_958 : i32 to index
      %get3A_960 = tpu.vector_load %arg7[%get3A_959] {strides = array<i32>} : memref<10000xi32, #tpu.memory_space<vmem>>, vector<16xi32>,
      %shift_right_logical3A_961 = arith.constant 4 : i32
      %shift_right_logical3A_962 = vector.broadcast %shift_right_logical3A_961 : i32 to vector<16xi32>
      %shift_right_logical3A_963 = arith.shrui %get3A_960, %shift_right_logical3A_962 : vector<16xi32>
      %and3A_964 = arith.constant 15 : i32
      %and3A_965 = vector.broadcast %and3A_964 : i32 to vector<16xi32>
      %and3A_966 = arith.andi %get3A_960, %and3A_965 : vector<16xi32>
      tpu.vector_store_idx %arg9[%shift_right_logical3A_963, %and3A_966], %broadcast_in_dim3A_3 {add = true} : memref<640x16xf32, #tpu.memory_space<vmem>>[vector<16xi32>, vector<16xi32>], vector<16xf32>,
      %mul3A_967 = arith.constant 80 : i32
      %mul3A_968 = arith.muli %add3A_888, %mul3A_967 : i32
      %add3A_969 = arith.constant 64 : i32
      %add3A_970 = arith.addi %mul3A_968, %add3A_969 : i32
      %get3A_971 = arith.index_cast %add3A_970 : i32 to index
      %get3A_972 = tpu.vector_load %arg7[%get3A_971] {strides = array<i32>} : memref<10000xi32, #tpu.memory_space<vmem>>, vector<16xi32>,
      %shift_right_logical3A_973 = arith.constant 4 : i32
      %shift_right_logical3A_974 = vector.broadcast %shift_right_logical3A_973 : i32 to vector<16xi32>
      %shift_right_logical3A_975 = arith.shrui %get3A_972, %shift_right_logical3A_974 : vector<16xi32>
      %and3A_976 = arith.constant 15 : i32
      %and3A_977 = vector.broadcast %and3A_976 : i32 to vector<16xi32>
      %and3A_978 = arith.andi %get3A_972, %and3A_977 : vector<16xi32>
      tpu.vector_store_idx %arg9[%shift_right_logical3A_975, %and3A_978], %broadcast_in_dim3A_3 {add = true} : memref<640x16xf32, #tpu.memory_space<vmem>>[vector<16xi32>, vector<16xi32>], vector<16xf32>,
      %add3A_979 = arith.constant 1 : i32
      %add3A_980 = arith.addi %mul3A_764, %add3A_979 : i32
      %add3A_981 = arith.constant 1 : i32
      %add3A_982 = arith.addi %mul3A_764, %add3A_981 : i32
      %mul3A_983 = arith.constant 80 : i32
      %mul3A_984 = arith.muli %add3A_982, %mul3A_983 : i32
      %dma_wait3A_985 = arith.constant 0 : i32
      %dma_wait3A_986 = arith.constant 0 : i32
      %dma_wait3A_987 = tpu.memref_slice %arg8[%scan3A_406, %dma_wait3A_985, %dma_wait3A_986] : memref<2x80x128xf32, #tpu.memory_space<vmem>> -> memref<1x80x128xf32, #tpu.memory_space<vmem>>
      %dma_wait3A_988 = tpu.memref_squeeze %dma_wait3A_987 : memref<1x80x128xf32, #tpu.memory_space<vmem>> -> memref<80x128xf32, #tpu.memory_space<vmem>>
      %dma_wait3A_989 = arith.constant 0 : i32
      %dma_wait3A_990 = arith.constant 0 : i32
      %dma_wait3A_991 = tpu.memref_slice %dma_wait3A_988[%dma_wait3A_989, %dma_wait3A_990] : memref<80x128xf32, #tpu.memory_space<vmem>> -> memref<40x128xf32, #tpu.memory_space<vmem>>
      %dma_wait3A_992 = tpu.memref_slice %arg6[%mul3A_984] : memref<5040xi32, #tpu.memory_space<vmem>> -> memref<40xi32, #tpu.memory_space<vmem>>
      %dma_wait3A_993 = arith.constant 0 : i32
      %dma_wait3A_994 = arith.constant 0 : i32
      %dma_wait3A_995 = tpu.memref_slice %arg2[%dma_wait3A_993, %dma_wait3A_994] : memref<10000x128xf32, #tpu.memory_space<hbm>> -> memref<10000x128xf32, #tpu.memory_space<hbm>>
      tpu.wait_indirect_dma semaphore(%arg14 : memref<!tpu.dma_semaphore, #tpu.memory_space<semaphore_mem>>) src(%dma_wait3A_995 : memref<10000x128xf32, #tpu.memory_space<hbm>>) dst(%dma_wait3A_991 : memref<40x128xf32, #tpu.memory_space<vmem>>)
      %mul3A_996 = arith.constant 80 : i32
      %mul3A_997 = arith.muli %add3A_982, %mul3A_996 : i32
      %add3A_998 = arith.constant 40 : i32
      %add3A_999 = arith.addi %mul3A_997, %add3A_998 : i32
      %dma_wait3A_1000 = arith.constant 0 : i32
      %dma_wait3A_1001 = arith.constant 0 : i32
      %dma_wait3A_1002 = tpu.memref_slice %arg8[%scan3A_406, %dma_wait3A_1000, %dma_wait3A_1001] : memref<2x80x128xf32, #tpu.memory_space<vmem>> -> memref<1x80x128xf32, #tpu.memory_space<vmem>>
      %dma_wait3A_1003 = tpu.memref_squeeze %dma_wait3A_1002 : memref<1x80x128xf32, #tpu.memory_space<vmem>> -> memref<80x128xf32, #tpu.memory_space<vmem>>
      %dma_wait3A_1004 = arith.constant 40 : i32
      %dma_wait3A_1005 = arith.constant 0 : i32
      %dma_wait3A_1006 = tpu.memref_slice %dma_wait3A_1003[%dma_wait3A_1004, %dma_wait3A_1005] : memref<80x128xf32, #tpu.memory_space<vmem>> -> memref<40x128xf32, #tpu.memory_space<vmem>>
      %dma_wait3A_1007 = tpu.memref_slice %arg6[%add3A_999] : memref<5040xi32, #tpu.memory_space<vmem>> -> memref<40xi32, #tpu.memory_space<vmem>>
      %dma_wait3A_1008 = arith.constant 0 : i32
      %dma_wait3A_1009 = arith.constant 0 : i32
      %dma_wait3A_1010 = tpu.memref_slice %arg2[%dma_wait3A_1008, %dma_wait3A_1009] : memref<10000x128xf32, #tpu.memory_space<hbm>> -> memref<10000x128xf32, #tpu.memory_space<hbm>>
      tpu.wait_indirect_dma semaphore(%arg14 : memref<!tpu.dma_semaphore, #tpu.memory_space<semaphore_mem>>) src(%dma_wait3A_1010 : memref<10000x128xf32, #tpu.memory_space<hbm>>) dst(%dma_wait3A_1006 : memref<40x128xf32, #tpu.memory_space<vmem>>)
      %mul3A_1011 = arith.constant 80 : i32
      %mul3A_1012 = arith.muli %add3A_980, %mul3A_1011 : i32
      "tpu.region"() ({
        %run_scoped3A_1014 = tpu.sem_alloc : memref<!tpu.dma_semaphore, #tpu.memory_space<semaphore_mem>>
        %dma_start3A_1015 = arith.constant 0 : i32
        %dma_start3A_1016 = arith.constant 0 : i32
        %dma_start3A_1017 = tpu.memref_slice %arg8[%scan3A_406, %dma_start3A_1015, %dma_start3A_1016] : memref<2x80x128xf32, #tpu.memory_space<vmem>> -> memref<1x80x128xf32, #tpu.memory_space<vmem>>
        %dma_start3A_1018 = tpu.memref_squeeze %dma_start3A_1017 : memref<1x80x128xf32, #tpu.memory_space<vmem>> -> memref<80x128xf32, #tpu.memory_space<vmem>>
        %dma_start3A_1019 = tpu.memref_slice %arg7[%mul3A_1012] : memref<10000xi32, #tpu.memory_space<vmem>> -> memref<80xi32, #tpu.memory_space<vmem>>
        %dma_start3A_1020 = arith.constant 0 : i32
        %dma_start3A_1021 = arith.constant 0 : i32
        %dma_start3A_1022 = tpu.memref_slice %arg11[%dma_start3A_1020, %dma_start3A_1021] : memref<10000x128xf32, #tpu.memory_space<vmem_shared>> -> memref<10000x128xf32, #tpu.memory_space<vmem_shared>>
        tpu.enqueue_indirect_dma source(%dma_start3A_1018 : memref<80x128xf32, #tpu.memory_space<vmem>>) target(%dma_start3A_1022 : memref<10000x128xf32, #tpu.memory_space<vmem_shared>>) offsets(%dma_start3A_1019 : memref<80xi32, #tpu.memory_space<vmem>>) semaphore(%run_scoped3A_1014 : memref<!tpu.dma_semaphore, #tpu.memory_space<semaphore_mem>>) {add = true}
        %dma_wait3A_1023 = arith.constant 0 : i32
        %dma_wait3A_1024 = arith.constant 0 : i32
        %dma_wait3A_1025 = tpu.memref_slice %arg8[%scan3A_406, %dma_wait3A_1023, %dma_wait3A_1024] : memref<2x80x128xf32, #tpu.memory_space<vmem>> -> memref<1x80x128xf32, #tpu.memory_space<vmem>>
        %dma_wait3A_1026 = tpu.memref_squeeze %dma_wait3A_1025 : memref<1x80x128xf32, #tpu.memory_space<vmem>> -> memref<80x128xf32, #tpu.memory_space<vmem>>
        %dma_wait3A_1027 = tpu.memref_slice %arg7[%mul3A_1012] : memref<10000xi32, #tpu.memory_space<vmem>> -> memref<80xi32, #tpu.memory_space<vmem>>
        %dma_wait3A_1028 = arith.constant 0 : i32
        %dma_wait3A_1029 = arith.constant 0 : i32
        %dma_wait3A_1030 = tpu.memref_slice %arg11[%dma_wait3A_1028, %dma_wait3A_1029] : memref<10000x128xf32, #tpu.memory_space<vmem_shared>> -> memref<10000x128xf32, #tpu.memory_space<vmem_shared>>
        tpu.wait_indirect_dma semaphore(%run_scoped3A_1014 : memref<!tpu.dma_semaphore, #tpu.memory_space<semaphore_mem>>) src(%dma_wait3A_1026 : memref<80x128xf32, #tpu.memory_space<vmem>>) dst(%dma_wait3A_1030 : memref<10000x128xf32, #tpu.memory_space<vmem_shared>>)
        tpu.yield
      }) : () -> ()
      %scan3A_1013 = arith.constant 0 : i32
      scf.yield %scan3A_1013 : i32
    }
    %scan3A_414 = arith.constant 31 : i32
    %dma_wait3A_415 = arith.constant 0 : i32
    %dma_wait3A_416 = arith.constant 0 : i32
    %dma_wait3A_417 = arith.constant 0 : i32
    %dma_wait3A_418 = tpu.memref_slice %arg8[%dma_wait3A_415, %dma_wait3A_416, %dma_wait3A_417] : memref<2x80x128xf32, #tpu.memory_space<vmem>> -> memref<1x80x128xf32, #tpu.memory_space<vmem>>
    %dma_wait3A_419 = tpu.memref_squeeze %dma_wait3A_418 : memref<1x80x128xf32, #tpu.memory_space<vmem>> -> memref<80x128xf32, #tpu.memory_space<vmem>>
    %dma_wait3A_420 = arith.constant 0 : i32
    %dma_wait3A_421 = arith.constant 0 : i32
    %dma_wait3A_422 = tpu.memref_slice %dma_wait3A_419[%dma_wait3A_420, %dma_wait3A_421] : memref<80x128xf32, #tpu.memory_space<vmem>> -> memref<40x128xf32, #tpu.memory_space<vmem>>
    %dma_wait3A_423 = arith.constant 4960 : i32
    %dma_wait3A_424 = tpu.memref_slice %arg6[%dma_wait3A_423] : memref<5040xi32, #tpu.memory_space<vmem>> -> memref<40xi32, #tpu.memory_space<vmem>>
    %dma_wait3A_425 = arith.constant 0 : i32
    %dma_wait3A_426 = arith.constant 0 : i32
    %dma_wait3A_427 = tpu.memref_slice %arg2[%dma_wait3A_425, %dma_wait3A_426] : memref<10000x128xf32, #tpu.memory_space<hbm>> -> memref<10000x128xf32, #tpu.memory_space<hbm>>
    tpu.wait_indirect_dma semaphore(%arg13 : memref<!tpu.dma_semaphore, #tpu.memory_space<semaphore_mem>>) src(%dma_wait3A_427 : memref<10000x128xf32, #tpu.memory_space<hbm>>) dst(%dma_wait3A_422 : memref<40x128xf32, #tpu.memory_space<vmem>>)
    %dma_wait3A_428 = arith.constant 0 : i32
    %dma_wait3A_429 = arith.constant 0 : i32
    %dma_wait3A_430 = arith.constant 0 : i32
    %dma_wait3A_431 = tpu.memref_slice %arg8[%dma_wait3A_428, %dma_wait3A_429, %dma_wait3A_430] : memref<2x80x128xf32, #tpu.memory_space<vmem>> -> memref<1x80x128xf32, #tpu.memory_space<vmem>>
    %dma_wait3A_432 = tpu.memref_squeeze %dma_wait3A_431 : memref<1x80x128xf32, #tpu.memory_space<vmem>> -> memref<80x128xf32, #tpu.memory_space<vmem>>
    %dma_wait3A_433 = arith.constant 40 : i32
    %dma_wait3A_434 = arith.constant 0 : i32
    %dma_wait3A_435 = tpu.memref_slice %dma_wait3A_432[%dma_wait3A_433, %dma_wait3A_434] : memref<80x128xf32, #tpu.memory_space<vmem>> -> memref<40x128xf32, #tpu.memory_space<vmem>>
    %dma_wait3A_436 = arith.constant 5000 : i32
    %dma_wait3A_437 = tpu.memref_slice %arg6[%dma_wait3A_436] : memref<5040xi32, #tpu.memory_space<vmem>> -> memref<40xi32, #tpu.memory_space<vmem>>
    %dma_wait3A_438 = arith.constant 0 : i32
    %dma_wait3A_439 = arith.constant 0 : i32
    %dma_wait3A_440 = tpu.memref_slice %arg2[%dma_wait3A_438, %dma_wait3A_439] : memref<10000x128xf32, #tpu.memory_space<hbm>> -> memref<10000x128xf32, #tpu.memory_space<hbm>>
    tpu.wait_indirect_dma semaphore(%arg13 : memref<!tpu.dma_semaphore, #tpu.memory_space<semaphore_mem>>) src(%dma_wait3A_440 : memref<10000x128xf32, #tpu.memory_space<hbm>>) dst(%dma_wait3A_435 : memref<40x128xf32, #tpu.memory_space<vmem>>)
    %run_scoped3A = arith.constant 0 : i32
    "tpu.region"() ({
      %run_scoped3A_761 = tpu.sem_alloc : memref<!tpu.dma_semaphore, #tpu.memory_space<semaphore_mem>>
      %dma_start3A_762 = arith.constant 0 : i32
      %dma_start3A_763 = arith.constant 0 : i32
      %dma_start3A_764 = tpu.memref_slice %arg8[%run_scoped3A, %dma_start3A_762, %dma_start3A_763] : memref<2x80x128xf32, #tpu.memory_space<vmem>> -> memref<1x80x128xf32, #tpu.memory_space<vmem>>
      %dma_start3A_765 = tpu.memref_squeeze %dma_start3A_764 : memref<1x80x128xf32, #tpu.memory_space<vmem>> -> memref<80x128xf32, #tpu.memory_space<vmem>>
      %dma_start3A_766 = arith.constant 4960 : i32
      %dma_start3A_767 = tpu.memref_slice %arg7[%dma_start3A_766] : memref<10000xi32, #tpu.memory_space<vmem>> -> memref<80xi32, #tpu.memory_space<vmem>>
      %dma_start3A_768 = arith.constant 0 : i32
      %dma_start3A_769 = arith.constant 0 : i32
      %dma_start3A_770 = tpu.memref_slice %arg11[%dma_start3A_768, %dma_start3A_769] : memref<10000x128xf32, #tpu.memory_space<vmem_shared>> -> memref<10000x128xf32, #tpu.memory_space<vmem_shared>>
      tpu.enqueue_indirect_dma source(%dma_start3A_765 : memref<80x128xf32, #tpu.memory_space<vmem>>) target(%dma_start3A_770 : memref<10000x128xf32, #tpu.memory_space<vmem_shared>>) offsets(%dma_start3A_767 : memref<80xi32, #tpu.memory_space<vmem>>) semaphore(%run_scoped3A_761 : memref<!tpu.dma_semaphore, #tpu.memory_space<semaphore_mem>>) {add = true}
      %dma_wait3A_771 = arith.constant 0 : i32
      %dma_wait3A_772 = arith.constant 0 : i32
      %dma_wait3A_773 = tpu.memref_slice %arg8[%run_scoped3A, %dma_wait3A_771, %dma_wait3A_772] : memref<2x80x128xf32, #tpu.memory_space<vmem>> -> memref<1x80x128xf32, #tpu.memory_space<vmem>>
      %dma_wait3A_774 = tpu.memref_squeeze %dma_wait3A_773 : memref<1x80x128xf32, #tpu.memory_space<vmem>> -> memref<80x128xf32, #tpu.memory_space<vmem>>
      %dma_wait3A_775 = arith.constant 4960 : i32
      %dma_wait3A_776 = tpu.memref_slice %arg7[%dma_wait3A_775] : memref<10000xi32, #tpu.memory_space<vmem>> -> memref<80xi32, #tpu.memory_space<vmem>>
      %dma_wait3A_777 = arith.constant 0 : i32
      %dma_wait3A_778 = arith.constant 0 : i32
      %dma_wait3A_779 = tpu.memref_slice %arg11[%dma_wait3A_777, %dma_wait3A_778] : memref<10000x128xf32, #tpu.memory_space<vmem_shared>> -> memref<10000x128xf32, #tpu.memory_space<vmem_shared>>
      tpu.wait_indirect_dma semaphore(%run_scoped3A_761 : memref<!tpu.dma_semaphore, #tpu.memory_space<semaphore_mem>>) src(%dma_wait3A_774 : memref<80x128xf32, #tpu.memory_space<vmem>>) dst(%dma_wait3A_779 : memref<10000x128xf32, #tpu.memory_space<vmem_shared>>)
      tpu.yield
    }) : () -> ()
    %mul3A_441 = arith.constant 10000 : i32
    %mul3A_442 = arith.muli %add3A, %mul3A_441 : i32
    %add3A_443 = arith.constant 5040 : i32
    %add3A_444 = arith.addi %mul3A_442, %add3A_443 : i32
    %run_scoped3A_445 = arith.constant 0 : i32
    "tpu.region"() ({
      %run_scoped3A_761 = tpu.sem_alloc : memref<!tpu.dma_semaphore, #tpu.memory_space<semaphore_mem>>
      %dma_start3A_762 = arith.constant 0 : i32
      %dma_start3A_763 = tpu.memref_slice %arg6[%dma_start3A_762] : memref<5040xi32, #tpu.memory_space<vmem>> -> memref<4960xi32, #tpu.memory_space<vmem>>
      %dma_start3A_764 = tpu.memref_slice %arg3[%run_scoped3A_445, %add3A_444] : memref<2x320000xi32, #tpu.memory_space<hbm>> -> memref<1x4960xi32, #tpu.memory_space<hbm>>
      %dma_start3A_765 = tpu.memref_squeeze %dma_start3A_764 : memref<1x4960xi32, #tpu.memory_space<hbm>> -> memref<4960xi32, #tpu.memory_space<hbm>>
      %dma_start3A_766 = arith.constant 0 : i32
      %dma_start3A_767 = tpu.memref_slice %arg6[%dma_start3A_766] : memref<5040xi32, #tpu.memory_space<vmem>> -> memref<4960xi32, #tpu.memory_space<vmem>>
      %dma_start3A_768 = tpu.memref_slice %arg3[%run_scoped3A_445, %add3A_444] : memref<2x320000xi32, #tpu.memory_space<hbm>> -> memref<1x4960xi32, #tpu.memory_space<hbm>>
      %dma_start3A_769 = tpu.memref_squeeze %dma_start3A_768 : memref<1x4960xi32, #tpu.memory_space<hbm>> -> memref<4960xi32, #tpu.memory_space<hbm>>
      tpu.enqueue_dma source(%dma_start3A_769 : memref<4960xi32, #tpu.memory_space<hbm>>) target(%dma_start3A_767 : memref<4960xi32, #tpu.memory_space<vmem>>) target_semaphore(%run_scoped3A_761 : memref<!tpu.dma_semaphore, #tpu.memory_space<semaphore_mem>>)
      %dma_wait3A_770 = arith.constant 0 : i32
      %dma_wait3A_771 = tpu.memref_slice %arg6[%dma_wait3A_770] : memref<5040xi32, #tpu.memory_space<vmem>> -> memref<4960xi32, #tpu.memory_space<vmem>>
      %dma_wait3A_772 = tpu.memref_slice %arg3[%run_scoped3A_445, %add3A_444] : memref<2x320000xi32, #tpu.memory_space<hbm>> -> memref<1x4960xi32, #tpu.memory_space<hbm>>
      %dma_wait3A_773 = tpu.memref_squeeze %dma_wait3A_772 : memref<1x4960xi32, #tpu.memory_space<hbm>> -> memref<4960xi32, #tpu.memory_space<hbm>>
      %dma_wait3A_774 = arith.constant 0 : i32
      %dma_wait3A_775 = tpu.memref_slice %arg6[%dma_wait3A_774] : memref<5040xi32, #tpu.memory_space<vmem>> -> memref<4960xi32, #tpu.memory_space<vmem>>
      %dma_wait3A_776 = tpu.memref_slice %arg3[%run_scoped3A_445, %add3A_444] : memref<2x320000xi32, #tpu.memory_space<hbm>> -> memref<1x4960xi32, #tpu.memory_space<hbm>>
      %dma_wait3A_777 = tpu.memref_squeeze %dma_wait3A_776 : memref<1x4960xi32, #tpu.memory_space<hbm>> -> memref<4960xi32, #tpu.memory_space<hbm>>
      tpu.wait_dma2 semaphore(%run_scoped3A_761 : memref<!tpu.dma_semaphore, #tpu.memory_space<semaphore_mem>>) src(%dma_wait3A_777 : memref<4960xi32, #tpu.memory_space<hbm>>) dst(%dma_wait3A_775 : memref<4960xi32, #tpu.memory_space<vmem>>)
      tpu.yield
    }) : () -> ()
    %dma_start3A_446 = arith.constant 0 : i32
    %dma_start3A_447 = arith.constant 0 : i32
    %dma_start3A_448 = arith.constant 0 : i32
    %dma_start3A_449 = tpu.memref_slice %arg8[%dma_start3A_446, %dma_start3A_447, %dma_start3A_448] : memref<2x80x128xf32, #tpu.memory_space<vmem>> -> memref<1x80x128xf32, #tpu.memory_space<vmem>>
    %dma_start3A_450 = tpu.memref_squeeze %dma_start3A_449 : memref<1x80x128xf32, #tpu.memory_space<vmem>> -> memref<80x128xf32, #tpu.memory_space<vmem>>
    %dma_start3A_451 = arith.constant 0 : i32
    %dma_start3A_452 = arith.constant 0 : i32
    %dma_start3A_453 = tpu.memref_slice %dma_start3A_450[%dma_start3A_451, %dma_start3A_452] : memref<80x128xf32, #tpu.memory_space<vmem>> -> memref<40x128xf32, #tpu.memory_space<vmem>>
    %dma_start3A_454 = arith.constant 0 : i32
    %dma_start3A_455 = tpu.memref_slice %arg6[%dma_start3A_454] : memref<5040xi32, #tpu.memory_space<vmem>> -> memref<40xi32, #tpu.memory_space<vmem>>
    %dma_start3A_456 = arith.constant 0 : i32
    %dma_start3A_457 = arith.constant 0 : i32
    %dma_start3A_458 = tpu.memref_slice %arg2[%dma_start3A_456, %dma_start3A_457] : memref<10000x128xf32, #tpu.memory_space<hbm>> -> memref<10000x128xf32, #tpu.memory_space<hbm>>
    tpu.enqueue_indirect_dma source(%dma_start3A_458 : memref<10000x128xf32, #tpu.memory_space<hbm>>) target(%dma_start3A_453 : memref<40x128xf32, #tpu.memory_space<vmem>>) offsets(%dma_start3A_455 : memref<40xi32, #tpu.memory_space<vmem>>) semaphore(%arg13 : memref<!tpu.dma_semaphore, #tpu.memory_space<semaphore_mem>>)
    %dma_start3A_459 = arith.constant 0 : i32
    %dma_start3A_460 = arith.constant 0 : i32
    %dma_start3A_461 = arith.constant 0 : i32
    %dma_start3A_462 = tpu.memref_slice %arg8[%dma_start3A_459, %dma_start3A_460, %dma_start3A_461] : memref<2x80x128xf32, #tpu.memory_space<vmem>> -> memref<1x80x128xf32, #tpu.memory_space<vmem>>
    %dma_start3A_463 = tpu.memref_squeeze %dma_start3A_462 : memref<1x80x128xf32, #tpu.memory_space<vmem>> -> memref<80x128xf32, #tpu.memory_space<vmem>>
    %dma_start3A_464 = arith.constant 40 : i32
    %dma_start3A_465 = arith.constant 0 : i32
    %dma_start3A_466 = tpu.memref_slice %dma_start3A_463[%dma_start3A_464, %dma_start3A_465] : memref<80x128xf32, #tpu.memory_space<vmem>> -> memref<40x128xf32, #tpu.memory_space<vmem>>
    %dma_start3A_467 = arith.constant 40 : i32
    %dma_start3A_468 = tpu.memref_slice %arg6[%dma_start3A_467] : memref<5040xi32, #tpu.memory_space<vmem>> -> memref<40xi32, #tpu.memory_space<vmem>>
    %dma_start3A_469 = arith.constant 0 : i32
    %dma_start3A_470 = arith.constant 0 : i32
    %dma_start3A_471 = tpu.memref_slice %arg2[%dma_start3A_469, %dma_start3A_470] : memref<10000x128xf32, #tpu.memory_space<hbm>> -> memref<10000x128xf32, #tpu.memory_space<hbm>>
    tpu.enqueue_indirect_dma source(%dma_start3A_471 : memref<10000x128xf32, #tpu.memory_space<hbm>>) target(%dma_start3A_466 : memref<40x128xf32, #tpu.memory_space<vmem>>) offsets(%dma_start3A_468 : memref<40xi32, #tpu.memory_space<vmem>>) semaphore(%arg13 : memref<!tpu.dma_semaphore, #tpu.memory_space<semaphore_mem>>)
    %get3A_472 = arith.constant 5040 : index
    %get3A_473 = tpu.vector_load %arg7[%get3A_472] {strides = array<i32>} : memref<10000xi32, #tpu.memory_space<vmem>>, vector<16xi32>,
    %shift_right_logical3A_474 = arith.constant 4 : i32
    %shift_right_logical3A_475 = vector.broadcast %shift_right_logical3A_474 : i32 to vector<16xi32>
    %shift_right_logical3A_476 = arith.shrui %get3A_473, %shift_right_logical3A_475 : vector<16xi32>
    %and3A_477 = arith.constant 15 : i32
    %and3A_478 = vector.broadcast %and3A_477 : i32 to vector<16xi32>
    %and3A_479 = arith.andi %get3A_473, %and3A_478 : vector<16xi32>
    tpu.vector_store_idx %arg9[%shift_right_logical3A_476, %and3A_479], %broadcast_in_dim3A_3 {add = true} : memref<640x16xf32, #tpu.memory_space<vmem>>[vector<16xi32>, vector<16xi32>], vector<16xf32>,
    %get3A_480 = arith.constant 5056 : index
    %get3A_481 = tpu.vector_load %arg7[%get3A_480] {strides = array<i32>} : memref<10000xi32, #tpu.memory_space<vmem>>, vector<16xi32>,
    %shift_right_logical3A_482 = arith.constant 4 : i32
    %shift_right_logical3A_483 = vector.broadcast %shift_right_logical3A_482 : i32 to vector<16xi32>
    %shift_right_logical3A_484 = arith.shrui %get3A_481, %shift_right_logical3A_483 : vector<16xi32>
    %and3A_485 = arith.constant 15 : i32
    %and3A_486 = vector.broadcast %and3A_485 : i32 to vector<16xi32>
    %and3A_487 = arith.andi %get3A_481, %and3A_486 : vector<16xi32>
    tpu.vector_store_idx %arg9[%shift_right_logical3A_484, %and3A_487], %broadcast_in_dim3A_3 {add = true} : memref<640x16xf32, #tpu.memory_space<vmem>>[vector<16xi32>, vector<16xi32>], vector<16xf32>,
    %get3A_488 = arith.constant 5072 : index
    %get3A_489 = tpu.vector_load %arg7[%get3A_488] {strides = array<i32>} : memref<10000xi32, #tpu.memory_space<vmem>>, vector<16xi32>,
    %shift_right_logical3A_490 = arith.constant 4 : i32
    %shift_right_logical3A_491 = vector.broadcast %shift_right_logical3A_490 : i32 to vector<16xi32>
    %shift_right_logical3A_492 = arith.shrui %get3A_489, %shift_right_logical3A_491 : vector<16xi32>
    %and3A_493 = arith.constant 15 : i32
    %and3A_494 = vector.broadcast %and3A_493 : i32 to vector<16xi32>
    %and3A_495 = arith.andi %get3A_489, %and3A_494 : vector<16xi32>
    tpu.vector_store_idx %arg9[%shift_right_logical3A_492, %and3A_495], %broadcast_in_dim3A_3 {add = true} : memref<640x16xf32, #tpu.memory_space<vmem>>[vector<16xi32>, vector<16xi32>], vector<16xf32>,
    %get3A_496 = arith.constant 5088 : index
    %get3A_497 = tpu.vector_load %arg7[%get3A_496] {strides = array<i32>} : memref<10000xi32, #tpu.memory_space<vmem>>, vector<16xi32>,
    %shift_right_logical3A_498 = arith.constant 4 : i32
    %shift_right_logical3A_499 = vector.broadcast %shift_right_logical3A_498 : i32 to vector<16xi32>
    %shift_right_logical3A_500 = arith.shrui %get3A_497, %shift_right_logical3A_499 : vector<16xi32>
    %and3A_501 = arith.constant 15 : i32
    %and3A_502 = vector.broadcast %and3A_501 : i32 to vector<16xi32>
    %and3A_503 = arith.andi %get3A_497, %and3A_502 : vector<16xi32>
    tpu.vector_store_idx %arg9[%shift_right_logical3A_500, %and3A_503], %broadcast_in_dim3A_3 {add = true} : memref<640x16xf32, #tpu.memory_space<vmem>>[vector<16xi32>, vector<16xi32>], vector<16xf32>,
    %get3A_504 = arith.constant 5104 : index
    %get3A_505 = tpu.vector_load %arg7[%get3A_504] {strides = array<i32>} : memref<10000xi32, #tpu.memory_space<vmem>>, vector<16xi32>,
    %shift_right_logical3A_506 = arith.constant 4 : i32
    %shift_right_logical3A_507 = vector.broadcast %shift_right_logical3A_506 : i32 to vector<16xi32>
    %shift_right_logical3A_508 = arith.shrui %get3A_505, %shift_right_logical3A_507 : vector<16xi32>
    %and3A_509 = arith.constant 15 : i32
    %and3A_510 = vector.broadcast %and3A_509 : i32 to vector<16xi32>
    %and3A_511 = arith.andi %get3A_505, %and3A_510 : vector<16xi32>
    tpu.vector_store_idx %arg9[%shift_right_logical3A_508, %and3A_511], %broadcast_in_dim3A_3 {add = true} : memref<640x16xf32, #tpu.memory_space<vmem>>[vector<16xi32>, vector<16xi32>], vector<16xf32>,
    %scan3A_512 = arith.constant 1 : i32
    %scan3A_513 = arith.constant 0 : i32
    %scan3A_514 = arith.constant 0 : i32
    %scan3A_515 = arith.constant 0 : i32
    %scan3A_516 = arith.constant 30 : i32
    %scan3A_517 = arith.addi %scan3A_515, %scan3A_516 : i32
    %scan3A_518 = arith.constant 1 : i32
    %scan3A_519 = scf.for %scan3A_761 = %scan3A_515 to %scan3A_517 step %scan3A_518 iter_args(%scan3A_762 = %scan3A_514) -> (i32)  : i32 {
      %mul3A_763 = arith.constant 2 : i32
      %mul3A_764 = arith.muli %mul3A_763, %scan3A_761 : i32
      %add3A_765 = arith.constant 63 : i32
      %add3A_766 = arith.addi %add3A_765, %mul3A_764 : i32
      %add3A_767 = arith.constant 1 : i32
      %add3A_768 = arith.addi %add3A_766, %add3A_767 : i32
      %add3A_769 = arith.constant 1 : i32
      %add3A_770 = arith.addi %add3A_766, %add3A_769 : i32
      %sub3A = arith.constant 63 : i32
      %sub3A_771 = arith.subi %add3A_770, %sub3A : i32
      %mul3A_772 = arith.constant 80 : i32
      %mul3A_773 = arith.muli %sub3A_771, %mul3A_772 : i32
      %dma_start3A_774 = arith.constant 0 : i32
      %dma_start3A_775 = arith.constant 0 : i32
      %dma_start3A_776 = tpu.memref_slice %arg8[%scan3A_512, %dma_start3A_774, %dma_start3A_775] : memref<2x80x128xf32, #tpu.memory_space<vmem>> -> memref<1x80x128xf32, #tpu.memory_space<vmem>>
      %dma_start3A_777 = tpu.memref_squeeze %dma_start3A_776 : memref<1x80x128xf32, #tpu.memory_space<vmem>> -> memref<80x128xf32, #tpu.memory_space<vmem>>
      %dma_start3A_778 = arith.constant 0 : i32
      %dma_start3A_779 = arith.constant 0 : i32
      %dma_start3A_780 = tpu.memref_slice %dma_start3A_777[%dma_start3A_778, %dma_start3A_779] : memref<80x128xf32, #tpu.memory_space<vmem>> -> memref<40x128xf32, #tpu.memory_space<vmem>>
      %dma_start3A_781 = tpu.memref_slice %arg6[%mul3A_773] : memref<5040xi32, #tpu.memory_space<vmem>> -> memref<40xi32, #tpu.memory_space<vmem>>
      %dma_start3A_782 = arith.constant 0 : i32
      %dma_start3A_783 = arith.constant 0 : i32
      %dma_start3A_784 = tpu.memref_slice %arg2[%dma_start3A_782, %dma_start3A_783] : memref<10000x128xf32, #tpu.memory_space<hbm>> -> memref<10000x128xf32, #tpu.memory_space<hbm>>
      tpu.enqueue_indirect_dma source(%dma_start3A_784 : memref<10000x128xf32, #tpu.memory_space<hbm>>) target(%dma_start3A_780 : memref<40x128xf32, #tpu.memory_space<vmem>>) offsets(%dma_start3A_781 : memref<40xi32, #tpu.memory_space<vmem>>) semaphore(%arg14 : memref<!tpu.dma_semaphore, #tpu.memory_space<semaphore_mem>>)
      %mul3A_785 = arith.constant 80 : i32
      %mul3A_786 = arith.muli %sub3A_771, %mul3A_785 : i32
      %add3A_787 = arith.constant 40 : i32
      %add3A_788 = arith.addi %mul3A_786, %add3A_787 : i32
      %dma_start3A_789 = arith.constant 0 : i32
      %dma_start3A_790 = arith.constant 0 : i32
      %dma_start3A_791 = tpu.memref_slice %arg8[%scan3A_512, %dma_start3A_789, %dma_start3A_790] : memref<2x80x128xf32, #tpu.memory_space<vmem>> -> memref<1x80x128xf32, #tpu.memory_space<vmem>>
      %dma_start3A_792 = tpu.memref_squeeze %dma_start3A_791 : memref<1x80x128xf32, #tpu.memory_space<vmem>> -> memref<80x128xf32, #tpu.memory_space<vmem>>
      %dma_start3A_793 = arith.constant 40 : i32
      %dma_start3A_794 = arith.constant 0 : i32
      %dma_start3A_795 = tpu.memref_slice %dma_start3A_792[%dma_start3A_793, %dma_start3A_794] : memref<80x128xf32, #tpu.memory_space<vmem>> -> memref<40x128xf32, #tpu.memory_space<vmem>>
      %dma_start3A_796 = tpu.memref_slice %arg6[%add3A_788] : memref<5040xi32, #tpu.memory_space<vmem>> -> memref<40xi32, #tpu.memory_space<vmem>>
      %dma_start3A_797 = arith.constant 0 : i32
      %dma_start3A_798 = arith.constant 0 : i32
      %dma_start3A_799 = tpu.memref_slice %arg2[%dma_start3A_797, %dma_start3A_798] : memref<10000x128xf32, #tpu.memory_space<hbm>> -> memref<10000x128xf32, #tpu.memory_space<hbm>>
      tpu.enqueue_indirect_dma source(%dma_start3A_799 : memref<10000x128xf32, #tpu.memory_space<hbm>>) target(%dma_start3A_795 : memref<40x128xf32, #tpu.memory_space<vmem>>) offsets(%dma_start3A_796 : memref<40xi32, #tpu.memory_space<vmem>>) semaphore(%arg14 : memref<!tpu.dma_semaphore, #tpu.memory_space<semaphore_mem>>)
      %mul3A_800 = arith.constant 80 : i32
      %mul3A_801 = arith.muli %add3A_768, %mul3A_800 : i32
      %add3A_802 = arith.constant 0 : i32
      %add3A_803 = arith.addi %mul3A_801, %add3A_802 : i32
      %get3A_804 = arith.index_cast %add3A_803 : i32 to index
      %get3A_805 = tpu.vector_load %arg7[%get3A_804] {strides = array<i32>} : memref<10000xi32, #tpu.memory_space<vmem>>, vector<16xi32>,
      %shift_right_logical3A_806 = arith.constant 4 : i32
      %shift_right_logical3A_807 = vector.broadcast %shift_right_logical3A_806 : i32 to vector<16xi32>
      %shift_right_logical3A_808 = arith.shrui %get3A_805, %shift_right_logical3A_807 : vector<16xi32>
      %and3A_809 = arith.constant 15 : i32
      %and3A_810 = vector.broadcast %and3A_809 : i32 to vector<16xi32>
      %and3A_811 = arith.andi %get3A_805, %and3A_810 : vector<16xi32>
      tpu.vector_store_idx %arg9[%shift_right_logical3A_808, %and3A_811], %broadcast_in_dim3A_3 {add = true} : memref<640x16xf32, #tpu.memory_space<vmem>>[vector<16xi32>, vector<16xi32>], vector<16xf32>,
      %mul3A_812 = arith.constant 80 : i32
      %mul3A_813 = arith.muli %add3A_768, %mul3A_812 : i32
      %add3A_814 = arith.constant 16 : i32
      %add3A_815 = arith.addi %mul3A_813, %add3A_814 : i32
      %get3A_816 = arith.index_cast %add3A_815 : i32 to index
      %get3A_817 = tpu.vector_load %arg7[%get3A_816] {strides = array<i32>} : memref<10000xi32, #tpu.memory_space<vmem>>, vector<16xi32>,
      %shift_right_logical3A_818 = arith.constant 4 : i32
      %shift_right_logical3A_819 = vector.broadcast %shift_right_logical3A_818 : i32 to vector<16xi32>
      %shift_right_logical3A_820 = arith.shrui %get3A_817, %shift_right_logical3A_819 : vector<16xi32>
      %and3A_821 = arith.constant 15 : i32
      %and3A_822 = vector.broadcast %and3A_821 : i32 to vector<16xi32>
      %and3A_823 = arith.andi %get3A_817, %and3A_822 : vector<16xi32>
      tpu.vector_store_idx %arg9[%shift_right_logical3A_820, %and3A_823], %broadcast_in_dim3A_3 {add = true} : memref<640x16xf32, #tpu.memory_space<vmem>>[vector<16xi32>, vector<16xi32>], vector<16xf32>,
      %mul3A_824 = arith.constant 80 : i32
      %mul3A_825 = arith.muli %add3A_768, %mul3A_824 : i32
      %add3A_826 = arith.constant 32 : i32
      %add3A_827 = arith.addi %mul3A_825, %add3A_826 : i32
      %get3A_828 = arith.index_cast %add3A_827 : i32 to index
      %get3A_829 = tpu.vector_load %arg7[%get3A_828] {strides = array<i32>} : memref<10000xi32, #tpu.memory_space<vmem>>, vector<16xi32>,
      %shift_right_logical3A_830 = arith.constant 4 : i32
      %shift_right_logical3A_831 = vector.broadcast %shift_right_logical3A_830 : i32 to vector<16xi32>
      %shift_right_logical3A_832 = arith.shrui %get3A_829, %shift_right_logical3A_831 : vector<16xi32>
      %and3A_833 = arith.constant 15 : i32
      %and3A_834 = vector.broadcast %and3A_833 : i32 to vector<16xi32>
      %and3A_835 = arith.andi %get3A_829, %and3A_834 : vector<16xi32>
      tpu.vector_store_idx %arg9[%shift_right_logical3A_832, %and3A_835], %broadcast_in_dim3A_3 {add = true} : memref<640x16xf32, #tpu.memory_space<vmem>>[vector<16xi32>, vector<16xi32>], vector<16xf32>,
      %mul3A_836 = arith.constant 80 : i32
      %mul3A_837 = arith.muli %add3A_768, %mul3A_836 : i32
      %add3A_838 = arith.constant 48 : i32
      %add3A_839 = arith.addi %mul3A_837, %add3A_838 : i32
      %get3A_840 = arith.index_cast %add3A_839 : i32 to index
      %get3A_841 = tpu.vector_load %arg7[%get3A_840] {strides = array<i32>} : memref<10000xi32, #tpu.memory_space<vmem>>, vector<16xi32>,
      %shift_right_logical3A_842 = arith.constant 4 : i32
      %shift_right_logical3A_843 = vector.broadcast %shift_right_logical3A_842 : i32 to vector<16xi32>
      %shift_right_logical3A_844 = arith.shrui %get3A_841, %shift_right_logical3A_843 : vector<16xi32>
      %and3A_845 = arith.constant 15 : i32
      %and3A_846 = vector.broadcast %and3A_845 : i32 to vector<16xi32>
      %and3A_847 = arith.andi %get3A_841, %and3A_846 : vector<16xi32>
      tpu.vector_store_idx %arg9[%shift_right_logical3A_844, %and3A_847], %broadcast_in_dim3A_3 {add = true} : memref<640x16xf32, #tpu.memory_space<vmem>>[vector<16xi32>, vector<16xi32>], vector<16xf32>,
      %mul3A_848 = arith.constant 80 : i32
      %mul3A_849 = arith.muli %add3A_768, %mul3A_848 : i32
      %add3A_850 = arith.constant 64 : i32
      %add3A_851 = arith.addi %mul3A_849, %add3A_850 : i32
      %get3A_852 = arith.index_cast %add3A_851 : i32 to index
      %get3A_853 = tpu.vector_load %arg7[%get3A_852] {strides = array<i32>} : memref<10000xi32, #tpu.memory_space<vmem>>, vector<16xi32>,
      %shift_right_logical3A_854 = arith.constant 4 : i32
      %shift_right_logical3A_855 = vector.broadcast %shift_right_logical3A_854 : i32 to vector<16xi32>
      %shift_right_logical3A_856 = arith.shrui %get3A_853, %shift_right_logical3A_855 : vector<16xi32>
      %and3A_857 = arith.constant 15 : i32
      %and3A_858 = vector.broadcast %and3A_857 : i32 to vector<16xi32>
      %and3A_859 = arith.andi %get3A_853, %and3A_858 : vector<16xi32>
      tpu.vector_store_idx %arg9[%shift_right_logical3A_856, %and3A_859], %broadcast_in_dim3A_3 {add = true} : memref<640x16xf32, #tpu.memory_space<vmem>>[vector<16xi32>, vector<16xi32>], vector<16xf32>,
      %sub3A_860 = arith.constant 63 : i32
      %sub3A_861 = arith.subi %add3A_766, %sub3A_860 : i32
      %mul3A_862 = arith.constant 80 : i32
      %mul3A_863 = arith.muli %sub3A_861, %mul3A_862 : i32
      %dma_wait3A_864 = arith.constant 0 : i32
      %dma_wait3A_865 = arith.constant 0 : i32
      %dma_wait3A_866 = tpu.memref_slice %arg8[%scan3A_513, %dma_wait3A_864, %dma_wait3A_865] : memref<2x80x128xf32, #tpu.memory_space<vmem>> -> memref<1x80x128xf32, #tpu.memory_space<vmem>>
      %dma_wait3A_867 = tpu.memref_squeeze %dma_wait3A_866 : memref<1x80x128xf32, #tpu.memory_space<vmem>> -> memref<80x128xf32, #tpu.memory_space<vmem>>
      %dma_wait3A_868 = arith.constant 0 : i32
      %dma_wait3A_869 = arith.constant 0 : i32
      %dma_wait3A_870 = tpu.memref_slice %dma_wait3A_867[%dma_wait3A_868, %dma_wait3A_869] : memref<80x128xf32, #tpu.memory_space<vmem>> -> memref<40x128xf32, #tpu.memory_space<vmem>>
      %dma_wait3A_871 = tpu.memref_slice %arg6[%mul3A_863] : memref<5040xi32, #tpu.memory_space<vmem>> -> memref<40xi32, #tpu.memory_space<vmem>>
      %dma_wait3A_872 = arith.constant 0 : i32
      %dma_wait3A_873 = arith.constant 0 : i32
      %dma_wait3A_874 = tpu.memref_slice %arg2[%dma_wait3A_872, %dma_wait3A_873] : memref<10000x128xf32, #tpu.memory_space<hbm>> -> memref<10000x128xf32, #tpu.memory_space<hbm>>
      tpu.wait_indirect_dma semaphore(%arg13 : memref<!tpu.dma_semaphore, #tpu.memory_space<semaphore_mem>>) src(%dma_wait3A_874 : memref<10000x128xf32, #tpu.memory_space<hbm>>) dst(%dma_wait3A_870 : memref<40x128xf32, #tpu.memory_space<vmem>>)
      %mul3A_875 = arith.constant 80 : i32
      %mul3A_876 = arith.muli %sub3A_861, %mul3A_875 : i32
      %add3A_877 = arith.constant 40 : i32
      %add3A_878 = arith.addi %mul3A_876, %add3A_877 : i32
      %dma_wait3A_879 = arith.constant 0 : i32
      %dma_wait3A_880 = arith.constant 0 : i32
      %dma_wait3A_881 = tpu.memref_slice %arg8[%scan3A_513, %dma_wait3A_879, %dma_wait3A_880] : memref<2x80x128xf32, #tpu.memory_space<vmem>> -> memref<1x80x128xf32, #tpu.memory_space<vmem>>
      %dma_wait3A_882 = tpu.memref_squeeze %dma_wait3A_881 : memref<1x80x128xf32, #tpu.memory_space<vmem>> -> memref<80x128xf32, #tpu.memory_space<vmem>>
      %dma_wait3A_883 = arith.constant 40 : i32
      %dma_wait3A_884 = arith.constant 0 : i32
      %dma_wait3A_885 = tpu.memref_slice %dma_wait3A_882[%dma_wait3A_883, %dma_wait3A_884] : memref<80x128xf32, #tpu.memory_space<vmem>> -> memref<40x128xf32, #tpu.memory_space<vmem>>
      %dma_wait3A_886 = tpu.memref_slice %arg6[%add3A_878] : memref<5040xi32, #tpu.memory_space<vmem>> -> memref<40xi32, #tpu.memory_space<vmem>>
      %dma_wait3A_887 = arith.constant 0 : i32
      %dma_wait3A_888 = arith.constant 0 : i32
      %dma_wait3A_889 = tpu.memref_slice %arg2[%dma_wait3A_887, %dma_wait3A_888] : memref<10000x128xf32, #tpu.memory_space<hbm>> -> memref<10000x128xf32, #tpu.memory_space<hbm>>
      tpu.wait_indirect_dma semaphore(%arg13 : memref<!tpu.dma_semaphore, #tpu.memory_space<semaphore_mem>>) src(%dma_wait3A_889 : memref<10000x128xf32, #tpu.memory_space<hbm>>) dst(%dma_wait3A_885 : memref<40x128xf32, #tpu.memory_space<vmem>>)
      %mul3A_890 = arith.constant 80 : i32
      %mul3A_891 = arith.muli %add3A_766, %mul3A_890 : i32
      "tpu.region"() ({
        %run_scoped3A_1023 = tpu.sem_alloc : memref<!tpu.dma_semaphore, #tpu.memory_space<semaphore_mem>>
        %dma_start3A_1024 = arith.constant 0 : i32
        %dma_start3A_1025 = arith.constant 0 : i32
        %dma_start3A_1026 = tpu.memref_slice %arg8[%scan3A_513, %dma_start3A_1024, %dma_start3A_1025] : memref<2x80x128xf32, #tpu.memory_space<vmem>> -> memref<1x80x128xf32, #tpu.memory_space<vmem>>
        %dma_start3A_1027 = tpu.memref_squeeze %dma_start3A_1026 : memref<1x80x128xf32, #tpu.memory_space<vmem>> -> memref<80x128xf32, #tpu.memory_space<vmem>>
        %dma_start3A_1028 = tpu.memref_slice %arg7[%mul3A_891] : memref<10000xi32, #tpu.memory_space<vmem>> -> memref<80xi32, #tpu.memory_space<vmem>>
        %dma_start3A_1029 = arith.constant 0 : i32
        %dma_start3A_1030 = arith.constant 0 : i32
        %dma_start3A_1031 = tpu.memref_slice %arg11[%dma_start3A_1029, %dma_start3A_1030] : memref<10000x128xf32, #tpu.memory_space<vmem_shared>> -> memref<10000x128xf32, #tpu.memory_space<vmem_shared>>
        tpu.enqueue_indirect_dma source(%dma_start3A_1027 : memref<80x128xf32, #tpu.memory_space<vmem>>) target(%dma_start3A_1031 : memref<10000x128xf32, #tpu.memory_space<vmem_shared>>) offsets(%dma_start3A_1028 : memref<80xi32, #tpu.memory_space<vmem>>) semaphore(%run_scoped3A_1023 : memref<!tpu.dma_semaphore, #tpu.memory_space<semaphore_mem>>) {add = true}
        %dma_wait3A_1032 = arith.constant 0 : i32
        %dma_wait3A_1033 = arith.constant 0 : i32
        %dma_wait3A_1034 = tpu.memref_slice %arg8[%scan3A_513, %dma_wait3A_1032, %dma_wait3A_1033] : memref<2x80x128xf32, #tpu.memory_space<vmem>> -> memref<1x80x128xf32, #tpu.memory_space<vmem>>
        %dma_wait3A_1035 = tpu.memref_squeeze %dma_wait3A_1034 : memref<1x80x128xf32, #tpu.memory_space<vmem>> -> memref<80x128xf32, #tpu.memory_space<vmem>>
        %dma_wait3A_1036 = tpu.memref_slice %arg7[%mul3A_891] : memref<10000xi32, #tpu.memory_space<vmem>> -> memref<80xi32, #tpu.memory_space<vmem>>
        %dma_wait3A_1037 = arith.constant 0 : i32
        %dma_wait3A_1038 = arith.constant 0 : i32
        %dma_wait3A_1039 = tpu.memref_slice %arg11[%dma_wait3A_1037, %dma_wait3A_1038] : memref<10000x128xf32, #tpu.memory_space<vmem_shared>> -> memref<10000x128xf32, #tpu.memory_space<vmem_shared>>
        tpu.wait_indirect_dma semaphore(%run_scoped3A_1023 : memref<!tpu.dma_semaphore, #tpu.memory_space<semaphore_mem>>) src(%dma_wait3A_1035 : memref<80x128xf32, #tpu.memory_space<vmem>>) dst(%dma_wait3A_1039 : memref<10000x128xf32, #tpu.memory_space<vmem_shared>>)
        tpu.yield
      }) : () -> ()
      %add3A_892 = arith.constant 2 : i32
      %add3A_893 = arith.addi %add3A_766, %add3A_892 : i32
      %add3A_894 = arith.constant 2 : i32
      %add3A_895 = arith.addi %add3A_766, %add3A_894 : i32
      %sub3A_896 = arith.constant 63 : i32
      %sub3A_897 = arith.subi %add3A_895, %sub3A_896 : i32
      %mul3A_898 = arith.constant 80 : i32
      %mul3A_899 = arith.muli %sub3A_897, %mul3A_898 : i32
      %dma_start3A_900 = arith.constant 0 : i32
      %dma_start3A_901 = arith.constant 0 : i32
      %dma_start3A_902 = tpu.memref_slice %arg8[%scan3A_513, %dma_start3A_900, %dma_start3A_901] : memref<2x80x128xf32, #tpu.memory_space<vmem>> -> memref<1x80x128xf32, #tpu.memory_space<vmem>>
      %dma_start3A_903 = tpu.memref_squeeze %dma_start3A_902 : memref<1x80x128xf32, #tpu.memory_space<vmem>> -> memref<80x128xf32, #tpu.memory_space<vmem>>
      %dma_start3A_904 = arith.constant 0 : i32
      %dma_start3A_905 = arith.constant 0 : i32
      %dma_start3A_906 = tpu.memref_slice %dma_start3A_903[%dma_start3A_904, %dma_start3A_905] : memref<80x128xf32, #tpu.memory_space<vmem>> -> memref<40x128xf32, #tpu.memory_space<vmem>>
      %dma_start3A_907 = tpu.memref_slice %arg6[%mul3A_899] : memref<5040xi32, #tpu.memory_space<vmem>> -> memref<40xi32, #tpu.memory_space<vmem>>
      %dma_start3A_908 = arith.constant 0 : i32
      %dma_start3A_909 = arith.constant 0 : i32
      %dma_start3A_910 = tpu.memref_slice %arg2[%dma_start3A_908, %dma_start3A_909] : memref<10000x128xf32, #tpu.memory_space<hbm>> -> memref<10000x128xf32, #tpu.memory_space<hbm>>
      tpu.enqueue_indirect_dma source(%dma_start3A_910 : memref<10000x128xf32, #tpu.memory_space<hbm>>) target(%dma_start3A_906 : memref<40x128xf32, #tpu.memory_space<vmem>>) offsets(%dma_start3A_907 : memref<40xi32, #tpu.memory_space<vmem>>) semaphore(%arg13 : memref<!tpu.dma_semaphore, #tpu.memory_space<semaphore_mem>>)
      %mul3A_911 = arith.constant 80 : i32
      %mul3A_912 = arith.muli %sub3A_897, %mul3A_911 : i32
      %add3A_913 = arith.constant 40 : i32
      %add3A_914 = arith.addi %mul3A_912, %add3A_913 : i32
      %dma_start3A_915 = arith.constant 0 : i32
      %dma_start3A_916 = arith.constant 0 : i32
      %dma_start3A_917 = tpu.memref_slice %arg8[%scan3A_513, %dma_start3A_915, %dma_start3A_916] : memref<2x80x128xf32, #tpu.memory_space<vmem>> -> memref<1x80x128xf32, #tpu.memory_space<vmem>>
      %dma_start3A_918 = tpu.memref_squeeze %dma_start3A_917 : memref<1x80x128xf32, #tpu.memory_space<vmem>> -> memref<80x128xf32, #tpu.memory_space<vmem>>
      %dma_start3A_919 = arith.constant 40 : i32
      %dma_start3A_920 = arith.constant 0 : i32
      %dma_start3A_921 = tpu.memref_slice %dma_start3A_918[%dma_start3A_919, %dma_start3A_920] : memref<80x128xf32, #tpu.memory_space<vmem>> -> memref<40x128xf32, #tpu.memory_space<vmem>>
      %dma_start3A_922 = tpu.memref_slice %arg6[%add3A_914] : memref<5040xi32, #tpu.memory_space<vmem>> -> memref<40xi32, #tpu.memory_space<vmem>>
      %dma_start3A_923 = arith.constant 0 : i32
      %dma_start3A_924 = arith.constant 0 : i32
      %dma_start3A_925 = tpu.memref_slice %arg2[%dma_start3A_923, %dma_start3A_924] : memref<10000x128xf32, #tpu.memory_space<hbm>> -> memref<10000x128xf32, #tpu.memory_space<hbm>>
      tpu.enqueue_indirect_dma source(%dma_start3A_925 : memref<10000x128xf32, #tpu.memory_space<hbm>>) target(%dma_start3A_921 : memref<40x128xf32, #tpu.memory_space<vmem>>) offsets(%dma_start3A_922 : memref<40xi32, #tpu.memory_space<vmem>>) semaphore(%arg13 : memref<!tpu.dma_semaphore, #tpu.memory_space<semaphore_mem>>)
      %mul3A_926 = arith.constant 80 : i32
      %mul3A_927 = arith.muli %add3A_893, %mul3A_926 : i32
      %add3A_928 = arith.constant 0 : i32
      %add3A_929 = arith.addi %mul3A_927, %add3A_928 : i32
      %get3A_930 = arith.index_cast %add3A_929 : i32 to index
      %get3A_931 = tpu.vector_load %arg7[%get3A_930] {strides = array<i32>} : memref<10000xi32, #tpu.memory_space<vmem>>, vector<16xi32>,
      %shift_right_logical3A_932 = arith.constant 4 : i32
      %shift_right_logical3A_933 = vector.broadcast %shift_right_logical3A_932 : i32 to vector<16xi32>
      %shift_right_logical3A_934 = arith.shrui %get3A_931, %shift_right_logical3A_933 : vector<16xi32>
      %and3A_935 = arith.constant 15 : i32
      %and3A_936 = vector.broadcast %and3A_935 : i32 to vector<16xi32>
      %and3A_937 = arith.andi %get3A_931, %and3A_936 : vector<16xi32>
      tpu.vector_store_idx %arg9[%shift_right_logical3A_934, %and3A_937], %broadcast_in_dim3A_3 {add = true} : memref<640x16xf32, #tpu.memory_space<vmem>>[vector<16xi32>, vector<16xi32>], vector<16xf32>,
      %mul3A_938 = arith.constant 80 : i32
      %mul3A_939 = arith.muli %add3A_893, %mul3A_938 : i32
      %add3A_940 = arith.constant 16 : i32
      %add3A_941 = arith.addi %mul3A_939, %add3A_940 : i32
      %get3A_942 = arith.index_cast %add3A_941 : i32 to index
      %get3A_943 = tpu.vector_load %arg7[%get3A_942] {strides = array<i32>} : memref<10000xi32, #tpu.memory_space<vmem>>, vector<16xi32>,
      %shift_right_logical3A_944 = arith.constant 4 : i32
      %shift_right_logical3A_945 = vector.broadcast %shift_right_logical3A_944 : i32 to vector<16xi32>
      %shift_right_logical3A_946 = arith.shrui %get3A_943, %shift_right_logical3A_945 : vector<16xi32>
      %and3A_947 = arith.constant 15 : i32
      %and3A_948 = vector.broadcast %and3A_947 : i32 to vector<16xi32>
      %and3A_949 = arith.andi %get3A_943, %and3A_948 : vector<16xi32>
      tpu.vector_store_idx %arg9[%shift_right_logical3A_946, %and3A_949], %broadcast_in_dim3A_3 {add = true} : memref<640x16xf32, #tpu.memory_space<vmem>>[vector<16xi32>, vector<16xi32>], vector<16xf32>,
      %mul3A_950 = arith.constant 80 : i32
      %mul3A_951 = arith.muli %add3A_893, %mul3A_950 : i32
      %add3A_952 = arith.constant 32 : i32
      %add3A_953 = arith.addi %mul3A_951, %add3A_952 : i32
      %get3A_954 = arith.index_cast %add3A_953 : i32 to index
      %get3A_955 = tpu.vector_load %arg7[%get3A_954] {strides = array<i32>} : memref<10000xi32, #tpu.memory_space<vmem>>, vector<16xi32>,
      %shift_right_logical3A_956 = arith.constant 4 : i32
      %shift_right_logical3A_957 = vector.broadcast %shift_right_logical3A_956 : i32 to vector<16xi32>
      %shift_right_logical3A_958 = arith.shrui %get3A_955, %shift_right_logical3A_957 : vector<16xi32>
      %and3A_959 = arith.constant 15 : i32
      %and3A_960 = vector.broadcast %and3A_959 : i32 to vector<16xi32>
      %and3A_961 = arith.andi %get3A_955, %and3A_960 : vector<16xi32>
      tpu.vector_store_idx %arg9[%shift_right_logical3A_958, %and3A_961], %broadcast_in_dim3A_3 {add = true} : memref<640x16xf32, #tpu.memory_space<vmem>>[vector<16xi32>, vector<16xi32>], vector<16xf32>,
      %mul3A_962 = arith.constant 80 : i32
      %mul3A_963 = arith.muli %add3A_893, %mul3A_962 : i32
      %add3A_964 = arith.constant 48 : i32
      %add3A_965 = arith.addi %mul3A_963, %add3A_964 : i32
      %get3A_966 = arith.index_cast %add3A_965 : i32 to index
      %get3A_967 = tpu.vector_load %arg7[%get3A_966] {strides = array<i32>} : memref<10000xi32, #tpu.memory_space<vmem>>, vector<16xi32>,
      %shift_right_logical3A_968 = arith.constant 4 : i32
      %shift_right_logical3A_969 = vector.broadcast %shift_right_logical3A_968 : i32 to vector<16xi32>
      %shift_right_logical3A_970 = arith.shrui %get3A_967, %shift_right_logical3A_969 : vector<16xi32>
      %and3A_971 = arith.constant 15 : i32
      %and3A_972 = vector.broadcast %and3A_971 : i32 to vector<16xi32>
      %and3A_973 = arith.andi %get3A_967, %and3A_972 : vector<16xi32>
      tpu.vector_store_idx %arg9[%shift_right_logical3A_970, %and3A_973], %broadcast_in_dim3A_3 {add = true} : memref<640x16xf32, #tpu.memory_space<vmem>>[vector<16xi32>, vector<16xi32>], vector<16xf32>,
      %mul3A_974 = arith.constant 80 : i32
      %mul3A_975 = arith.muli %add3A_893, %mul3A_974 : i32
      %add3A_976 = arith.constant 64 : i32
      %add3A_977 = arith.addi %mul3A_975, %add3A_976 : i32
      %get3A_978 = arith.index_cast %add3A_977 : i32 to index
      %get3A_979 = tpu.vector_load %arg7[%get3A_978] {strides = array<i32>} : memref<10000xi32, #tpu.memory_space<vmem>>, vector<16xi32>,
      %shift_right_logical3A_980 = arith.constant 4 : i32
      %shift_right_logical3A_981 = vector.broadcast %shift_right_logical3A_980 : i32 to vector<16xi32>
      %shift_right_logical3A_982 = arith.shrui %get3A_979, %shift_right_logical3A_981 : vector<16xi32>
      %and3A_983 = arith.constant 15 : i32
      %and3A_984 = vector.broadcast %and3A_983 : i32 to vector<16xi32>
      %and3A_985 = arith.andi %get3A_979, %and3A_984 : vector<16xi32>
      tpu.vector_store_idx %arg9[%shift_right_logical3A_982, %and3A_985], %broadcast_in_dim3A_3 {add = true} : memref<640x16xf32, #tpu.memory_space<vmem>>[vector<16xi32>, vector<16xi32>], vector<16xf32>,
      %add3A_986 = arith.constant 1 : i32
      %add3A_987 = arith.addi %add3A_766, %add3A_986 : i32
      %add3A_988 = arith.constant 1 : i32
      %add3A_989 = arith.addi %add3A_766, %add3A_988 : i32
      %sub3A_990 = arith.constant 63 : i32
      %sub3A_991 = arith.subi %add3A_989, %sub3A_990 : i32
      %mul3A_992 = arith.constant 80 : i32
      %mul3A_993 = arith.muli %sub3A_991, %mul3A_992 : i32
      %dma_wait3A_994 = arith.constant 0 : i32
      %dma_wait3A_995 = arith.constant 0 : i32
      %dma_wait3A_996 = tpu.memref_slice %arg8[%scan3A_512, %dma_wait3A_994, %dma_wait3A_995] : memref<2x80x128xf32, #tpu.memory_space<vmem>> -> memref<1x80x128xf32, #tpu.memory_space<vmem>>
      %dma_wait3A_997 = tpu.memref_squeeze %dma_wait3A_996 : memref<1x80x128xf32, #tpu.memory_space<vmem>> -> memref<80x128xf32, #tpu.memory_space<vmem>>
      %dma_wait3A_998 = arith.constant 0 : i32
      %dma_wait3A_999 = arith.constant 0 : i32
      %dma_wait3A_1000 = tpu.memref_slice %dma_wait3A_997[%dma_wait3A_998, %dma_wait3A_999] : memref<80x128xf32, #tpu.memory_space<vmem>> -> memref<40x128xf32, #tpu.memory_space<vmem>>
      %dma_wait3A_1001 = tpu.memref_slice %arg6[%mul3A_993] : memref<5040xi32, #tpu.memory_space<vmem>> -> memref<40xi32, #tpu.memory_space<vmem>>
      %dma_wait3A_1002 = arith.constant 0 : i32
      %dma_wait3A_1003 = arith.constant 0 : i32
      %dma_wait3A_1004 = tpu.memref_slice %arg2[%dma_wait3A_1002, %dma_wait3A_1003] : memref<10000x128xf32, #tpu.memory_space<hbm>> -> memref<10000x128xf32, #tpu.memory_space<hbm>>
      tpu.wait_indirect_dma semaphore(%arg14 : memref<!tpu.dma_semaphore, #tpu.memory_space<semaphore_mem>>) src(%dma_wait3A_1004 : memref<10000x128xf32, #tpu.memory_space<hbm>>) dst(%dma_wait3A_1000 : memref<40x128xf32, #tpu.memory_space<vmem>>)
      %mul3A_1005 = arith.constant 80 : i32
      %mul3A_1006 = arith.muli %sub3A_991, %mul3A_1005 : i32
      %add3A_1007 = arith.constant 40 : i32
      %add3A_1008 = arith.addi %mul3A_1006, %add3A_1007 : i32
      %dma_wait3A_1009 = arith.constant 0 : i32
      %dma_wait3A_1010 = arith.constant 0 : i32
      %dma_wait3A_1011 = tpu.memref_slice %arg8[%scan3A_512, %dma_wait3A_1009, %dma_wait3A_1010] : memref<2x80x128xf32, #tpu.memory_space<vmem>> -> memref<1x80x128xf32, #tpu.memory_space<vmem>>
      %dma_wait3A_1012 = tpu.memref_squeeze %dma_wait3A_1011 : memref<1x80x128xf32, #tpu.memory_space<vmem>> -> memref<80x128xf32, #tpu.memory_space<vmem>>
      %dma_wait3A_1013 = arith.constant 40 : i32
      %dma_wait3A_1014 = arith.constant 0 : i32
      %dma_wait3A_1015 = tpu.memref_slice %dma_wait3A_1012[%dma_wait3A_1013, %dma_wait3A_1014] : memref<80x128xf32, #tpu.memory_space<vmem>> -> memref<40x128xf32, #tpu.memory_space<vmem>>
      %dma_wait3A_1016 = tpu.memref_slice %arg6[%add3A_1008] : memref<5040xi32, #tpu.memory_space<vmem>> -> memref<40xi32, #tpu.memory_space<vmem>>
      %dma_wait3A_1017 = arith.constant 0 : i32
      %dma_wait3A_1018 = arith.constant 0 : i32
      %dma_wait3A_1019 = tpu.memref_slice %arg2[%dma_wait3A_1017, %dma_wait3A_1018] : memref<10000x128xf32, #tpu.memory_space<hbm>> -> memref<10000x128xf32, #tpu.memory_space<hbm>>
      tpu.wait_indirect_dma semaphore(%arg14 : memref<!tpu.dma_semaphore, #tpu.memory_space<semaphore_mem>>) src(%dma_wait3A_1019 : memref<10000x128xf32, #tpu.memory_space<hbm>>) dst(%dma_wait3A_1015 : memref<40x128xf32, #tpu.memory_space<vmem>>)
      %mul3A_1020 = arith.constant 80 : i32
      %mul3A_1021 = arith.muli %add3A_987, %mul3A_1020 : i32
      "tpu.region"() ({
        %run_scoped3A_1023 = tpu.sem_alloc : memref<!tpu.dma_semaphore, #tpu.memory_space<semaphore_mem>>
        %dma_start3A_1024 = arith.constant 0 : i32
        %dma_start3A_1025 = arith.constant 0 : i32
        %dma_start3A_1026 = tpu.memref_slice %arg8[%scan3A_512, %dma_start3A_1024, %dma_start3A_1025] : memref<2x80x128xf32, #tpu.memory_space<vmem>> -> memref<1x80x128xf32, #tpu.memory_space<vmem>>
        %dma_start3A_1027 = tpu.memref_squeeze %dma_start3A_1026 : memref<1x80x128xf32, #tpu.memory_space<vmem>> -> memref<80x128xf32, #tpu.memory_space<vmem>>
        %dma_start3A_1028 = tpu.memref_slice %arg7[%mul3A_1021] : memref<10000xi32, #tpu.memory_space<vmem>> -> memref<80xi32, #tpu.memory_space<vmem>>
        %dma_start3A_1029 = arith.constant 0 : i32
        %dma_start3A_1030 = arith.constant 0 : i32
        %dma_start3A_1031 = tpu.memref_slice %arg11[%dma_start3A_1029, %dma_start3A_1030] : memref<10000x128xf32, #tpu.memory_space<vmem_shared>> -> memref<10000x128xf32, #tpu.memory_space<vmem_shared>>
        tpu.enqueue_indirect_dma source(%dma_start3A_1027 : memref<80x128xf32, #tpu.memory_space<vmem>>) target(%dma_start3A_1031 : memref<10000x128xf32, #tpu.memory_space<vmem_shared>>) offsets(%dma_start3A_1028 : memref<80xi32, #tpu.memory_space<vmem>>) semaphore(%run_scoped3A_1023 : memref<!tpu.dma_semaphore, #tpu.memory_space<semaphore_mem>>) {add = true}
        %dma_wait3A_1032 = arith.constant 0 : i32
        %dma_wait3A_1033 = arith.constant 0 : i32
        %dma_wait3A_1034 = tpu.memref_slice %arg8[%scan3A_512, %dma_wait3A_1032, %dma_wait3A_1033] : memref<2x80x128xf32, #tpu.memory_space<vmem>> -> memref<1x80x128xf32, #tpu.memory_space<vmem>>
        %dma_wait3A_1035 = tpu.memref_squeeze %dma_wait3A_1034 : memref<1x80x128xf32, #tpu.memory_space<vmem>> -> memref<80x128xf32, #tpu.memory_space<vmem>>
        %dma_wait3A_1036 = tpu.memref_slice %arg7[%mul3A_1021] : memref<10000xi32, #tpu.memory_space<vmem>> -> memref<80xi32, #tpu.memory_space<vmem>>
        %dma_wait3A_1037 = arith.constant 0 : i32
        %dma_wait3A_1038 = arith.constant 0 : i32
        %dma_wait3A_1039 = tpu.memref_slice %arg11[%dma_wait3A_1037, %dma_wait3A_1038] : memref<10000x128xf32, #tpu.memory_space<vmem_shared>> -> memref<10000x128xf32, #tpu.memory_space<vmem_shared>>
        tpu.wait_indirect_dma semaphore(%run_scoped3A_1023 : memref<!tpu.dma_semaphore, #tpu.memory_space<semaphore_mem>>) src(%dma_wait3A_1035 : memref<80x128xf32, #tpu.memory_space<vmem>>) dst(%dma_wait3A_1039 : memref<10000x128xf32, #tpu.memory_space<vmem_shared>>)
        tpu.yield
      }) : () -> ()
      %scan3A_1022 = arith.constant 0 : i32
      scf.yield %scan3A_1022 : i32
    }
    %scan3A_520 = arith.constant 30 : i32
    %dma_start3A_521 = arith.constant 1 : i32
    %dma_start3A_522 = arith.constant 0 : i32
    %dma_start3A_523 = arith.constant 0 : i32
    %dma_start3A_524 = tpu.memref_slice %arg8[%dma_start3A_521, %dma_start3A_522, %dma_start3A_523] : memref<2x80x128xf32, #tpu.memory_space<vmem>> -> memref<1x80x128xf32, #tpu.memory_space<vmem>>
    %dma_start3A_525 = tpu.memref_squeeze %dma_start3A_524 : memref<1x80x128xf32, #tpu.memory_space<vmem>> -> memref<80x128xf32, #tpu.memory_space<vmem>>
    %dma_start3A_526 = arith.constant 0 : i32
    %dma_start3A_527 = arith.constant 0 : i32
    %dma_start3A_528 = tpu.memref_slice %dma_start3A_525[%dma_start3A_526, %dma_start3A_527] : memref<80x128xf32, #tpu.memory_space<vmem>> -> memref<40x128xf32, #tpu.memory_space<vmem>>
    %dma_start3A_529 = arith.constant 4880 : i32
    %dma_start3A_530 = tpu.memref_slice %arg6[%dma_start3A_529] : memref<5040xi32, #tpu.memory_space<vmem>> -> memref<40xi32, #tpu.memory_space<vmem>>
    %dma_start3A_531 = arith.constant 0 : i32
    %dma_start3A_532 = arith.constant 0 : i32
    %dma_start3A_533 = tpu.memref_slice %arg2[%dma_start3A_531, %dma_start3A_532] : memref<10000x128xf32, #tpu.memory_space<hbm>> -> memref<10000x128xf32, #tpu.memory_space<hbm>>
    tpu.enqueue_indirect_dma source(%dma_start3A_533 : memref<10000x128xf32, #tpu.memory_space<hbm>>) target(%dma_start3A_528 : memref<40x128xf32, #tpu.memory_space<vmem>>) offsets(%dma_start3A_530 : memref<40xi32, #tpu.memory_space<vmem>>) semaphore(%arg14 : memref<!tpu.dma_semaphore, #tpu.memory_space<semaphore_mem>>)
    %dma_start3A_534 = arith.constant 1 : i32
    %dma_start3A_535 = arith.constant 0 : i32
    %dma_start3A_536 = arith.constant 0 : i32
    %dma_start3A_537 = tpu.memref_slice %arg8[%dma_start3A_534, %dma_start3A_535, %dma_start3A_536] : memref<2x80x128xf32, #tpu.memory_space<vmem>> -> memref<1x80x128xf32, #tpu.memory_space<vmem>>
    %dma_start3A_538 = tpu.memref_squeeze %dma_start3A_537 : memref<1x80x128xf32, #tpu.memory_space<vmem>> -> memref<80x128xf32, #tpu.memory_space<vmem>>
    %dma_start3A_539 = arith.constant 40 : i32
    %dma_start3A_540 = arith.constant 0 : i32
    %dma_start3A_541 = tpu.memref_slice %dma_start3A_538[%dma_start3A_539, %dma_start3A_540] : memref<80x128xf32, #tpu.memory_space<vmem>> -> memref<40x128xf32, #tpu.memory_space<vmem>>
    %dma_start3A_542 = arith.constant 4920 : i32
    %dma_start3A_543 = tpu.memref_slice %arg6[%dma_start3A_542] : memref<5040xi32, #tpu.memory_space<vmem>> -> memref<40xi32, #tpu.memory_space<vmem>>
    %dma_start3A_544 = arith.constant 0 : i32
    %dma_start3A_545 = arith.constant 0 : i32
    %dma_start3A_546 = tpu.memref_slice %arg2[%dma_start3A_544, %dma_start3A_545] : memref<10000x128xf32, #tpu.memory_space<hbm>> -> memref<10000x128xf32, #tpu.memory_space<hbm>>
    tpu.enqueue_indirect_dma source(%dma_start3A_546 : memref<10000x128xf32, #tpu.memory_space<hbm>>) target(%dma_start3A_541 : memref<40x128xf32, #tpu.memory_space<vmem>>) offsets(%dma_start3A_543 : memref<40xi32, #tpu.memory_space<vmem>>) semaphore(%arg14 : memref<!tpu.dma_semaphore, #tpu.memory_space<semaphore_mem>>)
    %get3A_547 = arith.constant 9920 : index
    %get3A_548 = tpu.vector_load %arg7[%get3A_547] {strides = array<i32>} : memref<10000xi32, #tpu.memory_space<vmem>>, vector<16xi32>,
    %shift_right_logical3A_549 = arith.constant 4 : i32
    %shift_right_logical3A_550 = vector.broadcast %shift_right_logical3A_549 : i32 to vector<16xi32>
    %shift_right_logical3A_551 = arith.shrui %get3A_548, %shift_right_logical3A_550 : vector<16xi32>
    %and3A_552 = arith.constant 15 : i32
    %and3A_553 = vector.broadcast %and3A_552 : i32 to vector<16xi32>
    %and3A_554 = arith.andi %get3A_548, %and3A_553 : vector<16xi32>
    tpu.vector_store_idx %arg9[%shift_right_logical3A_551, %and3A_554], %broadcast_in_dim3A_3 {add = true} : memref<640x16xf32, #tpu.memory_space<vmem>>[vector<16xi32>, vector<16xi32>], vector<16xf32>,
    %get3A_555 = arith.constant 9936 : index
    %get3A_556 = tpu.vector_load %arg7[%get3A_555] {strides = array<i32>} : memref<10000xi32, #tpu.memory_space<vmem>>, vector<16xi32>,
    %shift_right_logical3A_557 = arith.constant 4 : i32
    %shift_right_logical3A_558 = vector.broadcast %shift_right_logical3A_557 : i32 to vector<16xi32>
    %shift_right_logical3A_559 = arith.shrui %get3A_556, %shift_right_logical3A_558 : vector<16xi32>
    %and3A_560 = arith.constant 15 : i32
    %and3A_561 = vector.broadcast %and3A_560 : i32 to vector<16xi32>
    %and3A_562 = arith.andi %get3A_556, %and3A_561 : vector<16xi32>
    tpu.vector_store_idx %arg9[%shift_right_logical3A_559, %and3A_562], %broadcast_in_dim3A_3 {add = true} : memref<640x16xf32, #tpu.memory_space<vmem>>[vector<16xi32>, vector<16xi32>], vector<16xf32>,
    %get3A_563 = arith.constant 9952 : index
    %get3A_564 = tpu.vector_load %arg7[%get3A_563] {strides = array<i32>} : memref<10000xi32, #tpu.memory_space<vmem>>, vector<16xi32>,
    %shift_right_logical3A_565 = arith.constant 4 : i32
    %shift_right_logical3A_566 = vector.broadcast %shift_right_logical3A_565 : i32 to vector<16xi32>
    %shift_right_logical3A_567 = arith.shrui %get3A_564, %shift_right_logical3A_566 : vector<16xi32>
    %and3A_568 = arith.constant 15 : i32
    %and3A_569 = vector.broadcast %and3A_568 : i32 to vector<16xi32>
    %and3A_570 = arith.andi %get3A_564, %and3A_569 : vector<16xi32>
    tpu.vector_store_idx %arg9[%shift_right_logical3A_567, %and3A_570], %broadcast_in_dim3A_3 {add = true} : memref<640x16xf32, #tpu.memory_space<vmem>>[vector<16xi32>, vector<16xi32>], vector<16xf32>,
    %get3A_571 = arith.constant 9968 : index
    %get3A_572 = tpu.vector_load %arg7[%get3A_571] {strides = array<i32>} : memref<10000xi32, #tpu.memory_space<vmem>>, vector<16xi32>,
    %shift_right_logical3A_573 = arith.constant 4 : i32
    %shift_right_logical3A_574 = vector.broadcast %shift_right_logical3A_573 : i32 to vector<16xi32>
    %shift_right_logical3A_575 = arith.shrui %get3A_572, %shift_right_logical3A_574 : vector<16xi32>
    %and3A_576 = arith.constant 15 : i32
    %and3A_577 = vector.broadcast %and3A_576 : i32 to vector<16xi32>
    %and3A_578 = arith.andi %get3A_572, %and3A_577 : vector<16xi32>
    tpu.vector_store_idx %arg9[%shift_right_logical3A_575, %and3A_578], %broadcast_in_dim3A_3 {add = true} : memref<640x16xf32, #tpu.memory_space<vmem>>[vector<16xi32>, vector<16xi32>], vector<16xf32>,
    %get3A_579 = arith.constant 9984 : index
    %get3A_580 = tpu.vector_load %arg7[%get3A_579] {strides = array<i32>} : memref<10000xi32, #tpu.memory_space<vmem>>, vector<16xi32>,
    %shift_right_logical3A_581 = arith.constant 4 : i32
    %shift_right_logical3A_582 = vector.broadcast %shift_right_logical3A_581 : i32 to vector<16xi32>
    %shift_right_logical3A_583 = arith.shrui %get3A_580, %shift_right_logical3A_582 : vector<16xi32>
    %and3A_584 = arith.constant 15 : i32
    %and3A_585 = vector.broadcast %and3A_584 : i32 to vector<16xi32>
    %and3A_586 = arith.andi %get3A_580, %and3A_585 : vector<16xi32>
    tpu.vector_store_idx %arg9[%shift_right_logical3A_583, %and3A_586], %broadcast_in_dim3A_3 {add = true} : memref<640x16xf32, #tpu.memory_space<vmem>>[vector<16xi32>, vector<16xi32>], vector<16xf32>,
    %dma_wait3A_587 = arith.constant 0 : i32
    %dma_wait3A_588 = arith.constant 0 : i32
    %dma_wait3A_589 = arith.constant 0 : i32
    %dma_wait3A_590 = tpu.memref_slice %arg8[%dma_wait3A_587, %dma_wait3A_588, %dma_wait3A_589] : memref<2x80x128xf32, #tpu.memory_space<vmem>> -> memref<1x80x128xf32, #tpu.memory_space<vmem>>
    %dma_wait3A_591 = tpu.memref_squeeze %dma_wait3A_590 : memref<1x80x128xf32, #tpu.memory_space<vmem>> -> memref<80x128xf32, #tpu.memory_space<vmem>>
    %dma_wait3A_592 = arith.constant 0 : i32
    %dma_wait3A_593 = arith.constant 0 : i32
    %dma_wait3A_594 = tpu.memref_slice %dma_wait3A_591[%dma_wait3A_592, %dma_wait3A_593] : memref<80x128xf32, #tpu.memory_space<vmem>> -> memref<40x128xf32, #tpu.memory_space<vmem>>
    %dma_wait3A_595 = arith.constant 4800 : i32
    %dma_wait3A_596 = tpu.memref_slice %arg6[%dma_wait3A_595] : memref<5040xi32, #tpu.memory_space<vmem>> -> memref<40xi32, #tpu.memory_space<vmem>>
    %dma_wait3A_597 = arith.constant 0 : i32
    %dma_wait3A_598 = arith.constant 0 : i32
    %dma_wait3A_599 = tpu.memref_slice %arg2[%dma_wait3A_597, %dma_wait3A_598] : memref<10000x128xf32, #tpu.memory_space<hbm>> -> memref<10000x128xf32, #tpu.memory_space<hbm>>
    tpu.wait_indirect_dma semaphore(%arg13 : memref<!tpu.dma_semaphore, #tpu.memory_space<semaphore_mem>>) src(%dma_wait3A_599 : memref<10000x128xf32, #tpu.memory_space<hbm>>) dst(%dma_wait3A_594 : memref<40x128xf32, #tpu.memory_space<vmem>>)
    %dma_wait3A_600 = arith.constant 0 : i32
    %dma_wait3A_601 = arith.constant 0 : i32
    %dma_wait3A_602 = arith.constant 0 : i32
    %dma_wait3A_603 = tpu.memref_slice %arg8[%dma_wait3A_600, %dma_wait3A_601, %dma_wait3A_602] : memref<2x80x128xf32, #tpu.memory_space<vmem>> -> memref<1x80x128xf32, #tpu.memory_space<vmem>>
    %dma_wait3A_604 = tpu.memref_squeeze %dma_wait3A_603 : memref<1x80x128xf32, #tpu.memory_space<vmem>> -> memref<80x128xf32, #tpu.memory_space<vmem>>
    %dma_wait3A_605 = arith.constant 40 : i32
    %dma_wait3A_606 = arith.constant 0 : i32
    %dma_wait3A_607 = tpu.memref_slice %dma_wait3A_604[%dma_wait3A_605, %dma_wait3A_606] : memref<80x128xf32, #tpu.memory_space<vmem>> -> memref<40x128xf32, #tpu.memory_space<vmem>>
    %dma_wait3A_608 = arith.constant 4840 : i32
    %dma_wait3A_609 = tpu.memref_slice %arg6[%dma_wait3A_608] : memref<5040xi32, #tpu.memory_space<vmem>> -> memref<40xi32, #tpu.memory_space<vmem>>
    %dma_wait3A_610 = arith.constant 0 : i32
    %dma_wait3A_611 = arith.constant 0 : i32
    %dma_wait3A_612 = tpu.memref_slice %arg2[%dma_wait3A_610, %dma_wait3A_611] : memref<10000x128xf32, #tpu.memory_space<hbm>> -> memref<10000x128xf32, #tpu.memory_space<hbm>>
    tpu.wait_indirect_dma semaphore(%arg13 : memref<!tpu.dma_semaphore, #tpu.memory_space<semaphore_mem>>) src(%dma_wait3A_612 : memref<10000x128xf32, #tpu.memory_space<hbm>>) dst(%dma_wait3A_607 : memref<40x128xf32, #tpu.memory_space<vmem>>)
    %run_scoped3A_613 = arith.constant 0 : i32
    "tpu.region"() ({
      %run_scoped3A_761 = tpu.sem_alloc : memref<!tpu.dma_semaphore, #tpu.memory_space<semaphore_mem>>
      %dma_start3A_762 = arith.constant 0 : i32
      %dma_start3A_763 = arith.constant 0 : i32
      %dma_start3A_764 = tpu.memref_slice %arg8[%run_scoped3A_613, %dma_start3A_762, %dma_start3A_763] : memref<2x80x128xf32, #tpu.memory_space<vmem>> -> memref<1x80x128xf32, #tpu.memory_space<vmem>>
      %dma_start3A_765 = tpu.memref_squeeze %dma_start3A_764 : memref<1x80x128xf32, #tpu.memory_space<vmem>> -> memref<80x128xf32, #tpu.memory_space<vmem>>
      %dma_start3A_766 = arith.constant 9840 : i32
      %dma_start3A_767 = tpu.memref_slice %arg7[%dma_start3A_766] : memref<10000xi32, #tpu.memory_space<vmem>> -> memref<80xi32, #tpu.memory_space<vmem>>
      %dma_start3A_768 = arith.constant 0 : i32
      %dma_start3A_769 = arith.constant 0 : i32
      %dma_start3A_770 = tpu.memref_slice %arg11[%dma_start3A_768, %dma_start3A_769] : memref<10000x128xf32, #tpu.memory_space<vmem_shared>> -> memref<10000x128xf32, #tpu.memory_space<vmem_shared>>
      tpu.enqueue_indirect_dma source(%dma_start3A_765 : memref<80x128xf32, #tpu.memory_space<vmem>>) target(%dma_start3A_770 : memref<10000x128xf32, #tpu.memory_space<vmem_shared>>) offsets(%dma_start3A_767 : memref<80xi32, #tpu.memory_space<vmem>>) semaphore(%run_scoped3A_761 : memref<!tpu.dma_semaphore, #tpu.memory_space<semaphore_mem>>) {add = true}
      %dma_wait3A_771 = arith.constant 0 : i32
      %dma_wait3A_772 = arith.constant 0 : i32
      %dma_wait3A_773 = tpu.memref_slice %arg8[%run_scoped3A_613, %dma_wait3A_771, %dma_wait3A_772] : memref<2x80x128xf32, #tpu.memory_space<vmem>> -> memref<1x80x128xf32, #tpu.memory_space<vmem>>
      %dma_wait3A_774 = tpu.memref_squeeze %dma_wait3A_773 : memref<1x80x128xf32, #tpu.memory_space<vmem>> -> memref<80x128xf32, #tpu.memory_space<vmem>>
      %dma_wait3A_775 = arith.constant 9840 : i32
      %dma_wait3A_776 = tpu.memref_slice %arg7[%dma_wait3A_775] : memref<10000xi32, #tpu.memory_space<vmem>> -> memref<80xi32, #tpu.memory_space<vmem>>
      %dma_wait3A_777 = arith.constant 0 : i32
      %dma_wait3A_778 = arith.constant 0 : i32
      %dma_wait3A_779 = tpu.memref_slice %arg11[%dma_wait3A_777, %dma_wait3A_778] : memref<10000x128xf32, #tpu.memory_space<vmem_shared>> -> memref<10000x128xf32, #tpu.memory_space<vmem_shared>>
      tpu.wait_indirect_dma semaphore(%run_scoped3A_761 : memref<!tpu.dma_semaphore, #tpu.memory_space<semaphore_mem>>) src(%dma_wait3A_774 : memref<80x128xf32, #tpu.memory_space<vmem>>) dst(%dma_wait3A_779 : memref<10000x128xf32, #tpu.memory_space<vmem_shared>>)
      tpu.yield
    }) : () -> ()
    %dma_wait3A_614 = arith.constant 1 : i32
    %dma_wait3A_615 = arith.constant 0 : i32
    %dma_wait3A_616 = arith.constant 0 : i32
    %dma_wait3A_617 = tpu.memref_slice %arg8[%dma_wait3A_614, %dma_wait3A_615, %dma_wait3A_616] : memref<2x80x128xf32, #tpu.memory_space<vmem>> -> memref<1x80x128xf32, #tpu.memory_space<vmem>>
    %dma_wait3A_618 = tpu.memref_squeeze %dma_wait3A_617 : memref<1x80x128xf32, #tpu.memory_space<vmem>> -> memref<80x128xf32, #tpu.memory_space<vmem>>
    %dma_wait3A_619 = arith.constant 0 : i32
    %dma_wait3A_620 = arith.constant 0 : i32
    %dma_wait3A_621 = tpu.memref_slice %dma_wait3A_618[%dma_wait3A_619, %dma_wait3A_620] : memref<80x128xf32, #tpu.memory_space<vmem>> -> memref<40x128xf32, #tpu.memory_space<vmem>>
    %dma_wait3A_622 = arith.constant 4880 : i32
    %dma_wait3A_623 = tpu.memref_slice %arg6[%dma_wait3A_622] : memref<5040xi32, #tpu.memory_space<vmem>> -> memref<40xi32, #tpu.memory_space<vmem>>
    %dma_wait3A_624 = arith.constant 0 : i32
    %dma_wait3A_625 = arith.constant 0 : i32
    %dma_wait3A_626 = tpu.memref_slice %arg2[%dma_wait3A_624, %dma_wait3A_625] : memref<10000x128xf32, #tpu.memory_space<hbm>> -> memref<10000x128xf32, #tpu.memory_space<hbm>>
    tpu.wait_indirect_dma semaphore(%arg14 : memref<!tpu.dma_semaphore, #tpu.memory_space<semaphore_mem>>) src(%dma_wait3A_626 : memref<10000x128xf32, #tpu.memory_space<hbm>>) dst(%dma_wait3A_621 : memref<40x128xf32, #tpu.memory_space<vmem>>)
    %dma_wait3A_627 = arith.constant 1 : i32
    %dma_wait3A_628 = arith.constant 0 : i32
    %dma_wait3A_629 = arith.constant 0 : i32
    %dma_wait3A_630 = tpu.memref_slice %arg8[%dma_wait3A_627, %dma_wait3A_628, %dma_wait3A_629] : memref<2x80x128xf32, #tpu.memory_space<vmem>> -> memref<1x80x128xf32, #tpu.memory_space<vmem>>
    %dma_wait3A_631 = tpu.memref_squeeze %dma_wait3A_630 : memref<1x80x128xf32, #tpu.memory_space<vmem>> -> memref<80x128xf32, #tpu.memory_space<vmem>>
    %dma_wait3A_632 = arith.constant 40 : i32
    %dma_wait3A_633 = arith.constant 0 : i32
    %dma_wait3A_634 = tpu.memref_slice %dma_wait3A_631[%dma_wait3A_632, %dma_wait3A_633] : memref<80x128xf32, #tpu.memory_space<vmem>> -> memref<40x128xf32, #tpu.memory_space<vmem>>
    %dma_wait3A_635 = arith.constant 4920 : i32
    %dma_wait3A_636 = tpu.memref_slice %arg6[%dma_wait3A_635] : memref<5040xi32, #tpu.memory_space<vmem>> -> memref<40xi32, #tpu.memory_space<vmem>>
    %dma_wait3A_637 = arith.constant 0 : i32
    %dma_wait3A_638 = arith.constant 0 : i32
    %dma_wait3A_639 = tpu.memref_slice %arg2[%dma_wait3A_637, %dma_wait3A_638] : memref<10000x128xf32, #tpu.memory_space<hbm>> -> memref<10000x128xf32, #tpu.memory_space<hbm>>
    tpu.wait_indirect_dma semaphore(%arg14 : memref<!tpu.dma_semaphore, #tpu.memory_space<semaphore_mem>>) src(%dma_wait3A_639 : memref<10000x128xf32, #tpu.memory_space<hbm>>) dst(%dma_wait3A_634 : memref<40x128xf32, #tpu.memory_space<vmem>>)
    %run_scoped3A_640 = arith.constant 1 : i32
    "tpu.region"() ({
      %run_scoped3A_761 = tpu.sem_alloc : memref<!tpu.dma_semaphore, #tpu.memory_space<semaphore_mem>>
      %dma_start3A_762 = arith.constant 0 : i32
      %dma_start3A_763 = arith.constant 0 : i32
      %dma_start3A_764 = tpu.memref_slice %arg8[%run_scoped3A_640, %dma_start3A_762, %dma_start3A_763] : memref<2x80x128xf32, #tpu.memory_space<vmem>> -> memref<1x80x128xf32, #tpu.memory_space<vmem>>
      %dma_start3A_765 = tpu.memref_squeeze %dma_start3A_764 : memref<1x80x128xf32, #tpu.memory_space<vmem>> -> memref<80x128xf32, #tpu.memory_space<vmem>>
      %dma_start3A_766 = arith.constant 9920 : i32
      %dma_start3A_767 = tpu.memref_slice %arg7[%dma_start3A_766] : memref<10000xi32, #tpu.memory_space<vmem>> -> memref<80xi32, #tpu.memory_space<vmem>>
      %dma_start3A_768 = arith.constant 0 : i32
      %dma_start3A_769 = arith.constant 0 : i32
      %dma_start3A_770 = tpu.memref_slice %arg11[%dma_start3A_768, %dma_start3A_769] : memref<10000x128xf32, #tpu.memory_space<vmem_shared>> -> memref<10000x128xf32, #tpu.memory_space<vmem_shared>>
      tpu.enqueue_indirect_dma source(%dma_start3A_765 : memref<80x128xf32, #tpu.memory_space<vmem>>) target(%dma_start3A_770 : memref<10000x128xf32, #tpu.memory_space<vmem_shared>>) offsets(%dma_start3A_767 : memref<80xi32, #tpu.memory_space<vmem>>) semaphore(%run_scoped3A_761 : memref<!tpu.dma_semaphore, #tpu.memory_space<semaphore_mem>>) {add = true}
      %dma_wait3A_771 = arith.constant 0 : i32
      %dma_wait3A_772 = arith.constant 0 : i32
      %dma_wait3A_773 = tpu.memref_slice %arg8[%run_scoped3A_640, %dma_wait3A_771, %dma_wait3A_772] : memref<2x80x128xf32, #tpu.memory_space<vmem>> -> memref<1x80x128xf32, #tpu.memory_space<vmem>>
      %dma_wait3A_774 = tpu.memref_squeeze %dma_wait3A_773 : memref<1x80x128xf32, #tpu.memory_space<vmem>> -> memref<80x128xf32, #tpu.memory_space<vmem>>
      %dma_wait3A_775 = arith.constant 9920 : i32
      %dma_wait3A_776 = tpu.memref_slice %arg7[%dma_wait3A_775] : memref<10000xi32, #tpu.memory_space<vmem>> -> memref<80xi32, #tpu.memory_space<vmem>>
      %dma_wait3A_777 = arith.constant 0 : i32
      %dma_wait3A_778 = arith.constant 0 : i32
      %dma_wait3A_779 = tpu.memref_slice %arg11[%dma_wait3A_777, %dma_wait3A_778] : memref<10000x128xf32, #tpu.memory_space<vmem_shared>> -> memref<10000x128xf32, #tpu.memory_space<vmem_shared>>
      tpu.wait_indirect_dma semaphore(%run_scoped3A_761 : memref<!tpu.dma_semaphore, #tpu.memory_space<semaphore_mem>>) src(%dma_wait3A_774 : memref<80x128xf32, #tpu.memory_space<vmem>>) dst(%dma_wait3A_779 : memref<10000x128xf32, #tpu.memory_space<vmem_shared>>)
      tpu.yield
    }) : () -> ()
    %barrier3A_641 = arith.constant 0 : index
    tpu.barrier barrier_id(%barrier3A_641)
    %dma_start3A_642 = arith.constant 0 : i32
    %dma_start3A_643 = arith.constant 0 : i32
    %dma_start3A_644 = arith.constant 0 : i32
    %dma_start3A_645 = tpu.memref_slice %arg9[%dma_start3A_643, %dma_start3A_644] : memref<640x16xf32, #tpu.memory_space<vmem>> -> memref<128x16xf32, #tpu.memory_space<vmem>>
    %dma_start3A_646 = arith.constant 0 : i32
    %dma_start3A_647 = tpu.memref_slice %arg10[%dma_start3A_642, %dma_start3A_646] : memref<5x128xi32, #tpu.memory_space<vmem>> -> memref<1x128xi32, #tpu.memory_space<vmem>>
    %dma_start3A_648 = tpu.memref_squeeze %dma_start3A_647 : memref<1x128xi32, #tpu.memory_space<vmem>> -> memref<128xi32, #tpu.memory_space<vmem>>
    %dma_start3A_649 = arith.constant 0 : i32
    %dma_start3A_650 = arith.constant 0 : i32
    %dma_start3A_651 = tpu.memref_slice %arg12[%dma_start3A_649, %dma_start3A_650] : memref<640x16xf32, #tpu.memory_space<vmem_shared>> -> memref<640x16xf32, #tpu.memory_space<vmem_shared>>
    tpu.enqueue_indirect_dma source(%dma_start3A_645 : memref<128x16xf32, #tpu.memory_space<vmem>>) target(%dma_start3A_651 : memref<640x16xf32, #tpu.memory_space<vmem_shared>>) offsets(%dma_start3A_648 : memref<128xi32, #tpu.memory_space<vmem>>) semaphore(%arg13 : memref<!tpu.dma_semaphore, #tpu.memory_space<semaphore_mem>>) {add = true}
    %dma_start3A_652 = arith.constant 1 : i32
    %dma_start3A_653 = arith.constant 128 : i32
    %dma_start3A_654 = arith.constant 0 : i32
    %dma_start3A_655 = tpu.memref_slice %arg9[%dma_start3A_653, %dma_start3A_654] : memref<640x16xf32, #tpu.memory_space<vmem>> -> memref<128x16xf32, #tpu.memory_space<vmem>>
    %dma_start3A_656 = arith.constant 0 : i32
    %dma_start3A_657 = tpu.memref_slice %arg10[%dma_start3A_652, %dma_start3A_656] : memref<5x128xi32, #tpu.memory_space<vmem>> -> memref<1x128xi32, #tpu.memory_space<vmem>>
    %dma_start3A_658 = tpu.memref_squeeze %dma_start3A_657 : memref<1x128xi32, #tpu.memory_space<vmem>> -> memref<128xi32, #tpu.memory_space<vmem>>
    %dma_start3A_659 = arith.constant 0 : i32
    %dma_start3A_660 = arith.constant 0 : i32
    %dma_start3A_661 = tpu.memref_slice %arg12[%dma_start3A_659, %dma_start3A_660] : memref<640x16xf32, #tpu.memory_space<vmem_shared>> -> memref<640x16xf32, #tpu.memory_space<vmem_shared>>
    tpu.enqueue_indirect_dma source(%dma_start3A_655 : memref<128x16xf32, #tpu.memory_space<vmem>>) target(%dma_start3A_661 : memref<640x16xf32, #tpu.memory_space<vmem_shared>>) offsets(%dma_start3A_658 : memref<128xi32, #tpu.memory_space<vmem>>) semaphore(%arg13 : memref<!tpu.dma_semaphore, #tpu.memory_space<semaphore_mem>>) {add = true}
    %dma_start3A_662 = arith.constant 2 : i32
    %dma_start3A_663 = arith.constant 256 : i32
    %dma_start3A_664 = arith.constant 0 : i32
    %dma_start3A_665 = tpu.memref_slice %arg9[%dma_start3A_663, %dma_start3A_664] : memref<640x16xf32, #tpu.memory_space<vmem>> -> memref<128x16xf32, #tpu.memory_space<vmem>>
    %dma_start3A_666 = arith.constant 0 : i32
    %dma_start3A_667 = tpu.memref_slice %arg10[%dma_start3A_662, %dma_start3A_666] : memref<5x128xi32, #tpu.memory_space<vmem>> -> memref<1x128xi32, #tpu.memory_space<vmem>>
    %dma_start3A_668 = tpu.memref_squeeze %dma_start3A_667 : memref<1x128xi32, #tpu.memory_space<vmem>> -> memref<128xi32, #tpu.memory_space<vmem>>
    %dma_start3A_669 = arith.constant 0 : i32
    %dma_start3A_670 = arith.constant 0 : i32
    %dma_start3A_671 = tpu.memref_slice %arg12[%dma_start3A_669, %dma_start3A_670] : memref<640x16xf32, #tpu.memory_space<vmem_shared>> -> memref<640x16xf32, #tpu.memory_space<vmem_shared>>
    tpu.enqueue_indirect_dma source(%dma_start3A_665 : memref<128x16xf32, #tpu.memory_space<vmem>>) target(%dma_start3A_671 : memref<640x16xf32, #tpu.memory_space<vmem_shared>>) offsets(%dma_start3A_668 : memref<128xi32, #tpu.memory_space<vmem>>) semaphore(%arg13 : memref<!tpu.dma_semaphore, #tpu.memory_space<semaphore_mem>>) {add = true}
    %dma_start3A_672 = arith.constant 3 : i32
    %dma_start3A_673 = arith.constant 384 : i32
    %dma_start3A_674 = arith.constant 0 : i32
    %dma_start3A_675 = tpu.memref_slice %arg9[%dma_start3A_673, %dma_start3A_674] : memref<640x16xf32, #tpu.memory_space<vmem>> -> memref<128x16xf32, #tpu.memory_space<vmem>>
    %dma_start3A_676 = arith.constant 0 : i32
    %dma_start3A_677 = tpu.memref_slice %arg10[%dma_start3A_672, %dma_start3A_676] : memref<5x128xi32, #tpu.memory_space<vmem>> -> memref<1x128xi32, #tpu.memory_space<vmem>>
    %dma_start3A_678 = tpu.memref_squeeze %dma_start3A_677 : memref<1x128xi32, #tpu.memory_space<vmem>> -> memref<128xi32, #tpu.memory_space<vmem>>
    %dma_start3A_679 = arith.constant 0 : i32
    %dma_start3A_680 = arith.constant 0 : i32
    %dma_start3A_681 = tpu.memref_slice %arg12[%dma_start3A_679, %dma_start3A_680] : memref<640x16xf32, #tpu.memory_space<vmem_shared>> -> memref<640x16xf32, #tpu.memory_space<vmem_shared>>
    tpu.enqueue_indirect_dma source(%dma_start3A_675 : memref<128x16xf32, #tpu.memory_space<vmem>>) target(%dma_start3A_681 : memref<640x16xf32, #tpu.memory_space<vmem_shared>>) offsets(%dma_start3A_678 : memref<128xi32, #tpu.memory_space<vmem>>) semaphore(%arg13 : memref<!tpu.dma_semaphore, #tpu.memory_space<semaphore_mem>>) {add = true}
    %dma_start3A_682 = arith.constant 4 : i32
    %dma_start3A_683 = arith.constant 512 : i32
    %dma_start3A_684 = arith.constant 0 : i32
    %dma_start3A_685 = tpu.memref_slice %arg9[%dma_start3A_683, %dma_start3A_684] : memref<640x16xf32, #tpu.memory_space<vmem>> -> memref<128x16xf32, #tpu.memory_space<vmem>>
    %dma_start3A_686 = arith.constant 0 : i32
    %dma_start3A_687 = tpu.memref_slice %arg10[%dma_start3A_682, %dma_start3A_686] : memref<5x128xi32, #tpu.memory_space<vmem>> -> memref<1x128xi32, #tpu.memory_space<vmem>>
    %dma_start3A_688 = tpu.memref_squeeze %dma_start3A_687 : memref<1x128xi32, #tpu.memory_space<vmem>> -> memref<128xi32, #tpu.memory_space<vmem>>
    %dma_start3A_689 = arith.constant 0 : i32
    %dma_start3A_690 = arith.constant 0 : i32
    %dma_start3A_691 = tpu.memref_slice %arg12[%dma_start3A_689, %dma_start3A_690] : memref<640x16xf32, #tpu.memory_space<vmem_shared>> -> memref<640x16xf32, #tpu.memory_space<vmem_shared>>
    tpu.enqueue_indirect_dma source(%dma_start3A_685 : memref<128x16xf32, #tpu.memory_space<vmem>>) target(%dma_start3A_691 : memref<640x16xf32, #tpu.memory_space<vmem_shared>>) offsets(%dma_start3A_688 : memref<128xi32, #tpu.memory_space<vmem>>) semaphore(%arg13 : memref<!tpu.dma_semaphore, #tpu.memory_space<semaphore_mem>>) {add = true}
    %dma_wait3A_692 = arith.constant 0 : i32
    %dma_wait3A_693 = arith.constant 0 : i32
    %dma_wait3A_694 = arith.constant 0 : i32
    %dma_wait3A_695 = tpu.memref_slice %arg9[%dma_wait3A_693, %dma_wait3A_694] : memref<640x16xf32, #tpu.memory_space<vmem>> -> memref<128x16xf32, #tpu.memory_space<vmem>>
    %dma_wait3A_696 = arith.constant 0 : i32
    %dma_wait3A_697 = tpu.memref_slice %arg10[%dma_wait3A_692, %dma_wait3A_696] : memref<5x128xi32, #tpu.memory_space<vmem>> -> memref<1x128xi32, #tpu.memory_space<vmem>>
    %dma_wait3A_698 = tpu.memref_squeeze %dma_wait3A_697 : memref<1x128xi32, #tpu.memory_space<vmem>> -> memref<128xi32, #tpu.memory_space<vmem>>
    %dma_wait3A_699 = arith.constant 0 : i32
    %dma_wait3A_700 = arith.constant 0 : i32
    %dma_wait3A_701 = tpu.memref_slice %arg12[%dma_wait3A_699, %dma_wait3A_700] : memref<640x16xf32, #tpu.memory_space<vmem_shared>> -> memref<640x16xf32, #tpu.memory_space<vmem_shared>>
    tpu.wait_indirect_dma semaphore(%arg13 : memref<!tpu.dma_semaphore, #tpu.memory_space<semaphore_mem>>) src(%dma_wait3A_695 : memref<128x16xf32, #tpu.memory_space<vmem>>) dst(%dma_wait3A_701 : memref<640x16xf32, #tpu.memory_space<vmem_shared>>)
    %dma_wait3A_702 = arith.constant 1 : i32
    %dma_wait3A_703 = arith.constant 128 : i32
    %dma_wait3A_704 = arith.constant 0 : i32
    %dma_wait3A_705 = tpu.memref_slice %arg9[%dma_wait3A_703, %dma_wait3A_704] : memref<640x16xf32, #tpu.memory_space<vmem>> -> memref<128x16xf32, #tpu.memory_space<vmem>>
    %dma_wait3A_706 = arith.constant 0 : i32
    %dma_wait3A_707 = tpu.memref_slice %arg10[%dma_wait3A_702, %dma_wait3A_706] : memref<5x128xi32, #tpu.memory_space<vmem>> -> memref<1x128xi32, #tpu.memory_space<vmem>>
    %dma_wait3A_708 = tpu.memref_squeeze %dma_wait3A_707 : memref<1x128xi32, #tpu.memory_space<vmem>> -> memref<128xi32, #tpu.memory_space<vmem>>
    %dma_wait3A_709 = arith.constant 0 : i32
    %dma_wait3A_710 = arith.constant 0 : i32
    %dma_wait3A_711 = tpu.memref_slice %arg12[%dma_wait3A_709, %dma_wait3A_710] : memref<640x16xf32, #tpu.memory_space<vmem_shared>> -> memref<640x16xf32, #tpu.memory_space<vmem_shared>>
    tpu.wait_indirect_dma semaphore(%arg13 : memref<!tpu.dma_semaphore, #tpu.memory_space<semaphore_mem>>) src(%dma_wait3A_705 : memref<128x16xf32, #tpu.memory_space<vmem>>) dst(%dma_wait3A_711 : memref<640x16xf32, #tpu.memory_space<vmem_shared>>)
    %dma_wait3A_712 = arith.constant 2 : i32
    %dma_wait3A_713 = arith.constant 256 : i32
    %dma_wait3A_714 = arith.constant 0 : i32
    %dma_wait3A_715 = tpu.memref_slice %arg9[%dma_wait3A_713, %dma_wait3A_714] : memref<640x16xf32, #tpu.memory_space<vmem>> -> memref<128x16xf32, #tpu.memory_space<vmem>>
    %dma_wait3A_716 = arith.constant 0 : i32
    %dma_wait3A_717 = tpu.memref_slice %arg10[%dma_wait3A_712, %dma_wait3A_716] : memref<5x128xi32, #tpu.memory_space<vmem>> -> memref<1x128xi32, #tpu.memory_space<vmem>>
    %dma_wait3A_718 = tpu.memref_squeeze %dma_wait3A_717 : memref<1x128xi32, #tpu.memory_space<vmem>> -> memref<128xi32, #tpu.memory_space<vmem>>
    %dma_wait3A_719 = arith.constant 0 : i32
    %dma_wait3A_720 = arith.constant 0 : i32
    %dma_wait3A_721 = tpu.memref_slice %arg12[%dma_wait3A_719, %dma_wait3A_720] : memref<640x16xf32, #tpu.memory_space<vmem_shared>> -> memref<640x16xf32, #tpu.memory_space<vmem_shared>>
    tpu.wait_indirect_dma semaphore(%arg13 : memref<!tpu.dma_semaphore, #tpu.memory_space<semaphore_mem>>) src(%dma_wait3A_715 : memref<128x16xf32, #tpu.memory_space<vmem>>) dst(%dma_wait3A_721 : memref<640x16xf32, #tpu.memory_space<vmem_shared>>)
    %dma_wait3A_722 = arith.constant 3 : i32
    %dma_wait3A_723 = arith.constant 384 : i32
    %dma_wait3A_724 = arith.constant 0 : i32
    %dma_wait3A_725 = tpu.memref_slice %arg9[%dma_wait3A_723, %dma_wait3A_724] : memref<640x16xf32, #tpu.memory_space<vmem>> -> memref<128x16xf32, #tpu.memory_space<vmem>>
    %dma_wait3A_726 = arith.constant 0 : i32
    %dma_wait3A_727 = tpu.memref_slice %arg10[%dma_wait3A_722, %dma_wait3A_726] : memref<5x128xi32, #tpu.memory_space<vmem>> -> memref<1x128xi32, #tpu.memory_space<vmem>>
    %dma_wait3A_728 = tpu.memref_squeeze %dma_wait3A_727 : memref<1x128xi32, #tpu.memory_space<vmem>> -> memref<128xi32, #tpu.memory_space<vmem>>
    %dma_wait3A_729 = arith.constant 0 : i32
    %dma_wait3A_730 = arith.constant 0 : i32
    %dma_wait3A_731 = tpu.memref_slice %arg12[%dma_wait3A_729, %dma_wait3A_730] : memref<640x16xf32, #tpu.memory_space<vmem_shared>> -> memref<640x16xf32, #tpu.memory_space<vmem_shared>>
    tpu.wait_indirect_dma semaphore(%arg13 : memref<!tpu.dma_semaphore, #tpu.memory_space<semaphore_mem>>) src(%dma_wait3A_725 : memref<128x16xf32, #tpu.memory_space<vmem>>) dst(%dma_wait3A_731 : memref<640x16xf32, #tpu.memory_space<vmem_shared>>)
    %dma_wait3A_732 = arith.constant 4 : i32
    %dma_wait3A_733 = arith.constant 512 : i32
    %dma_wait3A_734 = arith.constant 0 : i32
    %dma_wait3A_735 = tpu.memref_slice %arg9[%dma_wait3A_733, %dma_wait3A_734] : memref<640x16xf32, #tpu.memory_space<vmem>> -> memref<128x16xf32, #tpu.memory_space<vmem>>
    %dma_wait3A_736 = arith.constant 0 : i32
    %dma_wait3A_737 = tpu.memref_slice %arg10[%dma_wait3A_732, %dma_wait3A_736] : memref<5x128xi32, #tpu.memory_space<vmem>> -> memref<1x128xi32, #tpu.memory_space<vmem>>
    %dma_wait3A_738 = tpu.memref_squeeze %dma_wait3A_737 : memref<1x128xi32, #tpu.memory_space<vmem>> -> memref<128xi32, #tpu.memory_space<vmem>>
    %dma_wait3A_739 = arith.constant 0 : i32
    %dma_wait3A_740 = arith.constant 0 : i32
    %dma_wait3A_741 = tpu.memref_slice %arg12[%dma_wait3A_739, %dma_wait3A_740] : memref<640x16xf32, #tpu.memory_space<vmem_shared>> -> memref<640x16xf32, #tpu.memory_space<vmem_shared>>
    tpu.wait_indirect_dma semaphore(%arg13 : memref<!tpu.dma_semaphore, #tpu.memory_space<semaphore_mem>>) src(%dma_wait3A_735 : memref<128x16xf32, #tpu.memory_space<vmem>>) dst(%dma_wait3A_741 : memref<640x16xf32, #tpu.memory_space<vmem_shared>>)
    %barrier3A_742 = arith.constant 0 : index
    tpu.barrier barrier_id(%barrier3A_742)
    %scan3A_743 = arith.constant 0 : i32
    %scan3A_744 = arith.constant 0 : i32
    %scan3A_745 = arith.constant 8 : i32
    %scan3A_746 = arith.addi %scan3A_744, %scan3A_745 : i32
    %scan3A_747 = arith.constant 1 : i32
    %scan3A_748 = scf.for %scan3A_761 = %scan3A_744 to %scan3A_746 step %scan3A_747 iter_args(%scan3A_762 = %scan3A_743) -> (i32)  : i32 {
      %mul3A_763 = arith.constant 16 : i32
      %mul3A_764 = arith.muli %scan3A_761, %mul3A_763 : i32
      %add3A_765 = arith.addi %arg1, %mul3A_764 : i32
      %lt3A = arith.constant 125 : i32
      %lt3A_766 = arith.cmpi slt, %add3A_765, %lt3A : i32
      %convert_element_type3A = arith.extui %lt3A_766 : i1 to i32
      %cond3A = arith.constant 0 : i32
      %cond3A_767 = arith.cmpi ne, %convert_element_type3A, %cond3A : i32
      scf.if %cond3A_767 {
        %mul3A_769 = arith.constant 80 : i32
        %mul3A_770 = arith.muli %add3A_765, %mul3A_769 : i32
        %mul3A_771 = arith.constant 80 : i32
        %mul3A_772 = arith.muli %add3A_765, %mul3A_771 : i32
        %dma_start3A_773 = arith.constant 0 : i32
        %dma_start3A_774 = tpu.memref_slice %arg4[%arg0, %mul3A_772, %dma_start3A_773] : memref<2x10000x128xf32, #tpu.memory_space<hbm>> -> memref<1x80x128xf32, #tpu.memory_space<hbm>>
        %dma_start3A_775 = tpu.memref_squeeze %dma_start3A_774 : memref<1x80x128xf32, #tpu.memory_space<hbm>> -> memref<80x128xf32, #tpu.memory_space<hbm>>
        %dma_start3A_776 = arith.constant 0 : i32
        %dma_start3A_777 = tpu.memref_slice %arg11[%mul3A_770, %dma_start3A_776] : memref<10000x128xf32, #tpu.memory_space<vmem_shared>> -> memref<80x128xf32, #tpu.memory_space<vmem_shared>>
        tpu.enqueue_dma source(%dma_start3A_777 : memref<80x128xf32, #tpu.memory_space<vmem_shared>>) target(%dma_start3A_775 : memref<80x128xf32, #tpu.memory_space<hbm>>) target_semaphore(%arg13 : memref<!tpu.dma_semaphore, #tpu.memory_space<semaphore_mem>>)
      } else {
      }
      %scan3A_768 = arith.constant 0 : i32
      scf.yield %scan3A_768 : i32
    }
    %scan3A_749 = arith.constant 8 : i32
    %scan3A_750 = arith.constant 0 : i32
    %scan3A_751 = arith.constant 0 : i32
    %scan3A_752 = arith.constant 8 : i32
    %scan3A_753 = arith.addi %scan3A_751, %scan3A_752 : i32
    %scan3A_754 = arith.constant 1 : i32
    %scan3A_755 = scf.for %scan3A_761 = %scan3A_751 to %scan3A_753 step %scan3A_754 iter_args(%scan3A_762 = %scan3A_750) -> (i32)  : i32 {
      %mul3A_763 = arith.constant 16 : i32
      %mul3A_764 = arith.muli %scan3A_761, %mul3A_763 : i32
      %add3A_765 = arith.addi %arg1, %mul3A_764 : i32
      %lt3A = arith.constant 125 : i32
      %lt3A_766 = arith.cmpi slt, %add3A_765, %lt3A : i32
      %convert_element_type3A = arith.extui %lt3A_766 : i1 to i32
      %cond3A = arith.constant 0 : i32
      %cond3A_767 = arith.cmpi ne, %convert_element_type3A, %cond3A : i32
      scf.if %cond3A_767 {
        %mul3A_769 = arith.constant 80 : i32
        %mul3A_770 = arith.muli %add3A_765, %mul3A_769 : i32
        %mul3A_771 = arith.constant 80 : i32
        %mul3A_772 = arith.muli %add3A_765, %mul3A_771 : i32
        %dma_wait3A_773 = arith.constant 0 : i32
        %dma_wait3A_774 = tpu.memref_slice %arg4[%arg0, %mul3A_772, %dma_wait3A_773] : memref<2x10000x128xf32, #tpu.memory_space<hbm>> -> memref<1x80x128xf32, #tpu.memory_space<hbm>>
        %dma_wait3A_775 = tpu.memref_squeeze %dma_wait3A_774 : memref<1x80x128xf32, #tpu.memory_space<hbm>> -> memref<80x128xf32, #tpu.memory_space<hbm>>
        %dma_wait3A_776 = arith.constant 0 : i32
        %dma_wait3A_777 = tpu.memref_slice %arg11[%mul3A_770, %dma_wait3A_776] : memref<10000x128xf32, #tpu.memory_space<vmem_shared>> -> memref<80x128xf32, #tpu.memory_space<vmem_shared>>
        tpu.wait_dma2 semaphore(%arg13 : memref<!tpu.dma_semaphore, #tpu.memory_space<semaphore_mem>>) src(%dma_wait3A_777 : memref<80x128xf32, #tpu.memory_space<vmem_shared>>) dst(%dma_wait3A_775 : memref<80x128xf32, #tpu.memory_space<hbm>>)
      } else {
      }
      %scan3A_768 = arith.constant 0 : i32
      scf.yield %scan3A_768 : i32
    }
    %scan3A_756 = arith.constant 8 : i32
    %mul3A_757 = arith.constant 40 : i32
    %mul3A_758 = arith.muli %arg1, %mul3A_757 : i32
    "tpu.region"() ({
      %run_scoped3A_761 = tpu.sem_alloc : memref<!tpu.dma_semaphore, #tpu.memory_space<semaphore_mem>>
      %dma_start3A_762 = arith.constant 0 : i32
      %dma_start3A_763 = arith.constant 0 : i32
      %dma_start3A_764 = tpu.memref_slice %arg9[%dma_start3A_762, %dma_start3A_763] : memref<640x16xf32, #tpu.memory_space<vmem>> -> memref<40x16xf32, #tpu.memory_space<vmem>>
      %dma_start3A_765 = arith.constant 0 : i32
      %dma_start3A_766 = tpu.memref_slice %arg12[%mul3A_758, %dma_start3A_765] : memref<640x16xf32, #tpu.memory_space<vmem_shared>> -> memref<40x16xf32, #tpu.memory_space<vmem_shared>>
      %dma_start3A_767 = arith.constant 0 : i32
      %dma_start3A_768 = arith.constant 0 : i32
      %dma_start3A_769 = tpu.memref_slice %arg9[%dma_start3A_767, %dma_start3A_768] : memref<640x16xf32, #tpu.memory_space<vmem>> -> memref<40x16xf32, #tpu.memory_space<vmem>>
      %dma_start3A_770 = arith.constant 0 : i32
      %dma_start3A_771 = tpu.memref_slice %arg12[%mul3A_758, %dma_start3A_770] : memref<640x16xf32, #tpu.memory_space<vmem_shared>> -> memref<40x16xf32, #tpu.memory_space<vmem_shared>>
      tpu.enqueue_dma source(%dma_start3A_771 : memref<40x16xf32, #tpu.memory_space<vmem_shared>>) target(%dma_start3A_769 : memref<40x16xf32, #tpu.memory_space<vmem>>) target_semaphore(%run_scoped3A_761 : memref<!tpu.dma_semaphore, #tpu.memory_space<semaphore_mem>>)
      %dma_wait3A_772 = arith.constant 0 : i32
      %dma_wait3A_773 = arith.constant 0 : i32
      %dma_wait3A_774 = tpu.memref_slice %arg9[%dma_wait3A_772, %dma_wait3A_773] : memref<640x16xf32, #tpu.memory_space<vmem>> -> memref<40x16xf32, #tpu.memory_space<vmem>>
      %dma_wait3A_775 = arith.constant 0 : i32
      %dma_wait3A_776 = tpu.memref_slice %arg12[%mul3A_758, %dma_wait3A_775] : memref<640x16xf32, #tpu.memory_space<vmem_shared>> -> memref<40x16xf32, #tpu.memory_space<vmem_shared>>
      %dma_wait3A_777 = arith.constant 0 : i32
      %dma_wait3A_778 = arith.constant 0 : i32
      %dma_wait3A_779 = tpu.memref_slice %arg9[%dma_wait3A_777, %dma_wait3A_778] : memref<640x16xf32, #tpu.memory_space<vmem>> -> memref<40x16xf32, #tpu.memory_space<vmem>>
      %dma_wait3A_780 = arith.constant 0 : i32
      %dma_wait3A_781 = tpu.memref_slice %arg12[%mul3A_758, %dma_wait3A_780] : memref<640x16xf32, #tpu.memory_space<vmem_shared>> -> memref<40x16xf32, #tpu.memory_space<vmem_shared>>
      tpu.wait_dma2 semaphore(%run_scoped3A_761 : memref<!tpu.dma_semaphore, #tpu.memory_space<semaphore_mem>>) src(%dma_wait3A_781 : memref<40x16xf32, #tpu.memory_space<vmem_shared>>) dst(%dma_wait3A_779 : memref<40x16xf32, #tpu.memory_space<vmem>>)
      tpu.yield
    }) : () -> ()
    %mul3A_759 = arith.constant 40 : i32
    %mul3A_760 = arith.muli %arg1, %mul3A_759 : i32
    "tpu.region"() ({
      %run_scoped3A_761 = tpu.sem_alloc : memref<!tpu.dma_semaphore, #tpu.memory_space<semaphore_mem>>
      %dma_start3A_762 = arith.constant 0 : i32
      %dma_start3A_763 = arith.constant 0 : i32
      %dma_start3A_764 = tpu.memref_slice %arg9[%dma_start3A_762, %dma_start3A_763] : memref<640x16xf32, #tpu.memory_space<vmem>> -> memref<40x16xf32, #tpu.memory_space<vmem>>
      %dma_start3A_765 = arith.constant 0 : i32
      %dma_start3A_766 = tpu.memref_slice %arg5[%arg0, %mul3A_760, %dma_start3A_765] : memref<2x640x16xf32, #tpu.memory_space<hbm>> -> memref<1x40x16xf32, #tpu.memory_space<hbm>>
      %dma_start3A_767 = tpu.memref_squeeze %dma_start3A_766 : memref<1x40x16xf32, #tpu.memory_space<hbm>> -> memref<40x16xf32, #tpu.memory_space<hbm>>
      %dma_start3A_768 = arith.constant 0 : i32
      %dma_start3A_769 = tpu.memref_slice %arg5[%arg0, %mul3A_760, %dma_start3A_768] : memref<2x640x16xf32, #tpu.memory_space<hbm>> -> memref<1x40x16xf32, #tpu.memory_space<hbm>>
      %dma_start3A_770 = tpu.memref_squeeze %dma_start3A_769 : memref<1x40x16xf32, #tpu.memory_space<hbm>> -> memref<40x16xf32, #tpu.memory_space<hbm>>
      %dma_start3A_771 = arith.constant 0 : i32
      %dma_start3A_772 = arith.constant 0 : i32
      %dma_start3A_773 = tpu.memref_slice %arg9[%dma_start3A_771, %dma_start3A_772] : memref<640x16xf32, #tpu.memory_space<vmem>> -> memref<40x16xf32, #tpu.memory_space<vmem>>
      tpu.enqueue_dma source(%dma_start3A_773 : memref<40x16xf32, #tpu.memory_space<vmem>>) target(%dma_start3A_770 : memref<40x16xf32, #tpu.memory_space<hbm>>) target_semaphore(%run_scoped3A_761 : memref<!tpu.dma_semaphore, #tpu.memory_space<semaphore_mem>>)
      %dma_wait3A_774 = arith.constant 0 : i32
      %dma_wait3A_775 = arith.constant 0 : i32
      %dma_wait3A_776 = tpu.memref_slice %arg9[%dma_wait3A_774, %dma_wait3A_775] : memref<640x16xf32, #tpu.memory_space<vmem>> -> memref<40x16xf32, #tpu.memory_space<vmem>>
      %dma_wait3A_777 = arith.constant 0 : i32
      %dma_wait3A_778 = tpu.memref_slice %arg5[%arg0, %mul3A_760, %dma_wait3A_777] : memref<2x640x16xf32, #tpu.memory_space<hbm>> -> memref<1x40x16xf32, #tpu.memory_space<hbm>>
      %dma_wait3A_779 = tpu.memref_squeeze %dma_wait3A_778 : memref<1x40x16xf32, #tpu.memory_space<hbm>> -> memref<40x16xf32, #tpu.memory_space<hbm>>
      %dma_wait3A_780 = arith.constant 0 : i32
      %dma_wait3A_781 = tpu.memref_slice %arg5[%arg0, %mul3A_760, %dma_wait3A_780] : memref<2x640x16xf32, #tpu.memory_space<hbm>> -> memref<1x40x16xf32, #tpu.memory_space<hbm>>
      %dma_wait3A_782 = tpu.memref_squeeze %dma_wait3A_781 : memref<1x40x16xf32, #tpu.memory_space<hbm>> -> memref<40x16xf32, #tpu.memory_space<hbm>>
      %dma_wait3A_783 = arith.constant 0 : i32
      %dma_wait3A_784 = arith.constant 0 : i32
      %dma_wait3A_785 = tpu.memref_slice %arg9[%dma_wait3A_783, %dma_wait3A_784] : memref<640x16xf32, #tpu.memory_space<vmem>> -> memref<40x16xf32, #tpu.memory_space<vmem>>
      tpu.wait_dma2 semaphore(%run_scoped3A_761 : memref<!tpu.dma_semaphore, #tpu.memory_space<semaphore_mem>>) src(%dma_wait3A_785 : memref<40x16xf32, #tpu.memory_space<vmem>>) dst(%dma_wait3A_782 : memref<40x16xf32, #tpu.memory_space<hbm>>)
      tpu.yield
    }) : () -> ()
    return
  }
}

</mosaic_0001>

<sc_bundles>
// kernel: _sc_aggregate.3.cloned.1.call-start
scs
__scs_entry_jumppad:
0x0: {  	(pc) =	sbr.rel $0x88, $3  }
0x1: {  	(tag) =	ssettag $0x0;
	lr =	simm.s32 $0x1  }
0x2: {  	[smem:$0x3F9F] =	sst lr;
	_ =	strace $0xD0000000  }
0x3: {  	_ = 	snop  }
0x4: {  	_ = 	snop  }
0x5: {  	_ = 	snop  }
0x6: {  	_ = 	snop  }
0x7: {  	_ = 	snop  }
__scs_overlays_trampoline_lowered:
0x8: {  	[smem:$0x3FAE] =	sst s0  }
0x9: {  	[smem:$0x3FAF] =	sst s1  }
0xa: {  	[smem:$0x3FB0] =	sst s2  }
0xb: {  	[smem:$0x3FB1] =	sst s3  }
0xc: {  	[smem:$0x3FB2] =	sst s4  }
0xd: {  	[smem:$0x3FB3] =	sst s5  }
0xe: {  	[smem:$0x3FB4] =	sst s6  }
0xf: {  	[smem:$0x3FB5] =	sst s7  }
0x10: {  	[smem:$0x3FB6] =	sst s8  }
0x11: {  	[smem:$0x3FB7] =	sst s9;
	s0 =	simm.s32 @!p0 $0x0  }
0x12: {  	s1 =	sld [smem:$0x3F9D];
	s0 =	simm.s32 @p0 $0x1  }
0x13: {  	[smem:$0x3FB8] =	sst s0;
	s0 =	simm.s32 @!p1 $0x0  }
0x14: {  	s2 =	sld [smem:$0x3F9C];
	s0 =	simm.s32 @p1 $0x1  }
0x15: {  	[smem:$0x3FB9] =	sst s0;
	s0 =	simm.s32 @!p2 $0x0  }
0x16: {  	s3 =	sld [smem:$0x3FDB];
	s0 =	simm.s32 @p2 $0x1  }
0x17: {  	s4 =	simm.s32 $0x1BF5;
	[smem:$0x3FBB] =	sst s0  }
0x18: {  	s0 =	sld [smem:$0x3F9E];
	_ =	swait.ge [sflag:s4], $0x0  }
0x19: {  	s7 =	sld [smem:$0x3F9F]  }
0x1a: {  	s8 =	sadd.s32 $0xFFFFE003, lr  }
0x1b: {  	s9 =	sadd.s32 $0xFFFFFEF7, lr;
	s5 =	simm.s32 $0xFFFFFFFF;
	p2 =	slt.u32 s8, $0xFFFFF086  }
0x1c: {  	p1 =	slt.u32 s9, $0xF7A;
	s5 =	simm.s32 @!p2 $0x0  }
0x1d: {  	s5 =	simm.s32 @p1 $0x1;
	p0 =	seq.s32 s7, s2  }
0x1e: {  	s7 =	smul.u32 @!p0 $0xF7A, s2;
	p2 =	seq.s32 @!p0 s5, $0x0  }
0x1f: {  	s9 =	smul.u32 $0xF7A, s1;
	s8 =	simm.s32 @!p0 $0x1BF5;
	p2 =	por !p2, p0  }
0x20: {  	[sflag:s8] =	ssyncset.s32 @!p0 $0xFFFFF086;
	s6 =	sadd.s32 @!p0 s3, s7;
	s7 =	simm.s32 @!p0 $0x108  }
0x21: {  	s3 =	sadd.s32 s3, s9;
	s6 =	sadd.s32 @!p0 $0x88, s6;
	s7 =	simm.s32 @p2 $0x1082  }
0x22: {  	[simem:s7], [sflag:s8] =	dma.local @!p0 [hbm:s6], $0xF7A  }
0x23: {  	s9 =	sor.u32 $0xD0000000, s2;
	s6 =	simm.s32 $0x108;
	_ =	swait.ge @!p0 [sflag:s8], $0x0  }
0x24: {  	s3 =	sadd.s32 $0x88, s3;
	s6 =	simm.s32 @!p1 $0x1082;
	[sflag:s4] =	ssyncset.s32 $0xFFFFF086  }
0x25: {  	[simem:s6], [sflag:s4] =	dma.local [hbm:s3], $0xF7A  }
0x26: {  	[smem:$0x3F9F] =	sst s1;
	(tag) =	ssettag s2;
	_ =	strace s9  }
0x27: {  	s1 =	sld [smem:$0x3FAF]  }
0x28: {  	s2 =	sld [smem:$0x3FB0]  }
0x29: {  	s4 =	sld [smem:$0x3FB2]  }
0x2a: {  	p0 =	seq.s32 s5, $0x0;
	s5 =	sld [smem:$0x3FB3]  }
0x2b: {  	s6 =	sld [smem:$0x3FB4]  }
0x2c: {  	s7 =	sld [smem:$0x3FB5]  }
0x2d: {  	s3 =	simm.s32 $0x108;
	s8 =	sld [smem:$0x3FB6]  }
0x2e: {  	s3 =	simm.s32 @!p0 $0x1082;
	s9 =	sld [smem:$0x3FB7]  }
0x2f: {  	lr =	sadd.s32 s0, s3;
	s0 =	sld [smem:$0x3FAE]  }
0x30: {  	s3 =	sld [smem:$0x3FB1]  }
0x31: {  	[smem:$0x3FBA] =	sst s10  }
0x32: {  	s10 =	sld [smem:$0x3FB8];
	_ =	sdelay $0x3  }
0x33: {  	p0 =	seq.s32 s10, $0x1;
	s10 =	sld [smem:$0x3FBA];
	_ =	sdelay $0x3  }
0x34: {  	[smem:$0x3FBA] =	sst s10  }
0x35: {  	s10 =	sld [smem:$0x3FB9];
	_ =	sdelay $0x3  }
0x36: {  	p1 =	seq.s32 s10, $0x1;
	s10 =	sld [smem:$0x3FBA];
	_ =	sdelay $0x3  }
0x37: {  	[smem:$0x3FBA] =	sst s10  }
0x38: {  	s10 =	sld [smem:$0x3FBB]  }
0x39: {  	_ = 	snop;
	(pc) =	sbr.ind lr, $3  }
0x3a: {  	_ = 	snop  }
0x3b: {  	_ = 	snop  }
0x3c: {  	p2 =	seq.s32 s10, $0x1;
	s10 =	sld [smem:$0x3FBA]  }
0x3d: {  	_ =	shalt  }
0x3e: {  	_ =	shalt  }
0x3f: {  	_ =	shalt  }
0x40: {  	_ =	shalt  }
0x41: {  	_ =	shalt  }
0x42: {  	_ =	shalt  }
0x43: {  	_ =	shalt  }
0x44: {  	_ =	shalt  }
0x45: {  	_ =	shalt  }
0x46: {  	_ =	shalt  }
0x47: {  	_ =	shalt  }
0x48: {  	_ =	shalt  }
0x49: {  	_ =	shalt  }
0x4a: {  	_ =	shalt  }
0x4b: {  	_ =	shalt  }
0x4c: {  	_ =	shalt  }
0x4d: {  	_ =	shalt  }
0x4e: {  	_ =	shalt  }
0x4f: {  	_ =	shalt  }
0x50: {  	_ =	shalt  }
0x51: {  	_ =	shalt  }
0x52: {  	_ =	shalt  }
0x53: {  	_ =	shalt  }
0x54: {  	_ =	shalt  }
0x55: {  	_ =	shalt  }
0x56: {  	_ =	shalt  }
0x57: {  	_ =	shalt  }
0x58: {  	_ =	shalt  }
0x59: {  	_ =	shalt  }
0x5a: {  	_ =	shalt  }
0x5b: {  	_ =	shalt  }
0x5c: {  	_ =	shalt  }
0x5d: {  	_ =	shalt  }
0x5e: {  	_ =	shalt  }
0x5f: {  	_ =	shalt  }
0x60: {  	_ =	shalt  }
0x61: {  	_ =	shalt  }
0x62: {  	_ =	shalt  }
0x63: {  	_ =	shalt  }
0x64: {  	_ =	shalt  }
0x65: {  	_ =	shalt  }
0x66: {  	_ =	shalt  }
0x67: {  	_ =	shalt  }
0x68: {  	_ =	shalt  }
0x69: {  	_ =	shalt  }
0x6a: {  	_ =	shalt  }
0x6b: {  	_ =	shalt  }
0x6c: {  	_ =	shalt  }
0x6d: {  	_ =	shalt  }
0x6e: {  	_ =	shalt  }
0x6f: {  	_ =	shalt  }
0x70: {  	_ =	shalt  }
0x71: {  	_ =	shalt  }
0x72: {  	_ =	shalt  }
0x73: {  	_ =	shalt  }
0x74: {  	_ =	shalt  }
0x75: {  	_ =	shalt  }
0x76: {  	_ =	shalt  }
0x77: {  	_ =	shalt  }
0x78: {  	_ =	shalt  }
0x79: {  	_ =	shalt  }
0x7a: {  	_ =	shalt  }
0x7b: {  	_ =	shalt  }
0x7c: {  	_ =	shalt  }
0x7d: {  	_ =	shalt  }
0x7e: {  	_ =	shalt  }
0x7f: {  	_ =	shalt  }
0x80: {  	_ =	shalt  }
0x81: {  	_ =	shalt  }
0x82: {  	_ =	shalt  }
0x83: {  	_ =	shalt  }
0x84: {  	_ =	shalt  }
0x85: {  	_ =	shalt  }
0x86: {  	_ =	shalt  }
0x87: {  	_ =	shalt  }
.Lfunc_end0:
.L_simem_size_0:
called_computation_lowered:
.L_overlay_start_0:
0x88: {  	s2 =	sld [smem:$0x3FD9]  }
0x89: {  	s3 =	sld [smem:$0x3FFE];
	_ =	sdelay $0x1  }
0x8a: {  	s1 =	srdreg.scid  }
0x8b: {  	s0 =	sand.u32 $0x1, s1  }
0x8c: {  	s14 =	sshll.u32 s0, $0xA;
	s2 =	sadd.s32 s3, s2  }
0x8d: {  	s2 =	sadd.s32 s2, s14  }
0x8e: {  	[smem:$0x3FC6] =	sst s2  }
0x8f: {  	_ = 	snop  }
0x90: {  	s2 =	sld [smem:$0x3FD0];
	_ =	sdelay $0x2  }
0x91: {  	s4 =	simm.s32 $0xA;
	s5 =	simm.s32 $0x10;
	s15 =	sld [smem:$0x3FC9]  }
0x92: {  	[smem:s5], [sflag:s4] =	dma.local [hbm:s2], $0x1  }
0x93: {  	_ =	swait.eq [sflag:s4], $0x1  }
0x94: {  	[sflag:s4] =	ssyncset.done $0x0  }
0x95: {  	s16 =	sld [smem:$0x10];
	[sflag:s4] =	ssyncadd.s32 $0xFFFFFFFF  }
0x96: {  	s17 =	sld [smem:$0x11];
	(tm) =	ssettm $0x1  }
0x97: {  	s18 =	sld [smem:$0x3FFB];
	_ =	sdelay $0x3  }
0x98: {  	_ =	strace s18  }
0x99: {  	s5 =	sld [smem:$0x3FFC];
	_ =	sdelay $0x3  }
0x9a: {  	_ =	strace s5  }
0x9b: {  	s5 =	sld [smem:$0x3FFD];
	_ =	sdelay $0x3  }
0x9c: {  	_ =	strace s5  }
0x9d: {  	_ =	strace $0x8FFFFFFF  }
0x9e: {  	s19 =	sld [smem:$0x3FDB];
	_ =	sdelay $0x1  }
0x9f: {  	s6 =	simm.s32 $_scs_section_size  }
0xa0: {  	s7 =	simm.s32 $_size__tile_overlayer_lowered;
	s8 =	simm.s32 $_tile_overlayer_lowered  }
0xa1: {  	s22 =	simm.s32 $0x1BFF;
	s21 =	sshll.u32 s8, $0x1;
	s5 =	sadd.s32 s6, s19  }
0xa2: {  	s9 =	simm.s32 $0x0;
	s20 =	sshll.u32 s7, $0x1;
	s7 =	sadd.s32 s21, s5  }
0xa3: {  	[timem:s9], [sflag:s22] =	dma.local [hbm:s7], s20  }
0xa4: {  	_ =	swait.ge [sflag:s22], s20  }
0xa5: {  	s6 =	ssub.s32 $0x0, s20;
	[sflag:s22] =	ssyncset.done $0x0  }
0xa6: {  	[sflag:s22] =	ssyncadd.s32 s6;
	_ =	sdelay $0x1  }
0xa7: {  	s23 =	simm.s32 $0x1B8B  }
0xa8: {  	_ =	swait.ge [sflag:s23], $0x1  }
0xa9: {  	[sflag:s23] =	ssyncset.done $0x0  }
0xaa: {  	s25 =	simm.s32 $0x1B8E;
	s24 =	sld [smem:$0x3FFE];
	[sflag:s23] =	ssyncadd.s32 $0xFFFFFFFF  }
0xab: {  	s26 =	simm.s32 $execute0_lowered;
	[smem:$0x3FD2] =	sst s25  }
0xac: {  	s7 =	sshll.u32 s26, $0x1;
	_ =	strace $0x80000046;
	[dreg:$0x1] =	wrdreg $0xFFFFFFFF  }
0xad: {  	s28 =	simm.s32 $_size_execute0_lowered;
	s5 =	sadd.s32 s5, s7;
	[dreg:$0x0] =	wrdreg $0x0  }
0xae: {  	s7 =	sshll.u32 s28, $0x1;
	[dreg:$0x2] =	wrdreg s5  }
0xaf: {  	[dreg:$0x3] =	wrdreg s7  }
0xb0: {  	[dreg:$0x4] =	wrdreg $0xC0  }
0xb1: {  	_ =	task [dreg:s9], $0x5FFFF  }
0xb2: {  	[dreg:$0x1] =	wrdreg $0xFFFFFFFF  }
0xb3: {  	[dreg:$0x0] =	wrdreg $0x60  }
0xb4: {  	[dreg:$0x2] =	wrdreg s15  }
0xb5: {  	[dreg:$0x3] =	wrdreg s24  }
0xb6: {  	[dreg:$0x4] =	wrdreg s16  }
0xb7: {  	[dreg:$0x5] =	wrdreg s17  }
0xb8: {  	[dreg:$0x6] =	wrdreg $0x1EDC00  }
0xb9: {  	[dreg:$0x7] =	wrdreg $0xB5400  }
0xba: {  	[dreg:$0x8] =	wrdreg $0x9  }
0xbb: {  	_ =	task.clear_ibuf [dreg:s9], $0x9FFFF;
	_ =	strace $0x90000046  }
0xbc: {  	s29 =	simm.s32 $0x9;
	_ =	strace $0x80000048  }
0xbd: {  	_ =	swait.ge [sflag:s29], $0x1  }
0xbe: {  	[sflag:s29] =	ssyncadd.s32 $0xFFFFFFFF  }
0xbf: {  	_ =	strace $0x90000048  }
0xc0: {  	_ =	sfence  }
0xc1: {  	s30 =	sld [smem:$0x0];
	_ =	sdelay $0x2  }
0xc2: {  	s31 =	sshll.u32 s1, $0xD;
	s1 =	sshrl.u32 s1, $0x2  }
0xc3: {  	s3 =	sand.u32 $0x4000, s31;
	s1 =	sadd.s32 s1, s30  }
0xc4: {  	s0 =	sor.u32 s3, s0;
	s1 =	sshll.u32 s1, $0x11  }
0xc5: {  	s0 =	sor.u32 s1, s0  }
0xc6: {  	s0 =	sadd.s32 $0x8F2B, s0  }
0xc7: {  	[sflag:s0] =	ssyncadd.remote.s32 $0x1  }
0xc8: {  	_ =	sfence.sel $0xFFFF  }
0xc9: {  	[dreg:$0x0] =	wrdreg $0xFFFFFFFF;
	(pc) =	sbr.abs _section_cstart, $3  }
0xca: {  	[dreg:$0x1] =	wrdreg $0xFFFFFFFF  }
0xcb: {  	_ =	task.clear_ibuf [dreg:s9], $0x2FFFF;
	_ =	strace $0x9FFFFFFF  }
0xcc: {  	(tm) =	ssettm $0x7FFFFFFF  }
0xcd: {  	_ =	shalt  }
tec
execute0_lowered:
.L_overlay_start_1:
0x0: {  	(tag) =	ssettag $0x1  }
0x1: {  	s0 =	srdreg.scid;
	s2 =	rddreg [dreg:$0x1]  }
0x2: {  	s25 =	stileid.u32;
	s5 =	rddreg [dreg:$0x2]  }
0x3: {  	s4 =	rddreg [dreg:$0x3];
	s0 =	sand.u32 $0x1, s0;
	s6 =	smul.u32 $0x280, s25  }
0x4: {  	s13 =	sor.u32 $0x10, s25;
	s14 =	sor.u32 $0x20, s25;
	s16 =	sor.u32 $0x30, s25  }
0x5: {  	s17 =	sor.u32 $0x40, s25;
	s1 =	sshll.u32 s0, $0x4;
	s7 =	smul.u32 $0x2800, s0  }
0x6: {  	s18 =	sor.u32 $0x50, s25;
	s19 =	sor.u32 $0x60, s25;
	s1 =	sor.u32 s25, s1  }
0x7: {  	s20 =	sor.u32 $0x70, s25;
	s3 =	smul.u32 $0x2710, s1;
	s7 =	sadd.s32 s6, s7  }
0x8: {  	p1 =	sgt.u32 s25, $0xC;
	s21 =	sshrl.u32 s7, $0x3;
	s7 =	smul.u32 $0x138800, s0  }
0x9: {  	s8 =	ssub.s32 $0x2, s0;
	p0 =	sgt.u32 s20, $0x7C;
	s0 =	smul.u32 $0x2800, s25  }
0xa: {  	s9 =	sshrl.u32 s8, $0x1;
	s22 =	sadd.s32 s4, s21;
	s4 =	smul.u32 $0x2800, s16  }
0xb: {  	s1 =	simm.s32 $0x0;
	s3 =	sshrl.u32 s3, $0x3;
	s21 =	smul.u32 $0x2800, s17  }
0xc: {  	s8 =	ssub.s32 s8, s9;
	s10 =	sadd.s32 s3, s2;
	s2 =	smul.u32 $0x2800, s13  }
0xd: {  	[smem:$0x7FF] =	sst s1;
	s8 =	smax.u32 s8, $0x1;
	s3 =	smul.u32 $0x2800, s14  }
0xe: {  	[dreg:$0x7] =	wrdreg s22;
	s23 =	sadd.s32 s7, s0;
	s22 =	smul.u32 $0x2800, s18  }
0xf: {  	s14 =	smul.u32 $0xA000, s14;
	s24 =	sshrl.u32 s23, $0x3;
	s12 =	sadd.s32 s7, s4  }
0x10: {  	s23 =	smul.u32 $0x2800, s19;
	s9 =	sadd.s32 s5, s24;
	s12 =	sshrl.u32 s12, $0x3  }
0x11: {  	s11 =	sadd.s32 s7, s2;
	[dreg:$0x8] =	wrdreg s9;
	s12 =	sadd.s32 s5, s12  }
0x12: {  	s28 =	sadd.s32 s7, s3;
	s26 =	sshrl.u32 s11, $0x3;
	[dreg:$0xb] =	wrdreg s12  }
0x13: {  	s11 =	sshrl.u32 s28, $0x3;
	s9 =	sadd.s32 s5, s26;
	s12 =	rddreg [dreg:$0x5]  }
0x14: {  	s15 =	sadd.s32 s7, s21;
	s11 =	sadd.s32 s5, s11;
	[dreg:$0x9] =	wrdreg s9  }
0x15: {  	s24 =	sadd.s32 s7, s22;
	s28 =	sadd.s32 s7, s23;
	[dreg:$0xa] =	wrdreg s11  }
0x16: {  	s9 =	sshrl.u32 s15, $0x3;
	s11 =	sshrl.u32 s24, $0x3;
	s24 =	smul.u32 $0x2800, s20  }
0x17: {  	s15 =	sshrl.u32 s28, $0x3;
	s28 =	sadd.s32 $0xA440, s10;
	s0 =	sadd.s32 s0, s12  }
0x18: {  	s2 =	sadd.s32 s2, s12;
	s3 =	sadd.s32 s3, s12;
	s4 =	sadd.s32 s4, s12  }
0x19: {  	s9 =	sadd.s32 s5, s9;
	s26 =	sadd.s32 s5, s11;
	s11 =	rddreg [dreg:$0x4]  }
0x1a: {  	s21 =	sadd.s32 s21, s12;
	s15 =	sadd.s32 s5, s15;
	[dreg:$0xc] =	wrdreg s9  }
0x1b: {  	s30 =	sshrl.u32 s0, $0x3;
	s31 =	sshrl.u32 s2, $0x3;
	[dreg:$0xd] =	wrdreg s26  }
0x1c: {  	s0 =	sshrl.u32 s4, $0x3;
	s9 =	rddreg [dreg:$0x0];
	s7 =	sadd.s32 s7, s24  }
0x1d: {  	s2 =	sshrl.u32 s21, $0x3;
	[dreg:$0xe] =	wrdreg s15;
	s7 =	sshrl.u32 s7, $0x3  }
0x1e: {  	s15 =	sadd.s32 s6, s11;
	s26 =	smul.u32 $0xA000, s25;
	s5 =	sadd.s32 s5, s7  }
0x1f: {  	s7 =	sshrl.u32 s14, $0x2;
	s14 =	smul.u32 $0xA000, s19;
	[dreg:$0xf] =	wrdreg s5  }
0x20: {  	s6 =	sadd.s32 $0x8AC0, s6;
	s5 =	smul.u32 $0xA000, s13;
	_ =	strace $0x80000047  }
0x21: {  	[dreg:$0x10] =	wrdreg s6;
	s6 =	sshrl.u32 s26, $0x2;
	s26 =	smul.u32 $0xA000, s16  }
0x22: {  	s13 =	sadd.s32 $0x800, s10;
	[dreg:$0x12] =	wrdreg s28;
	s28 =	smul.u32 $0xA000, s17  }
0x23: {  	[dreg:$0x11] =	wrdreg s13;
	s13 =	sadd.s32 $0xA76, s10;
	s10 =	smul.u32 $0xA000, s18  }
0x24: {  	s21 =	simm.s32 $0x50;
	[dreg:$0x14] =	wrdreg s8;
	s16 =	smul.u32 $0xA000, s20  }
0x25: {  	v0 =	vlaneseq.u32;
	v1 =	vimm.f32 $0.0e+00;
	v41 =	vimm.f32 $1.000000000e+00;
	s19 =	sshrl.u32 s14, $0x2;
	s8 =	sadd.s32 s24, s12;
	s14 =	simm.s32 $0x4  }
0x26: {  	v2 =	vor.u32 $0x10, v0;
	v3 =	vor.u32 $0x20, v0;
	v4 =	vor.u32 $0x30, v0;
	[dreg:$0x13] =	wrdreg s13;
	s6 =	sadd.s32 s6, s12;
	s5 =	sshrl.u32 s5, $0x2  }
0x27: {  	v5 =	vor.u32 $0x40, v0;
	v6 =	vor.u32 $0x50, v0;
	v7 =	vor.u32 $0x60, v0;
	s24 =	simm.s32 $0x0;
	[dreg:$0x15] =	wrdreg s6;
	s5 =	sadd.s32 s5, s12  }
0x28: {  	v8 =	vor.u32 $0x70, v0;
	v9 =	vor.u32 $0x80, v0;
	v10 =	vor.u32 $0x90, v0;
	s13 =	sshrl.u32 s26, $0x2;
	s6 =	sshrl.u32 s28, $0x2;
	s18 =	sshrl.u32 s10, $0x2  }
0x29: {  	v11 =	vor.u32 $0xA0, v0;
	v12 =	vor.u32 $0xB0, v0;
	v13 =	vor.u32 $0xC0, v0;
	s20 =	sshrl.u32 s16, $0x2;
	s26 =	sadd.s32 s22, s12;
	s28 =	sadd.s32 s23, s12  }
0x2a: {  	v14 =	vor.u32 $0xD0, v0;
	v15 =	vor.u32 $0xE0, v0;
	v16 =	vor.u32 $0xF0, v0;
	s10 =	sshrl.u32 s3, $0x3;
	s16 =	simm.s32 $0x28;
	s22 =	simm.s32 $0x2  }
0x2b: {  	v17 =	vor.u32 $0x100, v0;
	v18 =	vor.u32 $0x110, v0;
	v19 =	vor.u32 $0x120, v0;
	s23 =	simm.s32 $0x80;
	[dreg:$0x16] =	wrdreg s5;
	s5 =	sadd.s32 s7, s12  }
0x2c: {  	v20 =	vor.u32 $0x130, v0;
	v21 =	vor.u32 $0x140, v0;
	v22 =	vor.u32 $0x150, v0;
	s17 =	sadd.s32 s6, s12;
	s29 =	sadd.s32 s20, s12;
	s3 =	sshrl.u32 s26, $0x3  }
0x2d: {  	v23 =	vor.u32 $0x160, v0;
	v24 =	vor.u32 $0x170, v0;
	v25 =	vor.u32 $0x180, v0;
	s4 =	sshrl.u32 s28, $0x3;
	s6 =	simm.s32 $0x5;
	s7 =	simm.s32 $0x3AC0  }
0x2e: {  	v26 =	vor.u32 $0x190, v0;
	v27 =	vor.u32 $0x1A0, v0;
	v28 =	vor.u32 $0x1B0, v0;
	s20 =	simm.s32 $0x76C0;
	[dreg:$0x17] =	wrdreg s5;
	s5 =	sadd.s32 s13, s12  }
0x2f: {  	v29 =	vor.u32 $0x1C0, v0;
	v30 =	vor.u32 $0x1D0, v0;
	v31 =	vor.u32 $0x1E0, v0;
	[dreg:$0x19] =	wrdreg s17;
	s13 =	simm.s32 $0x3;
	s17 =	simm.s32 $0x4EC0  }
0x30: {  	v32 =	vor.u32 $0x1F0, v0;
	v33 =	vor.u32 $0x200, v0;
	v34 =	vor.u32 $0x210, v0;
	[dreg:$0x18] =	wrdreg s5;
	s5 =	sadd.s32 s18, s12;
	s18 =	simm.s32 $0x8AC0  }
0x31: {  	v35 =	vor.u32 $0x220, v0;
	v36 =	vor.u32 $0x230, v0;
	v37 =	vor.u32 $0x240, v0;
	[dreg:$0x1a] =	wrdreg s5;
	s5 =	sadd.s32 s19, s12;
	s19 =	simm.s32 $0x62C0  }
0x32: {  	v38 =	vor.u32 $0x250, v0;
	v39 =	vor.u32 $0x260, v0;
	v40 =	vor.u32 $0x270, v0;
	[dreg:$0x1b] =	wrdreg s5;
	s5 =	sshrl.u32 @!p0 s8, $0x3;
	s8 =	simm.s32 $0x1  }
.LBB2_1:
0x33: {  	s25 =	rddreg [dreg:$0x11]  }
0x34: {  	[tilespmem:s1], [sflag:$0x3] =	stream.linear.gather [hbm4b:s25+s1], $0x13B0, $0x38;
	[tilespmem:$0x1F040] =	vst v63  }
0x35: {  	s28 =	rddreg [dreg:$0x12];
	s26 =	simm.s32 $0x13B0  }
0x36: {  	[tilespmem:s26], [sflag:$0x4] =	stream.linear.gather [hbm4b:s28+s1], $0x2710, $0x38;
	[tilespmem:$0x1F040] =	vst v63  }
0x37: {  	s25 =	simm.s32 $0x40;
	s26 =	simm.s32 $0x0  }
.LBB2_2:
0x38: {  	p2 =	sne.s32 s25, $0x9FC0;
	[tilespmem:s26+$0x8AC0] =	vst v1;
	s26 =	smov.u32 s25;
	s25 =	sadd.s32 $0x40, s25  }
.Ltmp0:
0x39: {  	(pc) =	sbr.rel @p2 .LBB2_2-.Ltmp0, $2  }
0x3a: {  	_ =	sdelay $0x2  }
0x3b: {  	s26 =	sshra.s32 s26, $0x2  }
0x3c: {  	[tilespmem:s26+$0x8AC0] =	vst v1;
	s25 =	rddreg [dreg:$0x10]  }
0x3d: {  	[spmem:s15] =	stream.linear.scatter [tilespmem:s25], [sflag:$0x5], $0x280, $0x38;
	[tilespmem:$0x1F040] =	vst v63  }
0x3e: {  	_ =	swait.ge [sflag:s6], $0x280  }
0x3f: {  	[sflag:s6] =	ssyncset.done $0x0  }
0x40: {  	s26 =	simm.s32 $0x200;
	s25 =	simm.s32 $0x0;
	[sflag:s6] =	ssyncadd.s32 $0xFFFFFD80  }
.LBB2_4:
0x41: {  	p2 =	sne.s32 s26, $0x9E00;
	[tilespmem:s25+$0x3B30] =	vst v1  }
0x42: {  	[tilespmem:s25+$0x3AC0] =	vst v1  }
0x43: {  	[tilespmem:s25+$0x3AD0] =	vst v1  }
.Ltmp1:
0x44: {  	[tilespmem:s25+$0x3AE0] =	vst v1;
	(pc) =	sbr.rel @p2 .LBB2_4-.Ltmp1, $4  }
0x45: {  	[tilespmem:s25+$0x3AF0] =	vst v1  }
0x46: {  	[tilespmem:s25+$0x3B00] =	vst v1  }
0x47: {  	[tilespmem:s25+$0x3B10] =	vst v1  }
0x48: {  	[tilespmem:s25+$0x3B20] =	vst v1;
	s25 =	sshra.s32 s26, $0x2;
	s26 =	sadd.s32 $0x200, s26  }
0x49: {  	[tilespmem:s25+$0x3B30] =	vst v1  }
0x4a: {  	[tilespmem:s25+$0x3AC0] =	vst v1  }
0x4b: {  	[tilespmem:s25+$0x3AD0] =	vst v1  }
0x4c: {  	[tilespmem:s25+$0x3AE0] =	vst v1  }
0x4d: {  	[tilespmem:s25+$0x3AF0] =	vst v1  }
0x4e: {  	[tilespmem:s25+$0x3B00] =	vst v1  }
0x4f: {  	[tilespmem:s25+$0x3B10] =	vst v1  }
0x50: {  	[tilespmem:s25+$0x3B20] =	vst v1;
	s28 =	rddreg [dreg:$0x15]  }
0x51: {  	[spmem:s28] =	stream.linear.scatter [tilespmem:s7], [sflag:$0x1], $0x2800, $0x38;
	[tilespmem:$0x1F040] =	vst v63  }
0x52: {  	s26 =	rddreg [dreg:$0x16]  }
0x53: {  	[spmem:s26] =	stream.linear.scatter [tilespmem:s7], [sflag:$0x1], $0x2800, $0x38;
	[tilespmem:$0x1F040] =	vst v63  }
0x54: {  	s28 =	rddreg [dreg:$0x17]  }
0x55: {  	[spmem:s28] =	stream.linear.scatter [tilespmem:s7], [sflag:$0x1], $0x2800, $0x38;
	[tilespmem:$0x1F040] =	vst v63  }
0x56: {  	s26 =	rddreg [dreg:$0x18]  }
0x57: {  	[spmem:s26] =	stream.linear.scatter [tilespmem:s7], [sflag:$0x1], $0x2800, $0x38;
	[tilespmem:$0x1F040] =	vst v63  }
0x58: {  	s28 =	rddreg [dreg:$0x19]  }
0x59: {  	[spmem:s28] =	stream.linear.scatter [tilespmem:s7], [sflag:$0x1], $0x2800, $0x38;
	[tilespmem:$0x1F040] =	vst v63  }
0x5a: {  	s26 =	rddreg [dreg:$0x1a]  }
0x5b: {  	[spmem:s26] =	stream.linear.scatter [tilespmem:s7], [sflag:$0x1], $0x2800, $0x38;
	[tilespmem:$0x1F040] =	vst v63  }
0x5c: {  	s28 =	rddreg [dreg:$0x1b]  }
0x5d: {  	[spmem:s28] =	stream.linear.scatter [tilespmem:s7], [sflag:$0x1], $0x2800, $0x38;
	[tilespmem:$0x1F040] =	vst v63  }
0x5e: {  	s25 =	simm.s32 @!p0 $0x3AC0  }
0x5f: {  	[spmem:s29] =	stream.linear.scatter @!p0 [tilespmem:s25], [sflag:$0x1], $0x2800, $0x38;
	[tilespmem:$0x1F040] =	vst v63  }
0x60: {  	_ =	swait.ge [sflag:s8], $0x2800  }
0x61: {  	[sflag:s8] =	ssyncset.done $0x0  }
0x62: {  	[sflag:s8] =	ssyncadd.s32 $0xFFFFD800  }
0x63: {  	_ =	swait.ge [sflag:s8], $0x2800  }
0x64: {  	[sflag:s8] =	ssyncset.done $0x0  }
0x65: {  	[sflag:s8] =	ssyncadd.s32 $0xFFFFD800  }
0x66: {  	_ =	swait.ge [sflag:s8], $0x2800  }
0x67: {  	[sflag:s8] =	ssyncset.done $0x0  }
0x68: {  	[sflag:s8] =	ssyncadd.s32 $0xFFFFD800  }
0x69: {  	_ =	swait.ge [sflag:s8], $0x2800  }
0x6a: {  	[sflag:s8] =	ssyncset.done $0x0  }
0x6b: {  	[sflag:s8] =	ssyncadd.s32 $0xFFFFD800  }
0x6c: {  	_ =	swait.ge [sflag:s8], $0x2800  }
0x6d: {  	[sflag:s8] =	ssyncset.done $0x0  }
0x6e: {  	[sflag:s8] =	ssyncadd.s32 $0xFFFFD800  }
0x6f: {  	_ =	swait.ge [sflag:s8], $0x2800  }
0x70: {  	[sflag:s8] =	ssyncset.done $0x0  }
0x71: {  	[sflag:s8] =	ssyncadd.s32 $0xFFFFD800  }
0x72: {  	_ =	swait.ge [sflag:s8], $0x2800  }
0x73: {  	[sflag:s8] =	ssyncset.done $0x0  }
0x74: {  	s25 =	simm.s32 @!p1 $0x1;
	[sflag:s8] =	ssyncadd.s32 $0xFFFFD800  }
0x75: {  	_ =	swait.ge @!p1 [sflag:s25], $0x2800  }
0x76: {  	[sflag:s25] =	ssyncset.done @!p1 $0x0  }
0x77: {  	[sflag:s25] =	ssyncadd.s32 @!p1 $0xFFFFD800  }
0x78: {  	[tilespmem:$0xB2C0] =	vst v0  }
0x79: {  	[tilespmem:$0xB2D0] =	vst v2  }
0x7a: {  	[tilespmem:$0xB2E0] =	vst v3  }
0x7b: {  	[tilespmem:$0xB2F0] =	vst v4  }
0x7c: {  	[tilespmem:$0xB300] =	vst v5  }
0x7d: {  	[tilespmem:$0xB310] =	vst v6  }
0x7e: {  	[tilespmem:$0xB320] =	vst v7  }
0x7f: {  	[tilespmem:$0xB330] =	vst v8  }
0x80: {  	[tilespmem:$0xB340] =	vst v9  }
0x81: {  	[tilespmem:$0xB350] =	vst v10  }
0x82: {  	[tilespmem:$0xB360] =	vst v11  }
0x83: {  	[tilespmem:$0xB370] =	vst v12  }
0x84: {  	[tilespmem:$0xB380] =	vst v13  }
0x85: {  	[tilespmem:$0xB390] =	vst v14  }
0x86: {  	[tilespmem:$0xB3A0] =	vst v15  }
0x87: {  	[tilespmem:$0xB3B0] =	vst v16  }
0x88: {  	[tilespmem:$0xB3C0] =	vst v17  }
0x89: {  	[tilespmem:$0xB3D0] =	vst v18  }
0x8a: {  	[tilespmem:$0xB3E0] =	vst v19  }
0x8b: {  	[tilespmem:$0xB3F0] =	vst v20  }
0x8c: {  	[tilespmem:$0xB400] =	vst v21  }
0x8d: {  	[tilespmem:$0xB410] =	vst v22  }
0x8e: {  	[tilespmem:$0xB420] =	vst v23  }
0x8f: {  	[tilespmem:$0xB430] =	vst v24  }
0x90: {  	[tilespmem:$0xB440] =	vst v25  }
0x91: {  	[tilespmem:$0xB450] =	vst v26  }
0x92: {  	[tilespmem:$0xB460] =	vst v27  }
0x93: {  	[tilespmem:$0xB470] =	vst v28  }
0x94: {  	[tilespmem:$0xB480] =	vst v29  }
0x95: {  	[tilespmem:$0xB490] =	vst v30  }
0x96: {  	[tilespmem:$0xB4A0] =	vst v31  }
0x97: {  	[tilespmem:$0xB4B0] =	vst v32  }
0x98: {  	[tilespmem:$0xB4C0] =	vst v33  }
0x99: {  	[tilespmem:$0xB4D0] =	vst v34  }
0x9a: {  	[tilespmem:$0xB4E0] =	vst v35  }
0x9b: {  	[tilespmem:$0xB4F0] =	vst v36  }
0x9c: {  	[tilespmem:$0xB500] =	vst v37  }
0x9d: {  	[tilespmem:$0xB510] =	vst v38  }
0x9e: {  	[tilespmem:$0xB520] =	vst v39  }
0x9f: {  	[tilespmem:$0xB530] =	vst v40  }
0xa0: {  	_ =	swait.ge [sflag:s13], $0x13B0  }
0xa1: {  	[sflag:s13] =	ssyncset.done $0x0  }
0xa2: {  	[sflag:s13] =	ssyncadd.s32 $0xFFFFEC50  }
0xa3: {  	_ =	swait.ge [sflag:s14], $0x2710  }
0xa4: {  	[sflag:s14] =	ssyncset.done $0x0  }
0xa5: {  	[sflag:s14] =	ssyncadd.s32 $0xFFFFD8F0  }
0xa6: {  	s25 =	simm.s32 $0x0;
	[bflag:$0x0] =	sbarrier.arrive $0xFFFF  }
0xa7: {  	[tilespmem:s7], [sflag:$0x1] =	stream.indirect.gather [hbm4b:s9+s16], $0x80, s25, s16, $0xb8;
	[tilespmem:$0x1F040] =	vst v63  }
0xa8: {  	_ = 	snop  }
0xa9: {  	[tilespmem:s17], [sflag:$0x1] =	stream.indirect.gather [hbm4b:s9+s16], $0x80, s16, s16, $0xb8;
	[tilespmem:$0x1F040] =	vst v63  }
0xaa: {  	v42 =	vld [tilespmem:$0x13B0];
	_ =	sdelay $0x7  }
0xab: {  	[tilespmem:v42+s18+$0x0] =	vst.idx.add.f32.msk $0xffff, v41  }
0xac: {  	v42 =	vld [tilespmem:$0x13C0];
	_ =	sdelay $0x7  }
0xad: {  	[tilespmem:v42+s18+$0x0] =	vst.idx.add.f32.msk $0xffff, v41  }
0xae: {  	v42 =	vld [tilespmem:$0x13D0];
	_ =	sdelay $0x7  }
0xaf: {  	[tilespmem:v42+s18+$0x0] =	vst.idx.add.f32.msk $0xffff, v41  }
0xb0: {  	v42 =	vld [tilespmem:$0x13E0];
	_ =	sdelay $0x7  }
0xb1: {  	[tilespmem:v42+s18+$0x0] =	vst.idx.add.f32.msk $0xffff, v41  }
0xb2: {  	v42 =	vld [tilespmem:$0x13F0];
	_ =	sdelay $0x7  }
0xb3: {  	[tilespmem:v42+s18+$0x0] =	vst.idx.add.f32.msk $0xffff, v41  }
.LBB2_6:
0xb4: {  	s26 =	sshra.s32 s25, $0x2  }
0xb5: {  	s28 =	sadd.s32 $0x50, s26  }
0xb6: {  	[tilespmem:s19], [sflag:$0x2] =	stream.indirect.gather [hbm4b:s9+s16], $0x80, s28, s16, $0xb8;
	[tilespmem:$0x1F040] =	vst v63  }
0xb7: {  	s28 =	sadd.s32 $0x78, s26  }
0xb8: {  	[tilespmem:s20], [sflag:$0x2] =	stream.indirect.gather [hbm4b:s9+s16], $0x80, s28, s16, $0xb8;
	[tilespmem:$0x1F040] =	vst v63  }
0xb9: {  	v42 =	vld [tilespmem:s26+$0x1400];
	_ =	sdelay $0x7  }
0xba: {  	[tilespmem:v42+s18+$0x0] =	vst.idx.add.f32.msk $0xffff, v41  }
0xbb: {  	v42 =	vld [tilespmem:s26+$0x1410];
	_ =	sdelay $0x7  }
0xbc: {  	[tilespmem:v42+s18+$0x0] =	vst.idx.add.f32.msk $0xffff, v41  }
0xbd: {  	v42 =	vld [tilespmem:s26+$0x1420];
	_ =	sdelay $0x7  }
0xbe: {  	[tilespmem:v42+s18+$0x0] =	vst.idx.add.f32.msk $0xffff, v41  }
0xbf: {  	v42 =	vld [tilespmem:s26+$0x1430];
	_ =	sdelay $0x7  }
0xc0: {  	[tilespmem:v42+s18+$0x0] =	vst.idx.add.f32.msk $0xffff, v41  }
0xc1: {  	v42 =	vld [tilespmem:s26+$0x1440];
	_ =	sdelay $0x7  }
0xc2: {  	[tilespmem:v42+s18+$0x0] =	vst.idx.add.f32.msk $0xffff, v41  }
0xc3: {  	_ =	swait.ge [sflag:s8], $0x1400  }
0xc4: {  	[sflag:s8] =	ssyncset.done $0x0  }
0xc5: {  	[sflag:s8] =	ssyncadd.s32 $0xFFFFEC00  }
0xc6: {  	_ =	swait.ge [sflag:s8], $0x1400  }
0xc7: {  	[sflag:s8] =	ssyncset.done $0x0  }
0xc8: {  	s28 =	sadd.s32 $0x13B0, s26;
	[sflag:s8] =	ssyncadd.s32 $0xFFFFEC00  }
0xc9: {  	[spmem:s12] =	stream.indirect.scatter.add.f32 [tilespmem:s7], [sflag:$0x5], $0x80, s28, s21, $0xb8;
	[tilespmem:$0x1F040] =	vst v63  }
0xca: {  	_ =	swait.ge [sflag:s6], $0x2800  }
0xcb: {  	[sflag:s6] =	ssyncset.done $0x0  }
0xcc: {  	s28 =	sadd.s32 $0xA0, s26;
	[sflag:s6] =	ssyncadd.s32 $0xFFFFD800  }
0xcd: {  	[tilespmem:s7], [sflag:$0x1] =	stream.indirect.gather [hbm4b:s9+s16], $0x80, s28, s16, $0xb8;
	[tilespmem:$0x1F040] =	vst v63  }
0xce: {  	s28 =	sadd.s32 $0xC8, s26  }
0xcf: {  	[tilespmem:s17], [sflag:$0x1] =	stream.indirect.gather [hbm4b:s9+s16], $0x80, s28, s16, $0xb8;
	[tilespmem:$0x1F040] =	vst v63  }
0xd0: {  	v63 =	vld [tilespmem:s26+$0x1450];
	_ =	sdelay $0x7  }
0xd1: {  	[tilespmem:v63+s18+$0x0] =	vst.idx.add.f32.msk $0xffff, v41  }
0xd2: {  	v42 =	vld [tilespmem:s26+$0x1460];
	_ =	sdelay $0x7  }
0xd3: {  	[tilespmem:v42+s18+$0x0] =	vst.idx.add.f32.msk $0xffff, v41  }
0xd4: {  	v42 =	vld [tilespmem:s26+$0x1470];
	_ =	sdelay $0x7  }
0xd5: {  	[tilespmem:v42+s18+$0x0] =	vst.idx.add.f32.msk $0xffff, v41  }
0xd6: {  	v42 =	vld [tilespmem:s26+$0x1480];
	_ =	sdelay $0x7  }
0xd7: {  	[tilespmem:v42+s18+$0x0] =	vst.idx.add.f32.msk $0xffff, v41  }
0xd8: {  	v42 =	vld [tilespmem:s26+$0x1490];
	_ =	sdelay $0x7  }
0xd9: {  	[tilespmem:v42+s18+$0x0] =	vst.idx.add.f32.msk $0xffff, v41  }
0xda: {  	_ =	swait.ge [sflag:s22], $0x1400  }
0xdb: {  	[sflag:s22] =	ssyncset.done $0x0  }
0xdc: {  	[sflag:s22] =	ssyncadd.s32 $0xFFFFEC00  }
0xdd: {  	_ =	swait.ge [sflag:s22], $0x1400  }
0xde: {  	p2 =	sne.s32 s25, $0x4B00;
	[sflag:s22] =	ssyncset.done $0x0  }
.Ltmp2:
0xdf: {  	s26 =	sadd.s32 $0x1400, s26;
	[sflag:s22] =	ssyncadd.s32 $0xFFFFEC00;
	(pc) =	sbr.rel @p2 .LBB2_6-.Ltmp2, $4  }
0xe0: {  	[spmem:s12] =	stream.indirect.scatter.add.f32 [tilespmem:s19], [sflag:$0x5], $0x80, s26, s21, $0xb8;
	[tilespmem:$0x1F040] =	vst v63  }
0xe1: {  	_ =	swait.ge [sflag:s6], $0x2800  }
0xe2: {  	[sflag:s6] =	ssyncset.done $0x0  }
0xe3: {  	s25 =	sadd.s32 $0x280, s25;
	[sflag:s6] =	ssyncadd.s32 $0xFFFFD800  }
0xe4: {  	_ =	swait.ge [sflag:s8], $0x1400  }
0xe5: {  	[sflag:s8] =	ssyncset.done $0x0  }
0xe6: {  	[sflag:s8] =	ssyncadd.s32 $0xFFFFEC00  }
0xe7: {  	_ =	swait.ge [sflag:s8], $0x1400  }
0xe8: {  	[sflag:s8] =	ssyncset.done $0x0  }
0xe9: {  	s25 =	simm.s32 $0x2710;
	[sflag:s8] =	ssyncadd.s32 $0xFFFFEC00  }
0xea: {  	[spmem:s12] =	stream.indirect.scatter.add.f32 [tilespmem:s7], [sflag:$0x5], $0x80, s25, s21, $0xb8;
	[tilespmem:$0x1F040] =	vst v63  }
0xeb: {  	_ =	swait.ge [sflag:s6], $0x2800  }
0xec: {  	[sflag:s6] =	ssyncset.done $0x0  }
0xed: {  	s25 =	simm.s32 $0x0;
	s26 =	rddreg [dreg:$0x13];
	[sflag:s6] =	ssyncadd.s32 $0xFFFFD800  }
0xee: {  	[tilespmem:s25], [sflag:$0x5] =	stream.linear.gather [hbm4b:s26+s25], $0x1360, $0x38;
	[tilespmem:$0x1F040] =	vst v63  }
0xef: {  	_ =	swait.ge [sflag:s6], $0x1360  }
0xf0: {  	[sflag:s6] =	ssyncset.done $0x0  }
0xf1: {  	[sflag:s6] =	ssyncadd.s32 $0xFFFFECA0  }
0xf2: {  	[tilespmem:s7], [sflag:$0x1] =	stream.indirect.gather [hbm4b:s9+s16], $0x80, s25, s16, $0xb8;
	[tilespmem:$0x1F040] =	vst v63  }
0xf3: {  	_ = 	snop  }
0xf4: {  	[tilespmem:s17], [sflag:$0x1] =	stream.indirect.gather [hbm4b:s9+s16], $0x80, s16, s16, $0xb8;
	[tilespmem:$0x1F040] =	vst v63  }
0xf5: {  	v42 =	vld [tilespmem:$0x2760];
	_ =	sdelay $0x7  }
0xf6: {  	[tilespmem:v42+s18+$0x0] =	vst.idx.add.f32.msk $0xffff, v41  }
0xf7: {  	v42 =	vld [tilespmem:$0x2770];
	_ =	sdelay $0x7  }
0xf8: {  	[tilespmem:v42+s18+$0x0] =	vst.idx.add.f32.msk $0xffff, v41  }
0xf9: {  	v42 =	vld [tilespmem:$0x2780];
	_ =	sdelay $0x7  }
0xfa: {  	[tilespmem:v42+s18+$0x0] =	vst.idx.add.f32.msk $0xffff, v41  }
0xfb: {  	v42 =	vld [tilespmem:$0x2790];
	_ =	sdelay $0x7  }
0xfc: {  	[tilespmem:v42+s18+$0x0] =	vst.idx.add.f32.msk $0xffff, v41  }
0xfd: {  	v42 =	vld [tilespmem:$0x27A0];
	_ =	sdelay $0x7  }
0xfe: {  	[tilespmem:v42+s18+$0x0] =	vst.idx.add.f32.msk $0xffff, v41  }
.LBB2_8:
0xff: {  	s26 =	sshra.s32 s25, $0x2  }
0x100: {  	s28 =	sadd.s32 $0x50, s26  }
0x101: {  	[tilespmem:s19], [sflag:$0x2] =	stream.indirect.gather [hbm4b:s9+s16], $0x80, s28, s16, $0xb8;
	[tilespmem:$0x1F040] =	vst v63  }
0x102: {  	s28 =	sadd.s32 $0x78, s26  }
0x103: {  	[tilespmem:s20], [sflag:$0x2] =	stream.indirect.gather [hbm4b:s9+s16], $0x80, s28, s16, $0xb8;
	[tilespmem:$0x1F040] =	vst v63  }
0x104: {  	v42 =	vld [tilespmem:s26+$0x27B0];
	_ =	sdelay $0x7  }
0x105: {  	[tilespmem:v42+s18+$0x0] =	vst.idx.add.f32.msk $0xffff, v41  }
0x106: {  	v42 =	vld [tilespmem:s26+$0x27C0];
	_ =	sdelay $0x7  }
0x107: {  	[tilespmem:v42+s18+$0x0] =	vst.idx.add.f32.msk $0xffff, v41  }
0x108: {  	v42 =	vld [tilespmem:s26+$0x27D0];
	_ =	sdelay $0x7  }
0x109: {  	[tilespmem:v42+s18+$0x0] =	vst.idx.add.f32.msk $0xffff, v41  }
0x10a: {  	v42 =	vld [tilespmem:s26+$0x27E0];
	_ =	sdelay $0x7  }
0x10b: {  	[tilespmem:v42+s18+$0x0] =	vst.idx.add.f32.msk $0xffff, v41  }
0x10c: {  	v42 =	vld [tilespmem:s26+$0x27F0];
	_ =	sdelay $0x7  }
0x10d: {  	[tilespmem:v42+s18+$0x0] =	vst.idx.add.f32.msk $0xffff, v41  }
0x10e: {  	_ =	swait.ge [sflag:s8], $0x1400  }
0x10f: {  	[sflag:s8] =	ssyncset.done $0x0  }
0x110: {  	[sflag:s8] =	ssyncadd.s32 $0xFFFFEC00  }
0x111: {  	_ =	swait.ge [sflag:s8], $0x1400  }
0x112: {  	[sflag:s8] =	ssyncset.done $0x0  }
0x113: {  	s28 =	sadd.s32 $0x2760, s26;
	[sflag:s8] =	ssyncadd.s32 $0xFFFFEC00  }
0x114: {  	[spmem:s12] =	stream.indirect.scatter.add.f32 [tilespmem:s7], [sflag:$0x5], $0x80, s28, s21, $0xb8;
	[tilespmem:$0x1F040] =	vst v63  }
0x115: {  	_ =	swait.ge [sflag:s6], $0x2800  }
0x116: {  	[sflag:s6] =	ssyncset.done $0x0  }
0x117: {  	s28 =	sadd.s32 $0xA0, s26;
	[sflag:s6] =	ssyncadd.s32 $0xFFFFD800  }
0x118: {  	[tilespmem:s7], [sflag:$0x1] =	stream.indirect.gather [hbm4b:s9+s16], $0x80, s28, s16, $0xb8;
	[tilespmem:$0x1F040] =	vst v63  }
0x119: {  	s28 =	sadd.s32 $0xC8, s26  }
0x11a: {  	[tilespmem:s17], [sflag:$0x1] =	stream.indirect.gather [hbm4b:s9+s16], $0x80, s28, s16, $0xb8;
	[tilespmem:$0x1F040] =	vst v63  }
0x11b: {  	v63 =	vld [tilespmem:s26+$0x2800];
	_ =	sdelay $0x7  }
0x11c: {  	[tilespmem:v63+s18+$0x0] =	vst.idx.add.f32.msk $0xffff, v41  }
0x11d: {  	v42 =	vld [tilespmem:s26+$0x2810];
	_ =	sdelay $0x7  }
0x11e: {  	[tilespmem:v42+s18+$0x0] =	vst.idx.add.f32.msk $0xffff, v41  }
0x11f: {  	v42 =	vld [tilespmem:s26+$0x2820];
	_ =	sdelay $0x7  }
0x120: {  	[tilespmem:v42+s18+$0x0] =	vst.idx.add.f32.msk $0xffff, v41  }
0x121: {  	v42 =	vld [tilespmem:s26+$0x2830];
	_ =	sdelay $0x7  }
0x122: {  	[tilespmem:v42+s18+$0x0] =	vst.idx.add.f32.msk $0xffff, v41  }
0x123: {  	v42 =	vld [tilespmem:s26+$0x2840];
	_ =	sdelay $0x7  }
0x124: {  	[tilespmem:v42+s18+$0x0] =	vst.idx.add.f32.msk $0xffff, v41  }
0x125: {  	_ =	swait.ge [sflag:s22], $0x1400  }
0x126: {  	[sflag:s22] =	ssyncset.done $0x0  }
0x127: {  	[sflag:s22] =	ssyncadd.s32 $0xFFFFEC00  }
0x128: {  	_ =	swait.ge [sflag:s22], $0x1400  }
0x129: {  	p2 =	sne.s32 s25, $0x4880;
	[sflag:s22] =	ssyncset.done $0x0  }
.Ltmp3:
0x12a: {  	s26 =	sadd.s32 $0x27B0, s26;
	[sflag:s22] =	ssyncadd.s32 $0xFFFFEC00;
	(pc) =	sbr.rel @p2 .LBB2_8-.Ltmp3, $4  }
0x12b: {  	[spmem:s12] =	stream.indirect.scatter.add.f32 [tilespmem:s19], [sflag:$0x5], $0x80, s26, s21, $0xb8;
	[tilespmem:$0x1F040] =	vst v63  }
0x12c: {  	_ =	swait.ge [sflag:s6], $0x2800  }
0x12d: {  	[sflag:s6] =	ssyncset.done $0x0  }
0x12e: {  	s25 =	sadd.s32 $0x280, s25;
	[sflag:s6] =	ssyncadd.s32 $0xFFFFD800  }
0x12f: {  	s25 =	simm.s32 $0x1310  }
0x130: {  	[tilespmem:s19], [sflag:$0x2] =	stream.indirect.gather [hbm4b:s9+s16], $0x80, s25, s16, $0xb8;
	[tilespmem:$0x1F040] =	vst v63  }
0x131: {  	s28 =	simm.s32 $0x1338  }
0x132: {  	[tilespmem:s20], [sflag:$0x2] =	stream.indirect.gather [hbm4b:s9+s16], $0x80, s28, s16, $0xb8;
	[tilespmem:$0x1F040] =	vst v63  }
0x133: {  	v42 =	vld [tilespmem:$0x3A70];
	_ =	sdelay $0x7  }
0x134: {  	[tilespmem:v42+s18+$0x0] =	vst.idx.add.f32.msk $0xffff, v41  }
0x135: {  	v42 =	vld [tilespmem:$0x3A80];
	_ =	sdelay $0x7  }
0x136: {  	[tilespmem:v42+s18+$0x0] =	vst.idx.add.f32.msk $0xffff, v41  }
0x137: {  	v42 =	vld [tilespmem:$0x3A90];
	_ =	sdelay $0x7  }
0x138: {  	[tilespmem:v42+s18+$0x0] =	vst.idx.add.f32.msk $0xffff, v41  }
0x139: {  	v42 =	vld [tilespmem:$0x3AA0];
	_ =	sdelay $0x7  }
0x13a: {  	[tilespmem:v42+s18+$0x0] =	vst.idx.add.f32.msk $0xffff, v41  }
0x13b: {  	v42 =	vld [tilespmem:$0x3AB0];
	_ =	sdelay $0x7  }
0x13c: {  	[tilespmem:v42+s18+$0x0] =	vst.idx.add.f32.msk $0xffff, v41  }
0x13d: {  	_ =	swait.ge [sflag:s8], $0x1400  }
0x13e: {  	[sflag:s8] =	ssyncset.done $0x0  }
0x13f: {  	[sflag:s8] =	ssyncadd.s32 $0xFFFFEC00  }
0x140: {  	_ =	swait.ge [sflag:s8], $0x1400  }
0x141: {  	[sflag:s8] =	ssyncset.done $0x0  }
0x142: {  	s26 =	simm.s32 $0x3A20;
	[sflag:s8] =	ssyncadd.s32 $0xFFFFEC00  }
0x143: {  	[spmem:s12] =	stream.indirect.scatter.add.f32 [tilespmem:s7], [sflag:$0x5], $0x80, s26, s21, $0xb8;
	[tilespmem:$0x1F040] =	vst v63  }
0x144: {  	_ =	swait.ge [sflag:s6], $0x2800  }
0x145: {  	[sflag:s6] =	ssyncset.done $0x0  }
0x146: {  	[sflag:s6] =	ssyncadd.s32 $0xFFFFD800  }
0x147: {  	_ =	swait.ge [sflag:s22], $0x1400  }
0x148: {  	[sflag:s22] =	ssyncset.done $0x0  }
0x149: {  	[sflag:s22] =	ssyncadd.s32 $0xFFFFEC00  }
0x14a: {  	_ =	swait.ge [sflag:s22], $0x1400  }
0x14b: {  	[sflag:s22] =	ssyncset.done $0x0  }
0x14c: {  	s28 =	simm.s32 $0x3A70;
	[sflag:s22] =	ssyncadd.s32 $0xFFFFEC00  }
0x14d: {  	[spmem:s12] =	stream.indirect.scatter.add.f32 [tilespmem:s19], [sflag:$0x5], $0x80, s28, s21, $0xb8;
	[tilespmem:$0x1F040] =	vst v63  }
0x14e: {  	_ =	swait.ge [sflag:s6], $0x2800  }
0x14f: {  	[sflag:s6] =	ssyncset.done $0x0  }
0x150: {  	[sflag:s6] =	ssyncadd.s32 $0xFFFFD800  }
0x151: {  	s26 =	simm.s32 $0xB2C0;
	[bflag:$0x0] =	sbarrier.arrive $0xFFFF  }
0x152: {  	[spmem:s11] =	stream.indirect.scatter.add.f32 [tilespmem:s18], [sflag:$0x1], $0x10, s26, s23, $0xb8;
	[tilespmem:$0x1F040] =	vst v63  }
0x153: {  	s28 =	simm.s32 $0xB340;
	s26 =	simm.s32 $0x92C0  }
0x154: {  	[spmem:s11] =	stream.indirect.scatter.add.f32 [tilespmem:s26], [sflag:$0x1], $0x10, s28, s23, $0xb8;
	[tilespmem:$0x1F040] =	vst v63  }
0x155: {  	s26 =	simm.s32 $0xB3C0;
	s28 =	simm.s32 $0x9AC0  }
0x156: {  	[spmem:s11] =	stream.indirect.scatter.add.f32 [tilespmem:s28], [sflag:$0x1], $0x10, s26, s23, $0xb8;
	[tilespmem:$0x1F040] =	vst v63  }
0x157: {  	s26 =	simm.s32 $0xB440;
	s28 =	simm.s32 $0xA2C0  }
0x158: {  	[spmem:s11] =	stream.indirect.scatter.add.f32 [tilespmem:s28], [sflag:$0x1], $0x10, s26, s23, $0xb8;
	[tilespmem:$0x1F040] =	vst v63  }
0x159: {  	s26 =	simm.s32 $0xB4C0;
	s28 =	simm.s32 $0xAAC0  }
0x15a: {  	[spmem:s11] =	stream.indirect.scatter.add.f32 [tilespmem:s28], [sflag:$0x1], $0x10, s26, s23, $0xb8;
	[tilespmem:$0x1F040] =	vst v63  }
0x15b: {  	_ =	swait.ge [sflag:s8], $0x800  }
0x15c: {  	[sflag:s8] =	ssyncset.done $0x0  }
0x15d: {  	[sflag:s8] =	ssyncadd.s32 $0xFFFFF800  }
0x15e: {  	_ =	swait.ge [sflag:s8], $0x800  }
0x15f: {  	[sflag:s8] =	ssyncset.done $0x0  }
0x160: {  	[sflag:s8] =	ssyncadd.s32 $0xFFFFF800  }
0x161: {  	_ =	swait.ge [sflag:s8], $0x800  }
0x162: {  	[sflag:s8] =	ssyncset.done $0x0  }
0x163: {  	[sflag:s8] =	ssyncadd.s32 $0xFFFFF800  }
0x164: {  	_ =	swait.ge [sflag:s8], $0x800  }
0x165: {  	[sflag:s8] =	ssyncset.done $0x0  }
0x166: {  	[sflag:s8] =	ssyncadd.s32 $0xFFFFF800  }
0x167: {  	_ =	swait.ge [sflag:s8], $0x800  }
0x168: {  	[sflag:s8] =	ssyncset.done $0x0  }
0x169: {  	s26 =	stileid.u32;
	[sflag:s8] =	ssyncadd.s32 $0xFFFFF800  }
0x16a: {  	s25 =	sshll.u32 s26, $0x6;
	[bflag:$0x0] =	sbarrier.arrive $0xFFFF  }
0x16b: {  	s25 =	sor.u32 $0x1C01, s25;
	s28 =	rddreg [dreg:$0x8]  }
0x16c: {  	[hbm:s28], [sflag:s25] =	dma.local [spmem:s30], $0x500  }
0x16d: {  	s26 =	rddreg [dreg:$0x9]  }
0x16e: {  	[hbm:s26], [sflag:s25] =	dma.local [spmem:s31], $0x500  }
0x16f: {  	s26 =	rddreg [dreg:$0xa]  }
0x170: {  	[hbm:s26], [sflag:s25] =	dma.local [spmem:s10], $0x500  }
0x171: {  	s26 =	rddreg [dreg:$0xb]  }
0x172: {  	[hbm:s26], [sflag:s25] =	dma.local [spmem:s0], $0x500  }
0x173: {  	s26 =	rddreg [dreg:$0xc]  }
0x174: {  	[hbm:s26], [sflag:s25] =	dma.local [spmem:s2], $0x500  }
0x175: {  	s26 =	rddreg [dreg:$0xd]  }
0x176: {  	[hbm:s26], [sflag:s25] =	dma.local [spmem:s3], $0x500  }
0x177: {  	s26 =	rddreg [dreg:$0xe]  }
0x178: {  	[hbm:s26], [sflag:s25] =	dma.local [spmem:s4], $0x500  }
0x179: {  	s26 =	rddreg [dreg:$0xf]  }
0x17a: {  	[hbm:s26], [sflag:s25] =	dma.local @!p0 [spmem:s5], $0x500  }
0x17b: {  	_ =	swait.ge [sflag:s8], $0x500  }
0x17c: {  	[sflag:s8] =	ssyncset.done $0x0  }
0x17d: {  	[sflag:s8] =	ssyncadd.s32 $0xFFFFFB00  }
0x17e: {  	_ =	swait.ge [sflag:s8], $0x500  }
0x17f: {  	[sflag:s8] =	ssyncset.done $0x0  }
0x180: {  	[sflag:s8] =	ssyncadd.s32 $0xFFFFFB00  }
0x181: {  	_ =	swait.ge [sflag:s8], $0x500  }
0x182: {  	[sflag:s8] =	ssyncset.done $0x0  }
0x183: {  	[sflag:s8] =	ssyncadd.s32 $0xFFFFFB00  }
0x184: {  	_ =	swait.ge [sflag:s8], $0x500  }
0x185: {  	[sflag:s8] =	ssyncset.done $0x0  }
0x186: {  	[sflag:s8] =	ssyncadd.s32 $0xFFFFFB00  }
0x187: {  	_ =	swait.ge [sflag:s8], $0x500  }
0x188: {  	[sflag:s8] =	ssyncset.done $0x0  }
0x189: {  	[sflag:s8] =	ssyncadd.s32 $0xFFFFFB00  }
0x18a: {  	_ =	swait.ge [sflag:s8], $0x500  }
0x18b: {  	[sflag:s8] =	ssyncset.done $0x0  }
0x18c: {  	[sflag:s8] =	ssyncadd.s32 $0xFFFFFB00  }
0x18d: {  	_ =	swait.ge [sflag:s8], $0x500  }
0x18e: {  	[sflag:s8] =	ssyncset.done $0x0  }
0x18f: {  	s25 =	simm.s32 @!p1 $0x1;
	[sflag:s8] =	ssyncadd.s32 $0xFFFFFB00  }
0x190: {  	_ =	swait.ge @!p1 [sflag:s25], $0x500  }
0x191: {  	[sflag:s25] =	ssyncset.done @!p1 $0x0  }
0x192: {  	[sflag:s25] =	ssyncadd.s32 @!p1 $0xFFFFFB00  }
0x193: {  	[tilespmem:s18], [sflag:$0x5] =	stream.linear.gather [spmem:s15], $0x280, $0x38;
	[tilespmem:$0x1F040] =	vst v63  }
0x194: {  	_ =	swait.ge [sflag:s6], $0x280  }
0x195: {  	[sflag:s6] =	ssyncset.done $0x0  }
0x196: {  	s26 =	rddreg [dreg:$0x7];
	[sflag:s6] =	ssyncadd.s32 $0xFFFFFD80  }
0x197: {  	[hbm4b:s26+s1] =	stream.linear.scatter [tilespmem:s18], [sflag:$0x5], $0x280, $0x38;
	[tilespmem:$0x1F040] =	vst v63  }
0x198: {  	_ =	swait.ge [sflag:s6], $0x280  }
0x199: {  	s24 =	sadd.s32 $0x1, s24;
	s28 =	rddreg [dreg:$0x14]  }
0x19a: {  	p2 =	sne.s32 s24, s28  }
.Ltmp4:
0x19b: {  	_ = 	snop;
	(pc) =	sbr.rel @p2 .LBB2_1-.Ltmp4, $3  }
0x19c: {  	_ =	sdelay $0x1  }
0x19d: {  	[sflag:s6] =	ssyncset.done $0x0  }
0x19e: {  	[sflag:s6] =	ssyncadd.s32 $0xFFFFFD80  }
0x19f: {  	_ =	sfence.sel $0x180000  }
0x1a0: {  	[bflag:$0x0] =	sbarrier.arrive $0xFFFF  }
0x1a1: {  	_ =	strace $0x90000047  }
0x1a2: {  	s0 =	stileid.u32;
	[bflag:$0x2] =	sbarrier.arrive $0xFFFF  }
0x1a3: {  	p0 =	sne.s32 s0, $0x0;
	s0 =	rddreg [dreg:$0x6]  }
0x1a4: {  	s0 =	sadd.s32 @!p0 $0x100000, s0  }
0x1a5: {  	[sflag:s0] =	ssyncadd.tile.s32 @!p0 $0x1;
	_ =	shalt  }
.Lfunc_end2:
_tile_overlayer_lowered:
.L_overlay_start_2:
0x1a6: {  	(tag) =	ssettag $0x2  }
0x1a7: {  	s0 =	rddreg [dreg:$0x0];
	s2 =	stileid.u32  }
0x1a8: {  	s1 =	rddreg [dreg:$0x1];
	p0 =	sne.s32 s2, $0x0  }
0x1a9: {  	s3 =	rddreg [dreg:$0x2];
	[bflag:$0x3] =	sbarrier.arrive $0xFFFF;
	s2 =	simm.s32 @!p0 $0x1C05  }
0x1aa: {  	[timem:s3], [sflag:s2] =	dma.local @!p0 [hbm:s0], s1  }
0x1ab: {  	s0 =	simm.s32 @!p0 $0x5  }
0x1ac: {  	_ =	swait.ge @!p0 [sflag:s0], s1  }
0x1ad: {  	s1 =	ssub.s32 @!p0 $0x0, s1;
	[sflag:s0] =	ssyncset.done @!p0 $0x0  }
0x1ae: {  	[sflag:s0] =	ssyncadd.s32 @!p0 s1  }
0x1af: {  	[bflag:$0x3] =	sbarrier.arrive $0xFFFF  }
0x1b0: {  	_ =	shalt  }

</sc_bundles>
